<compile_context>
chip_gen: v7x
topology: tpu7x:2x2x1
jax: 0.10.2.dev20260603
libtpu: 0.0.44.dev20260713+nightly
codegen_flags: <defaults>
</compile_context>

<pallas_src>
import jax
import jax.numpy as jnp
from jax import lax
from jax.experimental import pallas as pl
from jax.experimental.pallas import tpu as pltpu
from jax.experimental.pallas import tpu_sc as plsc

B_ = 4096
C_ = 1000
L_ = 50
NC_ = 2
NS_ = 16
NW_ = NC_ * NS_
BPW_ = B_ // NW_
EPW_ = BPW_ * L_
SLAB_ = C_ * L_
FROW_ = 128
ROWS_ = B_ * SLAB_ // FROW_
RPW_ = ROWS_ // NW_
CROWS_ = 80
CWORDS_ = CROWS_ * FROW_
NCH_ = RPW_ // CROWS_
NGRP_ = (L_ + 15) // 16
TPAD_ = EPW_ + 3 * L_ + 16


def _sc_onehot(tgt_hbm, out_hbm, buf0, buf1, tgt_v, shared, ssem, sem0,
               sem1):
    wid = lax.axis_index("s") * NC_ + lax.axis_index("c")
    sid = lax.axis_index("s")
    base_b = wid * BPW_
    base_e = wid * EPW_
    base_r = wid * RPW_

    def zbody(r, _):
        for g in range(FROW_ // 16):
            buf0[r, pl.ds(g * 16, 16)] = jnp.zeros((16,), jnp.int32)
            buf1[r, pl.ds(g * 16, 16)] = jnp.zeros((16,), jnp.int32)
        return 0
    lax.fori_loop(0, CROWS_, zbody, 0)

    pltpu.sync_copy(tgt_hbm.at[pl.ds(base_e, EPW_)], tgt_v.at[pl.ds(0, EPW_)])

    lanes = lax.iota(jnp.int32, 16)
    ones = jnp.ones((16,), jnp.int32)
    zeros = jnp.zeros((16,), jnp.int32)

    def scatter_chunk(buf, c, vals):
        s0 = (base_r + c * CROWS_) * FROW_
        b0 = lax.div(s0, SLAB_)
        for cand in range(3):
            bl = b0 + cand - base_b
            in_tile = bl < BPW_
            sbase = (b0 + cand) * SLAB_ - s0
            for g in range(NGRP_):
                l = g * 16 + lanes
                t = tgt_v[pl.ds(bl * L_ + g * 16, 16)]
                off = sbase + t * L_ + l
                mask = ((l < L_) & (off >= 0) & (off < CWORDS_)
                        & jnp.full((16,), in_tile))
                offc = jnp.maximum(off, 0)
                plsc.store_scatter(
                    buf, [lax.shift_right_logical(offc, 7), offc & (FROW_ - 1)],
                    vals, mask=mask)

    def fire(buf, q, sem, c):
        pltpu.make_async_copy(buf, shared.at[sid, q], ssem).start()
        pltpu.make_async_copy(buf, shared.at[sid, q], ssem).wait()
        pltpu.make_async_copy(
            shared.at[sid, q],
            out_hbm.at[pl.ds(base_r + c * CROWS_, CROWS_), :],
            sem).start()

    def wait(q, sem, c):
        pltpu.make_async_copy(
            shared.at[sid, q],
            out_hbm.at[pl.ds(base_r + c * CROWS_, CROWS_), :],
            sem).wait()

    def body(i, _):
        @pl.when(i > 0)
        def _():
            wait(0, sem0, 2 * i - 2)
            scatter_chunk(buf0, 2 * i - 2, zeros)
        scatter_chunk(buf0, 2 * i, ones)
        fire(buf0, 0, sem0, 2 * i)

        @pl.when(2 * i + 1 < NCH_)
        def _():
            @pl.when(i > 0)
            def _():
                wait(1, sem1, 2 * i - 1)
                scatter_chunk(buf1, 2 * i - 1, zeros)
            scatter_chunk(buf1, 2 * i + 1, ones)
            fire(buf1, 1, sem1, 2 * i + 1)
        return 0
    lax.fori_loop(0, (NCH_ + 1) // 2, body, 0)

    wait(0, sem0, NCH_ - 1)
    wait(1, sem1, NCH_ - 2)


@jax.jit
def kernel(target):
    tgt_flat = jnp.reshape(target, (B_ * L_,))
    out2d = pl.kernel(
        _sc_onehot,
        out_type=jax.ShapeDtypeStruct((ROWS_, FROW_), jnp.int32),
        mesh=plsc.VectorSubcoreMesh(core_axis_name="c", subcore_axis_name="s"),
        compiler_params=pltpu.CompilerParams(needs_layout_passes=False),
        scratch_types=[
            pltpu.VMEM((CROWS_, FROW_), jnp.int32),
            pltpu.VMEM((CROWS_, FROW_), jnp.int32),
            pltpu.VMEM((TPAD_,), jnp.int32),
            pltpu.VMEM_SHARED((NS_, 2, CROWS_, FROW_), jnp.int32),
            pltpu.SemaphoreType.DMA,
            pltpu.SemaphoreType.DMA,
            pltpu.SemaphoreType.DMA,
        ],
    )(tgt_flat)
    return jnp.reshape(out2d, (B_, C_, L_))

# --- scband reference (transcript-rebuilt; emitter-appended) ---
"""Pipeline reference for scband-to-one-hot-3650722201791 (READ-ONLY COPY).

The authoritative reference and input builder live on the scoring server;
editing this copy changes nothing except your own understanding.
"""

import jax, jax.numpy as jnp
import numpy as np

NUM_CLASSES = 1000

def setup_inputs(seed: int = 0) -> dict:
    key = jax.random.key(seed)
    target = jax.random.randint(key, (4096, 50), 0, NUM_CLASSES, dtype=jnp.int32)
    return {"target": target}

def reference(target):
    # F.one_hot(target, num_classes) -> int tensor [B, L, C]
    oh = (target[..., None] == jnp.arange(NUM_CLASSES, dtype=target.dtype)).astype(jnp.int32)
    # .transpose(1, -1): swap axes 1 and -1 -> [B, C, L]
    out = jnp.swapaxes(oh, 1, -1)
    # .squeeze(-1): torch squeeze is a no-op unless last dim == 1
    if out.shape[-1] == 1:
        out = jnp.squeeze(out, axis=-1)
    return out

if __name__ == "__main__":
    import jax
    _d = setup_inputs()
    print(jax.jit(kernel)(*tuple(_d.values())))

</pallas_src>

<mosaic_0001>
#map = affine_map<(d0, d1) -> (0)>
#map1 = affine_map<(d0, d1) -> (0, 0)>
module attributes {stable_mosaic.version = 14 : i64} {
  func.func @_sc_onehot(%arg0: i32, %arg1: i32, %arg2: memref<204800xi32, #tpu.memory_space<hbm>>, %arg3: memref<1600000x128xi32, #tpu.memory_space<hbm>>, %arg4: memref<80x128xi32, #tpu.memory_space<vmem>>, %arg5: memref<80x128xi32, #tpu.memory_space<vmem>>, %arg6: memref<6566xi32, #tpu.memory_space<vmem>>, %arg7: memref<16x2x80x128xi32, #tpu.memory_space<vmem_shared>>, %arg8: memref<!tpu.dma_semaphore, #tpu.memory_space<semaphore_mem>>, %arg9: memref<!tpu.dma_semaphore, #tpu.memory_space<semaphore_mem>>, %arg10: memref<!tpu.dma_semaphore, #tpu.memory_space<semaphore_mem>>) attributes {dimension_semantics = [#tpu.dimension_semantics<core_parallel>, #tpu.dimension_semantics<subcore_parallel>], iteration_bounds = array<i64: 2, 16>, scalar_prefetch = 0 : i64, scratch_operands = 7 : i64, tpu.core_type = #tpu.core_type<sc_vector_subcore>, window_params = [{transform_indices = #map}, {transform_indices = #map1}]} {
    %mul3A = arith.constant 2 : i32
    %mul3A_0 = arith.muli %arg1, %mul3A : i32
    %add3A = arith.addi %mul3A_0, %arg0 : i32
    %mul3A_1 = arith.constant 128 : i32
    %mul3A_2 = arith.muli %add3A, %mul3A_1 : i32
    %mul3A_3 = arith.constant 6400 : i32
    %mul3A_4 = arith.muli %add3A, %mul3A_3 : i32
    %mul3A_5 = arith.constant 50000 : i32
    %mul3A_6 = arith.muli %add3A, %mul3A_5 : i32
    %scan3A = arith.constant 0 : i32
    %scan3A_7 = arith.constant 0 : i32
    %scan3A_8 = arith.constant 80 : i32
    %scan3A_9 = arith.addi %scan3A_7, %scan3A_8 : i32
    %scan3A_10 = arith.constant 1 : i32
    %scan3A_11 = scf.for %scan3A_40 = %scan3A_7 to %scan3A_9 step %scan3A_10 iter_args(%scan3A_41 = %scan3A) -> (i32)  : i32 {
      %broadcast_in_dim3A_42 = arith.constant 0 : i32
      %broadcast_in_dim3A_43 = vector.broadcast %broadcast_in_dim3A_42 : i32 to vector<16xi32>
      %swap3A = arith.index_cast %scan3A_40 : i32 to index
      %swap3A_44 = arith.constant 0 : index
      %swap3A_45 = tpu.vector_load %arg4[%swap3A, %swap3A_44] {strides = array<i32>} : memref<80x128xi32, #tpu.memory_space<vmem>>, vector<16xi32>,
      tpu.vector_store %arg4[%swap3A, %swap3A_44], %broadcast_in_dim3A_43 {strides = array<i32>} : memref<80x128xi32, #tpu.memory_space<vmem>>, vector<16xi32>,
      %broadcast_in_dim3A_46 = arith.constant 0 : i32
      %broadcast_in_dim3A_47 = vector.broadcast %broadcast_in_dim3A_46 : i32 to vector<16xi32>
      %swap3A_48 = arith.index_cast %scan3A_40 : i32 to index
      %swap3A_49 = arith.constant 0 : index
      %swap3A_50 = tpu.vector_load %arg5[%swap3A_48, %swap3A_49] {strides = array<i32>} : memref<80x128xi32, #tpu.memory_space<vmem>>, vector<16xi32>,
      tpu.vector_store %arg5[%swap3A_48, %swap3A_49], %broadcast_in_dim3A_47 {strides = array<i32>} : memref<80x128xi32, #tpu.memory_space<vmem>>, vector<16xi32>,
      %broadcast_in_dim3A_51 = arith.constant 0 : i32
      %broadcast_in_dim3A_52 = vector.broadcast %broadcast_in_dim3A_51 : i32 to vector<16xi32>
      %swap3A_53 = arith.index_cast %scan3A_40 : i32 to index
      %swap3A_54 = arith.constant 16 : index
      %swap3A_55 = tpu.vector_load %arg4[%swap3A_53, %swap3A_54] {strides = array<i32>} : memref<80x128xi32, #tpu.memory_space<vmem>>, vector<16xi32>,
      tpu.vector_store %arg4[%swap3A_53, %swap3A_54], %broadcast_in_dim3A_52 {strides = array<i32>} : memref<80x128xi32, #tpu.memory_space<vmem>>, vector<16xi32>,
      %broadcast_in_dim3A_56 = arith.constant 0 : i32
      %broadcast_in_dim3A_57 = vector.broadcast %broadcast_in_dim3A_56 : i32 to vector<16xi32>
      %swap3A_58 = arith.index_cast %scan3A_40 : i32 to index
      %swap3A_59 = arith.constant 16 : index
      %swap3A_60 = tpu.vector_load %arg5[%swap3A_58, %swap3A_59] {strides = array<i32>} : memref<80x128xi32, #tpu.memory_space<vmem>>, vector<16xi32>,
      tpu.vector_store %arg5[%swap3A_58, %swap3A_59], %broadcast_in_dim3A_57 {strides = array<i32>} : memref<80x128xi32, #tpu.memory_space<vmem>>, vector<16xi32>,
      %broadcast_in_dim3A_61 = arith.constant 0 : i32
      %broadcast_in_dim3A_62 = vector.broadcast %broadcast_in_dim3A_61 : i32 to vector<16xi32>
      %swap3A_63 = arith.index_cast %scan3A_40 : i32 to index
      %swap3A_64 = arith.constant 32 : index
      %swap3A_65 = tpu.vector_load %arg4[%swap3A_63, %swap3A_64] {strides = array<i32>} : memref<80x128xi32, #tpu.memory_space<vmem>>, vector<16xi32>,
      tpu.vector_store %arg4[%swap3A_63, %swap3A_64], %broadcast_in_dim3A_62 {strides = array<i32>} : memref<80x128xi32, #tpu.memory_space<vmem>>, vector<16xi32>,
      %broadcast_in_dim3A_66 = arith.constant 0 : i32
      %broadcast_in_dim3A_67 = vector.broadcast %broadcast_in_dim3A_66 : i32 to vector<16xi32>
      %swap3A_68 = arith.index_cast %scan3A_40 : i32 to index
      %swap3A_69 = arith.constant 32 : index
      %swap3A_70 = tpu.vector_load %arg5[%swap3A_68, %swap3A_69] {strides = array<i32>} : memref<80x128xi32, #tpu.memory_space<vmem>>, vector<16xi32>,
      tpu.vector_store %arg5[%swap3A_68, %swap3A_69], %broadcast_in_dim3A_67 {strides = array<i32>} : memref<80x128xi32, #tpu.memory_space<vmem>>, vector<16xi32>,
      %broadcast_in_dim3A_71 = arith.constant 0 : i32
      %broadcast_in_dim3A_72 = vector.broadcast %broadcast_in_dim3A_71 : i32 to vector<16xi32>
      %swap3A_73 = arith.index_cast %scan3A_40 : i32 to index
      %swap3A_74 = arith.constant 48 : index
      %swap3A_75 = tpu.vector_load %arg4[%swap3A_73, %swap3A_74] {strides = array<i32>} : memref<80x128xi32, #tpu.memory_space<vmem>>, vector<16xi32>,
      tpu.vector_store %arg4[%swap3A_73, %swap3A_74], %broadcast_in_dim3A_72 {strides = array<i32>} : memref<80x128xi32, #tpu.memory_space<vmem>>, vector<16xi32>,
      %broadcast_in_dim3A_76 = arith.constant 0 : i32
      %broadcast_in_dim3A_77 = vector.broadcast %broadcast_in_dim3A_76 : i32 to vector<16xi32>
      %swap3A_78 = arith.index_cast %scan3A_40 : i32 to index
      %swap3A_79 = arith.constant 48 : index
      %swap3A_80 = tpu.vector_load %arg5[%swap3A_78, %swap3A_79] {strides = array<i32>} : memref<80x128xi32, #tpu.memory_space<vmem>>, vector<16xi32>,
      tpu.vector_store %arg5[%swap3A_78, %swap3A_79], %broadcast_in_dim3A_77 {strides = array<i32>} : memref<80x128xi32, #tpu.memory_space<vmem>>, vector<16xi32>,
      %broadcast_in_dim3A_81 = arith.constant 0 : i32
      %broadcast_in_dim3A_82 = vector.broadcast %broadcast_in_dim3A_81 : i32 to vector<16xi32>
      %swap3A_83 = arith.index_cast %scan3A_40 : i32 to index
      %swap3A_84 = arith.constant 64 : index
      %swap3A_85 = tpu.vector_load %arg4[%swap3A_83, %swap3A_84] {strides = array<i32>} : memref<80x128xi32, #tpu.memory_space<vmem>>, vector<16xi32>,
      tpu.vector_store %arg4[%swap3A_83, %swap3A_84], %broadcast_in_dim3A_82 {strides = array<i32>} : memref<80x128xi32, #tpu.memory_space<vmem>>, vector<16xi32>,
      %broadcast_in_dim3A_86 = arith.constant 0 : i32
      %broadcast_in_dim3A_87 = vector.broadcast %broadcast_in_dim3A_86 : i32 to vector<16xi32>
      %swap3A_88 = arith.index_cast %scan3A_40 : i32 to index
      %swap3A_89 = arith.constant 64 : index
      %swap3A_90 = tpu.vector_load %arg5[%swap3A_88, %swap3A_89] {strides = array<i32>} : memref<80x128xi32, #tpu.memory_space<vmem>>, vector<16xi32>,
      tpu.vector_store %arg5[%swap3A_88, %swap3A_89], %broadcast_in_dim3A_87 {strides = array<i32>} : memref<80x128xi32, #tpu.memory_space<vmem>>, vector<16xi32>,
      %broadcast_in_dim3A_91 = arith.constant 0 : i32
      %broadcast_in_dim3A_92 = vector.broadcast %broadcast_in_dim3A_91 : i32 to vector<16xi32>
      %swap3A_93 = arith.index_cast %scan3A_40 : i32 to index
      %swap3A_94 = arith.constant 80 : index
      %swap3A_95 = tpu.vector_load %arg4[%swap3A_93, %swap3A_94] {strides = array<i32>} : memref<80x128xi32, #tpu.memory_space<vmem>>, vector<16xi32>,
      tpu.vector_store %arg4[%swap3A_93, %swap3A_94], %broadcast_in_dim3A_92 {strides = array<i32>} : memref<80x128xi32, #tpu.memory_space<vmem>>, vector<16xi32>,
      %broadcast_in_dim3A_96 = arith.constant 0 : i32
      %broadcast_in_dim3A_97 = vector.broadcast %broadcast_in_dim3A_96 : i32 to vector<16xi32>
      %swap3A_98 = arith.index_cast %scan3A_40 : i32 to index
      %swap3A_99 = arith.constant 80 : index
      %swap3A_100 = tpu.vector_load %arg5[%swap3A_98, %swap3A_99] {strides = array<i32>} : memref<80x128xi32, #tpu.memory_space<vmem>>, vector<16xi32>,
      tpu.vector_store %arg5[%swap3A_98, %swap3A_99], %broadcast_in_dim3A_97 {strides = array<i32>} : memref<80x128xi32, #tpu.memory_space<vmem>>, vector<16xi32>,
      %broadcast_in_dim3A_101 = arith.constant 0 : i32
      %broadcast_in_dim3A_102 = vector.broadcast %broadcast_in_dim3A_101 : i32 to vector<16xi32>
      %swap3A_103 = arith.index_cast %scan3A_40 : i32 to index
      %swap3A_104 = arith.constant 96 : index
      %swap3A_105 = tpu.vector_load %arg4[%swap3A_103, %swap3A_104] {strides = array<i32>} : memref<80x128xi32, #tpu.memory_space<vmem>>, vector<16xi32>,
      tpu.vector_store %arg4[%swap3A_103, %swap3A_104], %broadcast_in_dim3A_102 {strides = array<i32>} : memref<80x128xi32, #tpu.memory_space<vmem>>, vector<16xi32>,
      %broadcast_in_dim3A_106 = arith.constant 0 : i32
      %broadcast_in_dim3A_107 = vector.broadcast %broadcast_in_dim3A_106 : i32 to vector<16xi32>
      %swap3A_108 = arith.index_cast %scan3A_40 : i32 to index
      %swap3A_109 = arith.constant 96 : index
      %swap3A_110 = tpu.vector_load %arg5[%swap3A_108, %swap3A_109] {strides = array<i32>} : memref<80x128xi32, #tpu.memory_space<vmem>>, vector<16xi32>,
      tpu.vector_store %arg5[%swap3A_108, %swap3A_109], %broadcast_in_dim3A_107 {strides = array<i32>} : memref<80x128xi32, #tpu.memory_space<vmem>>, vector<16xi32>,
      %broadcast_in_dim3A_111 = arith.constant 0 : i32
      %broadcast_in_dim3A_112 = vector.broadcast %broadcast_in_dim3A_111 : i32 to vector<16xi32>
      %swap3A_113 = arith.index_cast %scan3A_40 : i32 to index
      %swap3A_114 = arith.constant 112 : index
      %swap3A_115 = tpu.vector_load %arg4[%swap3A_113, %swap3A_114] {strides = array<i32>} : memref<80x128xi32, #tpu.memory_space<vmem>>, vector<16xi32>,
      tpu.vector_store %arg4[%swap3A_113, %swap3A_114], %broadcast_in_dim3A_112 {strides = array<i32>} : memref<80x128xi32, #tpu.memory_space<vmem>>, vector<16xi32>,
      %broadcast_in_dim3A_116 = arith.constant 0 : i32
      %broadcast_in_dim3A_117 = vector.broadcast %broadcast_in_dim3A_116 : i32 to vector<16xi32>
      %swap3A_118 = arith.index_cast %scan3A_40 : i32 to index
      %swap3A_119 = arith.constant 112 : index
      %swap3A_120 = tpu.vector_load %arg5[%swap3A_118, %swap3A_119] {strides = array<i32>} : memref<80x128xi32, #tpu.memory_space<vmem>>, vector<16xi32>,
      tpu.vector_store %arg5[%swap3A_118, %swap3A_119], %broadcast_in_dim3A_117 {strides = array<i32>} : memref<80x128xi32, #tpu.memory_space<vmem>>, vector<16xi32>,
      %scan3A_121 = arith.constant 0 : i32
      scf.yield %scan3A_121 : i32
    }
    %scan3A_12 = arith.constant 80 : i32
    "tpu.region"() ({
      %run_scoped3A = tpu.sem_alloc : memref<!tpu.dma_semaphore, #tpu.memory_space<semaphore_mem>>
      %dma_start3A = arith.constant 0 : i32
      %dma_start3A_40 = tpu.memref_slice %arg6[%dma_start3A] : memref<6566xi32, #tpu.memory_space<vmem>> -> memref<6400xi32, #tpu.memory_space<vmem>>
      %dma_start3A_41 = tpu.memref_slice %arg2[%mul3A_4] : memref<204800xi32, #tpu.memory_space<hbm>> -> memref<6400xi32, #tpu.memory_space<hbm>>
      %dma_start3A_42 = arith.constant 0 : i32
      %dma_start3A_43 = tpu.memref_slice %arg6[%dma_start3A_42] : memref<6566xi32, #tpu.memory_space<vmem>> -> memref<6400xi32, #tpu.memory_space<vmem>>
      %dma_start3A_44 = tpu.memref_slice %arg2[%mul3A_4] : memref<204800xi32, #tpu.memory_space<hbm>> -> memref<6400xi32, #tpu.memory_space<hbm>>
      tpu.enqueue_dma source(%dma_start3A_44 : memref<6400xi32, #tpu.memory_space<hbm>>) target(%dma_start3A_43 : memref<6400xi32, #tpu.memory_space<vmem>>) target_semaphore(%run_scoped3A : memref<!tpu.dma_semaphore, #tpu.memory_space<semaphore_mem>>)
      %dma_wait3A_45 = arith.constant 0 : i32
      %dma_wait3A_46 = tpu.memref_slice %arg6[%dma_wait3A_45] : memref<6566xi32, #tpu.memory_space<vmem>> -> memref<6400xi32, #tpu.memory_space<vmem>>
      %dma_wait3A_47 = tpu.memref_slice %arg2[%mul3A_4] : memref<204800xi32, #tpu.memory_space<hbm>> -> memref<6400xi32, #tpu.memory_space<hbm>>
      %dma_wait3A_48 = arith.constant 0 : i32
      %dma_wait3A_49 = tpu.memref_slice %arg6[%dma_wait3A_48] : memref<6566xi32, #tpu.memory_space<vmem>> -> memref<6400xi32, #tpu.memory_space<vmem>>
      %dma_wait3A_50 = tpu.memref_slice %arg2[%mul3A_4] : memref<204800xi32, #tpu.memory_space<hbm>> -> memref<6400xi32, #tpu.memory_space<hbm>>
      tpu.wait_dma2 semaphore(%run_scoped3A : memref<!tpu.dma_semaphore, #tpu.memory_space<semaphore_mem>>) src(%dma_wait3A_50 : memref<6400xi32, #tpu.memory_space<hbm>>) dst(%dma_wait3A_49 : memref<6400xi32, #tpu.memory_space<vmem>>)
      tpu.yield
    }) : () -> ()
    %iota3A = tpu.iota {dimensions = array<i32: 0>} : vector<16xi32>
    %broadcast_in_dim3A = arith.constant 1 : i32
    %broadcast_in_dim3A_13 = vector.broadcast %broadcast_in_dim3A : i32 to vector<16xi32>
    %broadcast_in_dim3A_14 = arith.constant 0 : i32
    %broadcast_in_dim3A_15 = vector.broadcast %broadcast_in_dim3A_14 : i32 to vector<16xi32>
    %scan3A_16 = arith.constant 0 : i32
    %scan3A_17 = arith.constant 0 : i32
    %scan3A_18 = arith.constant 313 : i32
    %scan3A_19 = arith.addi %scan3A_17, %scan3A_18 : i32
    %scan3A_20 = arith.constant 1 : i32
    %scan3A_21 = scf.for %scan3A_40 = %scan3A_17 to %scan3A_19 step %scan3A_20 iter_args(%scan3A_41 = %scan3A_16) -> (i32)  : i32 {
      %gt3A = arith.constant 0 : i32
      %gt3A_42 = arith.cmpi sgt, %scan3A_40, %gt3A : i32
      %convert_element_type3A = arith.extui %gt3A_42 : i1 to i32
      %cond3A = arith.constant 0 : i32
      %cond3A_43 = arith.cmpi ne, %convert_element_type3A, %cond3A : i32
      scf.if %cond3A_43 {
        %mul3A_558 = arith.constant 2 : i32
        %mul3A_559 = arith.muli %mul3A_558, %scan3A_40 : i32
        %sub3A_560 = arith.constant 2 : i32
        %sub3A_561 = arith.subi %mul3A_559, %sub3A_560 : i32
        %mul3A_562 = arith.constant 80 : i32
        %mul3A_563 = arith.muli %sub3A_561, %mul3A_562 : i32
        %add3A_564 = arith.addi %mul3A_6, %mul3A_563 : i32
        %dma_wait3A_565 = arith.constant 0 : i32
        %dma_wait3A_566 = arith.constant 0 : i32
        %dma_wait3A_567 = tpu.memref_slice %arg3[%add3A_564, %dma_wait3A_566] : memref<1600000x128xi32, #tpu.memory_space<hbm>> -> memref<80x128xi32, #tpu.memory_space<hbm>>
        %dma_wait3A_568 = arith.constant 0 : i32
        %dma_wait3A_569 = arith.constant 0 : i32
        %dma_wait3A_570 = tpu.memref_slice %arg7[%arg1, %dma_wait3A_565, %dma_wait3A_568, %dma_wait3A_569] : memref<16x2x80x128xi32, #tpu.memory_space<vmem_shared>> -> memref<1x1x80x128xi32, #tpu.memory_space<vmem_shared>>
        %dma_wait3A_571 = tpu.memref_squeeze %dma_wait3A_570 : memref<1x1x80x128xi32, #tpu.memory_space<vmem_shared>> -> memref<80x128xi32, #tpu.memory_space<vmem_shared>>
        tpu.wait_dma2 semaphore(%arg9 : memref<!tpu.dma_semaphore, #tpu.memory_space<semaphore_mem>>) src(%dma_wait3A_571 : memref<80x128xi32, #tpu.memory_space<vmem_shared>>) dst(%dma_wait3A_567 : memref<80x128xi32, #tpu.memory_space<hbm>>)
        %mul3A_572 = arith.constant 2 : i32
        %mul3A_573 = arith.muli %mul3A_572, %scan3A_40 : i32
        %sub3A_574 = arith.constant 2 : i32
        %sub3A_575 = arith.subi %mul3A_573, %sub3A_574 : i32
        %mul3A_576 = arith.constant 80 : i32
        %mul3A_577 = arith.muli %sub3A_575, %mul3A_576 : i32
        %add3A_578 = arith.addi %mul3A_6, %mul3A_577 : i32
        %mul3A_579 = arith.constant 128 : i32
        %mul3A_580 = arith.muli %add3A_578, %mul3A_579 : i32
        %div3A_581 = arith.constant 50000 : i32
        %div3A_582 = arith.divsi %mul3A_580, %div3A_581 : i32
        %add3A_583 = arith.constant 0 : i32
        %add3A_584 = arith.addi %div3A_582, %add3A_583 : i32
        %sub3A_585 = arith.subi %add3A_584, %mul3A_2 : i32
        %lt3A_586 = arith.constant 128 : i32
        %lt3A_587 = arith.cmpi slt, %sub3A_585, %lt3A_586 : i32
        %add3A_588 = arith.constant 0 : i32
        %add3A_589 = arith.addi %div3A_582, %add3A_588 : i32
        %mul3A_590 = arith.constant 50000 : i32
        %mul3A_591 = arith.muli %add3A_589, %mul3A_590 : i32
        %sub3A_592 = arith.subi %mul3A_591, %mul3A_580 : i32
        %add3A_593 = arith.constant 0 : i32
        %add3A_594 = vector.broadcast %add3A_593 : i32 to vector<16xi32>
        %add3A_595 = arith.addi %add3A_594, %iota3A : vector<16xi32>
        %mul3A_596 = arith.constant 50 : i32
        %mul3A_597 = arith.muli %sub3A_585, %mul3A_596 : i32
        %add3A_598 = arith.constant 0 : i32
        %add3A_599 = arith.addi %mul3A_597, %add3A_598 : i32
        %get3A_600 = arith.index_cast %add3A_599 : i32 to index
        %get3A_601 = tpu.vector_load %arg6[%get3A_600] {strides = array<i32>} : memref<6566xi32, #tpu.memory_space<vmem>>, vector<16xi32>,
        %mul3A_602 = arith.constant 50 : i32
        %mul3A_603 = vector.broadcast %mul3A_602 : i32 to vector<16xi32>
        %mul3A_604 = arith.muli %get3A_601, %mul3A_603 : vector<16xi32>
        %add3A_605 = vector.broadcast %sub3A_592 : i32 to vector<16xi32>
        %add3A_606 = arith.addi %add3A_605, %mul3A_604 : vector<16xi32>
        %add3A_607 = arith.addi %add3A_606, %add3A_595 : vector<16xi32>
        %lt3A_608 = arith.constant 50 : i32
        %lt3A_609 = vector.broadcast %lt3A_608 : i32 to vector<16xi32>
        %lt3A_610 = arith.cmpi slt, %add3A_595, %lt3A_609 : vector<16xi32>
        %ge3A_611 = arith.constant 0 : i32
        %ge3A_612 = vector.broadcast %ge3A_611 : i32 to vector<16xi32>
        %ge3A_613 = arith.cmpi sge, %add3A_607, %ge3A_612 : vector<16xi32>
        %and3A_614 = arith.andi %lt3A_610, %ge3A_613 : vector<16xi1>
        %lt3A_615 = arith.constant 10240 : i32
        %lt3A_616 = vector.broadcast %lt3A_615 : i32 to vector<16xi32>
        %lt3A_617 = arith.cmpi slt, %add3A_607, %lt3A_616 : vector<16xi32>
        %and3A_618 = arith.andi %and3A_614, %lt3A_617 : vector<16xi1>
        %broadcast_in_dim3A_619 = vector.broadcast %lt3A_587 : i1 to vector<16xi1>
        %and3A_620 = arith.andi %and3A_618, %broadcast_in_dim3A_619 : vector<16xi1>
        %max3A_621 = arith.constant 0 : i32
        %max3A_622 = vector.broadcast %max3A_621 : i32 to vector<16xi32>
        %max3A_623 = arith.maxsi %add3A_607, %max3A_622 : vector<16xi32>
        %shift_right_logical3A_624 = arith.constant 7 : i32
        %shift_right_logical3A_625 = vector.broadcast %shift_right_logical3A_624 : i32 to vector<16xi32>
        %shift_right_logical3A_626 = arith.shrui %max3A_623, %shift_right_logical3A_625 : vector<16xi32>
        %and3A_627 = arith.constant 127 : i32
        %and3A_628 = vector.broadcast %and3A_627 : i32 to vector<16xi32>
        %and3A_629 = arith.andi %max3A_623, %and3A_628 : vector<16xi32>
        tpu.vector_store_idx %arg4[%shift_right_logical3A_626, %and3A_629], %broadcast_in_dim3A_15 masked %and3A_620 : memref<80x128xi32, #tpu.memory_space<vmem>>[vector<16xi32>, vector<16xi32>], vector<16xi32>, vector<16xi1>
        %add3A_630 = arith.constant 16 : i32
        %add3A_631 = vector.broadcast %add3A_630 : i32 to vector<16xi32>
        %add3A_632 = arith.addi %add3A_631, %iota3A : vector<16xi32>
        %mul3A_633 = arith.constant 50 : i32
        %mul3A_634 = arith.muli %sub3A_585, %mul3A_633 : i32
        %add3A_635 = arith.constant 16 : i32
        %add3A_636 = arith.addi %mul3A_634, %add3A_635 : i32
        %get3A_637 = arith.index_cast %add3A_636 : i32 to index
        %get3A_638 = tpu.vector_load %arg6[%get3A_637] {strides = array<i32>} : memref<6566xi32, #tpu.memory_space<vmem>>, vector<16xi32>,
        %mul3A_639 = arith.constant 50 : i32
        %mul3A_640 = vector.broadcast %mul3A_639 : i32 to vector<16xi32>
        %mul3A_641 = arith.muli %get3A_638, %mul3A_640 : vector<16xi32>
        %add3A_642 = vector.broadcast %sub3A_592 : i32 to vector<16xi32>
        %add3A_643 = arith.addi %add3A_642, %mul3A_641 : vector<16xi32>
        %add3A_644 = arith.addi %add3A_643, %add3A_632 : vector<16xi32>
        %lt3A_645 = arith.constant 50 : i32
        %lt3A_646 = vector.broadcast %lt3A_645 : i32 to vector<16xi32>
        %lt3A_647 = arith.cmpi slt, %add3A_632, %lt3A_646 : vector<16xi32>
        %ge3A_648 = arith.constant 0 : i32
        %ge3A_649 = vector.broadcast %ge3A_648 : i32 to vector<16xi32>
        %ge3A_650 = arith.cmpi sge, %add3A_644, %ge3A_649 : vector<16xi32>
        %and3A_651 = arith.andi %lt3A_647, %ge3A_650 : vector<16xi1>
        %lt3A_652 = arith.constant 10240 : i32
        %lt3A_653 = vector.broadcast %lt3A_652 : i32 to vector<16xi32>
        %lt3A_654 = arith.cmpi slt, %add3A_644, %lt3A_653 : vector<16xi32>
        %and3A_655 = arith.andi %and3A_651, %lt3A_654 : vector<16xi1>
        %broadcast_in_dim3A_656 = vector.broadcast %lt3A_587 : i1 to vector<16xi1>
        %and3A_657 = arith.andi %and3A_655, %broadcast_in_dim3A_656 : vector<16xi1>
        %max3A_658 = arith.constant 0 : i32
        %max3A_659 = vector.broadcast %max3A_658 : i32 to vector<16xi32>
        %max3A_660 = arith.maxsi %add3A_644, %max3A_659 : vector<16xi32>
        %shift_right_logical3A_661 = arith.constant 7 : i32
        %shift_right_logical3A_662 = vector.broadcast %shift_right_logical3A_661 : i32 to vector<16xi32>
        %shift_right_logical3A_663 = arith.shrui %max3A_660, %shift_right_logical3A_662 : vector<16xi32>
        %and3A_664 = arith.constant 127 : i32
        %and3A_665 = vector.broadcast %and3A_664 : i32 to vector<16xi32>
        %and3A_666 = arith.andi %max3A_660, %and3A_665 : vector<16xi32>
        tpu.vector_store_idx %arg4[%shift_right_logical3A_663, %and3A_666], %broadcast_in_dim3A_15 masked %and3A_657 : memref<80x128xi32, #tpu.memory_space<vmem>>[vector<16xi32>, vector<16xi32>], vector<16xi32>, vector<16xi1>
        %add3A_667 = arith.constant 32 : i32
        %add3A_668 = vector.broadcast %add3A_667 : i32 to vector<16xi32>
        %add3A_669 = arith.addi %add3A_668, %iota3A : vector<16xi32>
        %mul3A_670 = arith.constant 50 : i32
        %mul3A_671 = arith.muli %sub3A_585, %mul3A_670 : i32
        %add3A_672 = arith.constant 32 : i32
        %add3A_673 = arith.addi %mul3A_671, %add3A_672 : i32
        %get3A_674 = arith.index_cast %add3A_673 : i32 to index
        %get3A_675 = tpu.vector_load %arg6[%get3A_674] {strides = array<i32>} : memref<6566xi32, #tpu.memory_space<vmem>>, vector<16xi32>,
        %mul3A_676 = arith.constant 50 : i32
        %mul3A_677 = vector.broadcast %mul3A_676 : i32 to vector<16xi32>
        %mul3A_678 = arith.muli %get3A_675, %mul3A_677 : vector<16xi32>
        %add3A_679 = vector.broadcast %sub3A_592 : i32 to vector<16xi32>
        %add3A_680 = arith.addi %add3A_679, %mul3A_678 : vector<16xi32>
        %add3A_681 = arith.addi %add3A_680, %add3A_669 : vector<16xi32>
        %lt3A_682 = arith.constant 50 : i32
        %lt3A_683 = vector.broadcast %lt3A_682 : i32 to vector<16xi32>
        %lt3A_684 = arith.cmpi slt, %add3A_669, %lt3A_683 : vector<16xi32>
        %ge3A_685 = arith.constant 0 : i32
        %ge3A_686 = vector.broadcast %ge3A_685 : i32 to vector<16xi32>
        %ge3A_687 = arith.cmpi sge, %add3A_681, %ge3A_686 : vector<16xi32>
        %and3A_688 = arith.andi %lt3A_684, %ge3A_687 : vector<16xi1>
        %lt3A_689 = arith.constant 10240 : i32
        %lt3A_690 = vector.broadcast %lt3A_689 : i32 to vector<16xi32>
        %lt3A_691 = arith.cmpi slt, %add3A_681, %lt3A_690 : vector<16xi32>
        %and3A_692 = arith.andi %and3A_688, %lt3A_691 : vector<16xi1>
        %broadcast_in_dim3A_693 = vector.broadcast %lt3A_587 : i1 to vector<16xi1>
        %and3A_694 = arith.andi %and3A_692, %broadcast_in_dim3A_693 : vector<16xi1>
        %max3A_695 = arith.constant 0 : i32
        %max3A_696 = vector.broadcast %max3A_695 : i32 to vector<16xi32>
        %max3A_697 = arith.maxsi %add3A_681, %max3A_696 : vector<16xi32>
        %shift_right_logical3A_698 = arith.constant 7 : i32
        %shift_right_logical3A_699 = vector.broadcast %shift_right_logical3A_698 : i32 to vector<16xi32>
        %shift_right_logical3A_700 = arith.shrui %max3A_697, %shift_right_logical3A_699 : vector<16xi32>
        %and3A_701 = arith.constant 127 : i32
        %and3A_702 = vector.broadcast %and3A_701 : i32 to vector<16xi32>
        %and3A_703 = arith.andi %max3A_697, %and3A_702 : vector<16xi32>
        tpu.vector_store_idx %arg4[%shift_right_logical3A_700, %and3A_703], %broadcast_in_dim3A_15 masked %and3A_694 : memref<80x128xi32, #tpu.memory_space<vmem>>[vector<16xi32>, vector<16xi32>], vector<16xi32>, vector<16xi1>
        %add3A_704 = arith.constant 48 : i32
        %add3A_705 = vector.broadcast %add3A_704 : i32 to vector<16xi32>
        %add3A_706 = arith.addi %add3A_705, %iota3A : vector<16xi32>
        %mul3A_707 = arith.constant 50 : i32
        %mul3A_708 = arith.muli %sub3A_585, %mul3A_707 : i32
        %add3A_709 = arith.constant 48 : i32
        %add3A_710 = arith.addi %mul3A_708, %add3A_709 : i32
        %get3A_711 = arith.index_cast %add3A_710 : i32 to index
        %get3A_712 = tpu.vector_load %arg6[%get3A_711] {strides = array<i32>} : memref<6566xi32, #tpu.memory_space<vmem>>, vector<16xi32>,
        %mul3A_713 = arith.constant 50 : i32
        %mul3A_714 = vector.broadcast %mul3A_713 : i32 to vector<16xi32>
        %mul3A_715 = arith.muli %get3A_712, %mul3A_714 : vector<16xi32>
        %add3A_716 = vector.broadcast %sub3A_592 : i32 to vector<16xi32>
        %add3A_717 = arith.addi %add3A_716, %mul3A_715 : vector<16xi32>
        %add3A_718 = arith.addi %add3A_717, %add3A_706 : vector<16xi32>
        %lt3A_719 = arith.constant 50 : i32
        %lt3A_720 = vector.broadcast %lt3A_719 : i32 to vector<16xi32>
        %lt3A_721 = arith.cmpi slt, %add3A_706, %lt3A_720 : vector<16xi32>
        %ge3A_722 = arith.constant 0 : i32
        %ge3A_723 = vector.broadcast %ge3A_722 : i32 to vector<16xi32>
        %ge3A_724 = arith.cmpi sge, %add3A_718, %ge3A_723 : vector<16xi32>
        %and3A_725 = arith.andi %lt3A_721, %ge3A_724 : vector<16xi1>
        %lt3A_726 = arith.constant 10240 : i32
        %lt3A_727 = vector.broadcast %lt3A_726 : i32 to vector<16xi32>
        %lt3A_728 = arith.cmpi slt, %add3A_718, %lt3A_727 : vector<16xi32>
        %and3A_729 = arith.andi %and3A_725, %lt3A_728 : vector<16xi1>
        %broadcast_in_dim3A_730 = vector.broadcast %lt3A_587 : i1 to vector<16xi1>
        %and3A_731 = arith.andi %and3A_729, %broadcast_in_dim3A_730 : vector<16xi1>
        %max3A_732 = arith.constant 0 : i32
        %max3A_733 = vector.broadcast %max3A_732 : i32 to vector<16xi32>
        %max3A_734 = arith.maxsi %add3A_718, %max3A_733 : vector<16xi32>
        %shift_right_logical3A_735 = arith.constant 7 : i32
        %shift_right_logical3A_736 = vector.broadcast %shift_right_logical3A_735 : i32 to vector<16xi32>
        %shift_right_logical3A_737 = arith.shrui %max3A_734, %shift_right_logical3A_736 : vector<16xi32>
        %and3A_738 = arith.constant 127 : i32
        %and3A_739 = vector.broadcast %and3A_738 : i32 to vector<16xi32>
        %and3A_740 = arith.andi %max3A_734, %and3A_739 : vector<16xi32>
        tpu.vector_store_idx %arg4[%shift_right_logical3A_737, %and3A_740], %broadcast_in_dim3A_15 masked %and3A_731 : memref<80x128xi32, #tpu.memory_space<vmem>>[vector<16xi32>, vector<16xi32>], vector<16xi32>, vector<16xi1>
        %add3A_741 = arith.constant 1 : i32
        %add3A_742 = arith.addi %div3A_582, %add3A_741 : i32
        %sub3A_743 = arith.subi %add3A_742, %mul3A_2 : i32
        %lt3A_744 = arith.constant 128 : i32
        %lt3A_745 = arith.cmpi slt, %sub3A_743, %lt3A_744 : i32
        %add3A_746 = arith.constant 1 : i32
        %add3A_747 = arith.addi %div3A_582, %add3A_746 : i32
        %mul3A_748 = arith.constant 50000 : i32
        %mul3A_749 = arith.muli %add3A_747, %mul3A_748 : i32
        %sub3A_750 = arith.subi %mul3A_749, %mul3A_580 : i32
        %add3A_751 = arith.constant 0 : i32
        %add3A_752 = vector.broadcast %add3A_751 : i32 to vector<16xi32>
        %add3A_753 = arith.addi %add3A_752, %iota3A : vector<16xi32>
        %mul3A_754 = arith.constant 50 : i32
        %mul3A_755 = arith.muli %sub3A_743, %mul3A_754 : i32
        %add3A_756 = arith.constant 0 : i32
        %add3A_757 = arith.addi %mul3A_755, %add3A_756 : i32
        %get3A_758 = arith.index_cast %add3A_757 : i32 to index
        %get3A_759 = tpu.vector_load %arg6[%get3A_758] {strides = array<i32>} : memref<6566xi32, #tpu.memory_space<vmem>>, vector<16xi32>,
        %mul3A_760 = arith.constant 50 : i32
        %mul3A_761 = vector.broadcast %mul3A_760 : i32 to vector<16xi32>
        %mul3A_762 = arith.muli %get3A_759, %mul3A_761 : vector<16xi32>
        %add3A_763 = vector.broadcast %sub3A_750 : i32 to vector<16xi32>
        %add3A_764 = arith.addi %add3A_763, %mul3A_762 : vector<16xi32>
        %add3A_765 = arith.addi %add3A_764, %add3A_753 : vector<16xi32>
        %lt3A_766 = arith.constant 50 : i32
        %lt3A_767 = vector.broadcast %lt3A_766 : i32 to vector<16xi32>
        %lt3A_768 = arith.cmpi slt, %add3A_753, %lt3A_767 : vector<16xi32>
        %ge3A_769 = arith.constant 0 : i32
        %ge3A_770 = vector.broadcast %ge3A_769 : i32 to vector<16xi32>
        %ge3A_771 = arith.cmpi sge, %add3A_765, %ge3A_770 : vector<16xi32>
        %and3A_772 = arith.andi %lt3A_768, %ge3A_771 : vector<16xi1>
        %lt3A_773 = arith.constant 10240 : i32
        %lt3A_774 = vector.broadcast %lt3A_773 : i32 to vector<16xi32>
        %lt3A_775 = arith.cmpi slt, %add3A_765, %lt3A_774 : vector<16xi32>
        %and3A_776 = arith.andi %and3A_772, %lt3A_775 : vector<16xi1>
        %broadcast_in_dim3A_777 = vector.broadcast %lt3A_745 : i1 to vector<16xi1>
        %and3A_778 = arith.andi %and3A_776, %broadcast_in_dim3A_777 : vector<16xi1>
        %max3A_779 = arith.constant 0 : i32
        %max3A_780 = vector.broadcast %max3A_779 : i32 to vector<16xi32>
        %max3A_781 = arith.maxsi %add3A_765, %max3A_780 : vector<16xi32>
        %shift_right_logical3A_782 = arith.constant 7 : i32
        %shift_right_logical3A_783 = vector.broadcast %shift_right_logical3A_782 : i32 to vector<16xi32>
        %shift_right_logical3A_784 = arith.shrui %max3A_781, %shift_right_logical3A_783 : vector<16xi32>
        %and3A_785 = arith.constant 127 : i32
        %and3A_786 = vector.broadcast %and3A_785 : i32 to vector<16xi32>
        %and3A_787 = arith.andi %max3A_781, %and3A_786 : vector<16xi32>
        tpu.vector_store_idx %arg4[%shift_right_logical3A_784, %and3A_787], %broadcast_in_dim3A_15 masked %and3A_778 : memref<80x128xi32, #tpu.memory_space<vmem>>[vector<16xi32>, vector<16xi32>], vector<16xi32>, vector<16xi1>
        %add3A_788 = arith.constant 16 : i32
        %add3A_789 = vector.broadcast %add3A_788 : i32 to vector<16xi32>
        %add3A_790 = arith.addi %add3A_789, %iota3A : vector<16xi32>
        %mul3A_791 = arith.constant 50 : i32
        %mul3A_792 = arith.muli %sub3A_743, %mul3A_791 : i32
        %add3A_793 = arith.constant 16 : i32
        %add3A_794 = arith.addi %mul3A_792, %add3A_793 : i32
        %get3A_795 = arith.index_cast %add3A_794 : i32 to index
        %get3A_796 = tpu.vector_load %arg6[%get3A_795] {strides = array<i32>} : memref<6566xi32, #tpu.memory_space<vmem>>, vector<16xi32>,
        %mul3A_797 = arith.constant 50 : i32
        %mul3A_798 = vector.broadcast %mul3A_797 : i32 to vector<16xi32>
        %mul3A_799 = arith.muli %get3A_796, %mul3A_798 : vector<16xi32>
        %add3A_800 = vector.broadcast %sub3A_750 : i32 to vector<16xi32>
        %add3A_801 = arith.addi %add3A_800, %mul3A_799 : vector<16xi32>
        %add3A_802 = arith.addi %add3A_801, %add3A_790 : vector<16xi32>
        %lt3A_803 = arith.constant 50 : i32
        %lt3A_804 = vector.broadcast %lt3A_803 : i32 to vector<16xi32>
        %lt3A_805 = arith.cmpi slt, %add3A_790, %lt3A_804 : vector<16xi32>
        %ge3A_806 = arith.constant 0 : i32
        %ge3A_807 = vector.broadcast %ge3A_806 : i32 to vector<16xi32>
        %ge3A_808 = arith.cmpi sge, %add3A_802, %ge3A_807 : vector<16xi32>
        %and3A_809 = arith.andi %lt3A_805, %ge3A_808 : vector<16xi1>
        %lt3A_810 = arith.constant 10240 : i32
        %lt3A_811 = vector.broadcast %lt3A_810 : i32 to vector<16xi32>
        %lt3A_812 = arith.cmpi slt, %add3A_802, %lt3A_811 : vector<16xi32>
        %and3A_813 = arith.andi %and3A_809, %lt3A_812 : vector<16xi1>
        %broadcast_in_dim3A_814 = vector.broadcast %lt3A_745 : i1 to vector<16xi1>
        %and3A_815 = arith.andi %and3A_813, %broadcast_in_dim3A_814 : vector<16xi1>
        %max3A_816 = arith.constant 0 : i32
        %max3A_817 = vector.broadcast %max3A_816 : i32 to vector<16xi32>
        %max3A_818 = arith.maxsi %add3A_802, %max3A_817 : vector<16xi32>
        %shift_right_logical3A_819 = arith.constant 7 : i32
        %shift_right_logical3A_820 = vector.broadcast %shift_right_logical3A_819 : i32 to vector<16xi32>
        %shift_right_logical3A_821 = arith.shrui %max3A_818, %shift_right_logical3A_820 : vector<16xi32>
        %and3A_822 = arith.constant 127 : i32
        %and3A_823 = vector.broadcast %and3A_822 : i32 to vector<16xi32>
        %and3A_824 = arith.andi %max3A_818, %and3A_823 : vector<16xi32>
        tpu.vector_store_idx %arg4[%shift_right_logical3A_821, %and3A_824], %broadcast_in_dim3A_15 masked %and3A_815 : memref<80x128xi32, #tpu.memory_space<vmem>>[vector<16xi32>, vector<16xi32>], vector<16xi32>, vector<16xi1>
        %add3A_825 = arith.constant 32 : i32
        %add3A_826 = vector.broadcast %add3A_825 : i32 to vector<16xi32>
        %add3A_827 = arith.addi %add3A_826, %iota3A : vector<16xi32>
        %mul3A_828 = arith.constant 50 : i32
        %mul3A_829 = arith.muli %sub3A_743, %mul3A_828 : i32
        %add3A_830 = arith.constant 32 : i32
        %add3A_831 = arith.addi %mul3A_829, %add3A_830 : i32
        %get3A_832 = arith.index_cast %add3A_831 : i32 to index
        %get3A_833 = tpu.vector_load %arg6[%get3A_832] {strides = array<i32>} : memref<6566xi32, #tpu.memory_space<vmem>>, vector<16xi32>,
        %mul3A_834 = arith.constant 50 : i32
        %mul3A_835 = vector.broadcast %mul3A_834 : i32 to vector<16xi32>
        %mul3A_836 = arith.muli %get3A_833, %mul3A_835 : vector<16xi32>
        %add3A_837 = vector.broadcast %sub3A_750 : i32 to vector<16xi32>
        %add3A_838 = arith.addi %add3A_837, %mul3A_836 : vector<16xi32>
        %add3A_839 = arith.addi %add3A_838, %add3A_827 : vector<16xi32>
        %lt3A_840 = arith.constant 50 : i32
        %lt3A_841 = vector.broadcast %lt3A_840 : i32 to vector<16xi32>
        %lt3A_842 = arith.cmpi slt, %add3A_827, %lt3A_841 : vector<16xi32>
        %ge3A_843 = arith.constant 0 : i32
        %ge3A_844 = vector.broadcast %ge3A_843 : i32 to vector<16xi32>
        %ge3A_845 = arith.cmpi sge, %add3A_839, %ge3A_844 : vector<16xi32>
        %and3A_846 = arith.andi %lt3A_842, %ge3A_845 : vector<16xi1>
        %lt3A_847 = arith.constant 10240 : i32
        %lt3A_848 = vector.broadcast %lt3A_847 : i32 to vector<16xi32>
        %lt3A_849 = arith.cmpi slt, %add3A_839, %lt3A_848 : vector<16xi32>
        %and3A_850 = arith.andi %and3A_846, %lt3A_849 : vector<16xi1>
        %broadcast_in_dim3A_851 = vector.broadcast %lt3A_745 : i1 to vector<16xi1>
        %and3A_852 = arith.andi %and3A_850, %broadcast_in_dim3A_851 : vector<16xi1>
        %max3A_853 = arith.constant 0 : i32
        %max3A_854 = vector.broadcast %max3A_853 : i32 to vector<16xi32>
        %max3A_855 = arith.maxsi %add3A_839, %max3A_854 : vector<16xi32>
        %shift_right_logical3A_856 = arith.constant 7 : i32
        %shift_right_logical3A_857 = vector.broadcast %shift_right_logical3A_856 : i32 to vector<16xi32>
        %shift_right_logical3A_858 = arith.shrui %max3A_855, %shift_right_logical3A_857 : vector<16xi32>
        %and3A_859 = arith.constant 127 : i32
        %and3A_860 = vector.broadcast %and3A_859 : i32 to vector<16xi32>
        %and3A_861 = arith.andi %max3A_855, %and3A_860 : vector<16xi32>
        tpu.vector_store_idx %arg4[%shift_right_logical3A_858, %and3A_861], %broadcast_in_dim3A_15 masked %and3A_852 : memref<80x128xi32, #tpu.memory_space<vmem>>[vector<16xi32>, vector<16xi32>], vector<16xi32>, vector<16xi1>
        %add3A_862 = arith.constant 48 : i32
        %add3A_863 = vector.broadcast %add3A_862 : i32 to vector<16xi32>
        %add3A_864 = arith.addi %add3A_863, %iota3A : vector<16xi32>
        %mul3A_865 = arith.constant 50 : i32
        %mul3A_866 = arith.muli %sub3A_743, %mul3A_865 : i32
        %add3A_867 = arith.constant 48 : i32
        %add3A_868 = arith.addi %mul3A_866, %add3A_867 : i32
        %get3A_869 = arith.index_cast %add3A_868 : i32 to index
        %get3A_870 = tpu.vector_load %arg6[%get3A_869] {strides = array<i32>} : memref<6566xi32, #tpu.memory_space<vmem>>, vector<16xi32>,
        %mul3A_871 = arith.constant 50 : i32
        %mul3A_872 = vector.broadcast %mul3A_871 : i32 to vector<16xi32>
        %mul3A_873 = arith.muli %get3A_870, %mul3A_872 : vector<16xi32>
        %add3A_874 = vector.broadcast %sub3A_750 : i32 to vector<16xi32>
        %add3A_875 = arith.addi %add3A_874, %mul3A_873 : vector<16xi32>
        %add3A_876 = arith.addi %add3A_875, %add3A_864 : vector<16xi32>
        %lt3A_877 = arith.constant 50 : i32
        %lt3A_878 = vector.broadcast %lt3A_877 : i32 to vector<16xi32>
        %lt3A_879 = arith.cmpi slt, %add3A_864, %lt3A_878 : vector<16xi32>
        %ge3A_880 = arith.constant 0 : i32
        %ge3A_881 = vector.broadcast %ge3A_880 : i32 to vector<16xi32>
        %ge3A_882 = arith.cmpi sge, %add3A_876, %ge3A_881 : vector<16xi32>
        %and3A_883 = arith.andi %lt3A_879, %ge3A_882 : vector<16xi1>
        %lt3A_884 = arith.constant 10240 : i32
        %lt3A_885 = vector.broadcast %lt3A_884 : i32 to vector<16xi32>
        %lt3A_886 = arith.cmpi slt, %add3A_876, %lt3A_885 : vector<16xi32>
        %and3A_887 = arith.andi %and3A_883, %lt3A_886 : vector<16xi1>
        %broadcast_in_dim3A_888 = vector.broadcast %lt3A_745 : i1 to vector<16xi1>
        %and3A_889 = arith.andi %and3A_887, %broadcast_in_dim3A_888 : vector<16xi1>
        %max3A_890 = arith.constant 0 : i32
        %max3A_891 = vector.broadcast %max3A_890 : i32 to vector<16xi32>
        %max3A_892 = arith.maxsi %add3A_876, %max3A_891 : vector<16xi32>
        %shift_right_logical3A_893 = arith.constant 7 : i32
        %shift_right_logical3A_894 = vector.broadcast %shift_right_logical3A_893 : i32 to vector<16xi32>
        %shift_right_logical3A_895 = arith.shrui %max3A_892, %shift_right_logical3A_894 : vector<16xi32>
        %and3A_896 = arith.constant 127 : i32
        %and3A_897 = vector.broadcast %and3A_896 : i32 to vector<16xi32>
        %and3A_898 = arith.andi %max3A_892, %and3A_897 : vector<16xi32>
        tpu.vector_store_idx %arg4[%shift_right_logical3A_895, %and3A_898], %broadcast_in_dim3A_15 masked %and3A_889 : memref<80x128xi32, #tpu.memory_space<vmem>>[vector<16xi32>, vector<16xi32>], vector<16xi32>, vector<16xi1>
        %add3A_899 = arith.constant 2 : i32
        %add3A_900 = arith.addi %div3A_582, %add3A_899 : i32
        %sub3A_901 = arith.subi %add3A_900, %mul3A_2 : i32
        %lt3A_902 = arith.constant 128 : i32
        %lt3A_903 = arith.cmpi slt, %sub3A_901, %lt3A_902 : i32
        %add3A_904 = arith.constant 2 : i32
        %add3A_905 = arith.addi %div3A_582, %add3A_904 : i32
        %mul3A_906 = arith.constant 50000 : i32
        %mul3A_907 = arith.muli %add3A_905, %mul3A_906 : i32
        %sub3A_908 = arith.subi %mul3A_907, %mul3A_580 : i32
        %add3A_909 = arith.constant 0 : i32
        %add3A_910 = vector.broadcast %add3A_909 : i32 to vector<16xi32>
        %add3A_911 = arith.addi %add3A_910, %iota3A : vector<16xi32>
        %mul3A_912 = arith.constant 50 : i32
        %mul3A_913 = arith.muli %sub3A_901, %mul3A_912 : i32
        %add3A_914 = arith.constant 0 : i32
        %add3A_915 = arith.addi %mul3A_913, %add3A_914 : i32
        %get3A_916 = arith.index_cast %add3A_915 : i32 to index
        %get3A_917 = tpu.vector_load %arg6[%get3A_916] {strides = array<i32>} : memref<6566xi32, #tpu.memory_space<vmem>>, vector<16xi32>,
        %mul3A_918 = arith.constant 50 : i32
        %mul3A_919 = vector.broadcast %mul3A_918 : i32 to vector<16xi32>
        %mul3A_920 = arith.muli %get3A_917, %mul3A_919 : vector<16xi32>
        %add3A_921 = vector.broadcast %sub3A_908 : i32 to vector<16xi32>
        %add3A_922 = arith.addi %add3A_921, %mul3A_920 : vector<16xi32>
        %add3A_923 = arith.addi %add3A_922, %add3A_911 : vector<16xi32>
        %lt3A_924 = arith.constant 50 : i32
        %lt3A_925 = vector.broadcast %lt3A_924 : i32 to vector<16xi32>
        %lt3A_926 = arith.cmpi slt, %add3A_911, %lt3A_925 : vector<16xi32>
        %ge3A_927 = arith.constant 0 : i32
        %ge3A_928 = vector.broadcast %ge3A_927 : i32 to vector<16xi32>
        %ge3A_929 = arith.cmpi sge, %add3A_923, %ge3A_928 : vector<16xi32>
        %and3A_930 = arith.andi %lt3A_926, %ge3A_929 : vector<16xi1>
        %lt3A_931 = arith.constant 10240 : i32
        %lt3A_932 = vector.broadcast %lt3A_931 : i32 to vector<16xi32>
        %lt3A_933 = arith.cmpi slt, %add3A_923, %lt3A_932 : vector<16xi32>
        %and3A_934 = arith.andi %and3A_930, %lt3A_933 : vector<16xi1>
        %broadcast_in_dim3A_935 = vector.broadcast %lt3A_903 : i1 to vector<16xi1>
        %and3A_936 = arith.andi %and3A_934, %broadcast_in_dim3A_935 : vector<16xi1>
        %max3A_937 = arith.constant 0 : i32
        %max3A_938 = vector.broadcast %max3A_937 : i32 to vector<16xi32>
        %max3A_939 = arith.maxsi %add3A_923, %max3A_938 : vector<16xi32>
        %shift_right_logical3A_940 = arith.constant 7 : i32
        %shift_right_logical3A_941 = vector.broadcast %shift_right_logical3A_940 : i32 to vector<16xi32>
        %shift_right_logical3A_942 = arith.shrui %max3A_939, %shift_right_logical3A_941 : vector<16xi32>
        %and3A_943 = arith.constant 127 : i32
        %and3A_944 = vector.broadcast %and3A_943 : i32 to vector<16xi32>
        %and3A_945 = arith.andi %max3A_939, %and3A_944 : vector<16xi32>
        tpu.vector_store_idx %arg4[%shift_right_logical3A_942, %and3A_945], %broadcast_in_dim3A_15 masked %and3A_936 : memref<80x128xi32, #tpu.memory_space<vmem>>[vector<16xi32>, vector<16xi32>], vector<16xi32>, vector<16xi1>
        %add3A_946 = arith.constant 16 : i32
        %add3A_947 = vector.broadcast %add3A_946 : i32 to vector<16xi32>
        %add3A_948 = arith.addi %add3A_947, %iota3A : vector<16xi32>
        %mul3A_949 = arith.constant 50 : i32
        %mul3A_950 = arith.muli %sub3A_901, %mul3A_949 : i32
        %add3A_951 = arith.constant 16 : i32
        %add3A_952 = arith.addi %mul3A_950, %add3A_951 : i32
        %get3A_953 = arith.index_cast %add3A_952 : i32 to index
        %get3A_954 = tpu.vector_load %arg6[%get3A_953] {strides = array<i32>} : memref<6566xi32, #tpu.memory_space<vmem>>, vector<16xi32>,
        %mul3A_955 = arith.constant 50 : i32
        %mul3A_956 = vector.broadcast %mul3A_955 : i32 to vector<16xi32>
        %mul3A_957 = arith.muli %get3A_954, %mul3A_956 : vector<16xi32>
        %add3A_958 = vector.broadcast %sub3A_908 : i32 to vector<16xi32>
        %add3A_959 = arith.addi %add3A_958, %mul3A_957 : vector<16xi32>
        %add3A_960 = arith.addi %add3A_959, %add3A_948 : vector<16xi32>
        %lt3A_961 = arith.constant 50 : i32
        %lt3A_962 = vector.broadcast %lt3A_961 : i32 to vector<16xi32>
        %lt3A_963 = arith.cmpi slt, %add3A_948, %lt3A_962 : vector<16xi32>
        %ge3A_964 = arith.constant 0 : i32
        %ge3A_965 = vector.broadcast %ge3A_964 : i32 to vector<16xi32>
        %ge3A_966 = arith.cmpi sge, %add3A_960, %ge3A_965 : vector<16xi32>
        %and3A_967 = arith.andi %lt3A_963, %ge3A_966 : vector<16xi1>
        %lt3A_968 = arith.constant 10240 : i32
        %lt3A_969 = vector.broadcast %lt3A_968 : i32 to vector<16xi32>
        %lt3A_970 = arith.cmpi slt, %add3A_960, %lt3A_969 : vector<16xi32>
        %and3A_971 = arith.andi %and3A_967, %lt3A_970 : vector<16xi1>
        %broadcast_in_dim3A_972 = vector.broadcast %lt3A_903 : i1 to vector<16xi1>
        %and3A_973 = arith.andi %and3A_971, %broadcast_in_dim3A_972 : vector<16xi1>
        %max3A_974 = arith.constant 0 : i32
        %max3A_975 = vector.broadcast %max3A_974 : i32 to vector<16xi32>
        %max3A_976 = arith.maxsi %add3A_960, %max3A_975 : vector<16xi32>
        %shift_right_logical3A_977 = arith.constant 7 : i32
        %shift_right_logical3A_978 = vector.broadcast %shift_right_logical3A_977 : i32 to vector<16xi32>
        %shift_right_logical3A_979 = arith.shrui %max3A_976, %shift_right_logical3A_978 : vector<16xi32>
        %and3A_980 = arith.constant 127 : i32
        %and3A_981 = vector.broadcast %and3A_980 : i32 to vector<16xi32>
        %and3A_982 = arith.andi %max3A_976, %and3A_981 : vector<16xi32>
        tpu.vector_store_idx %arg4[%shift_right_logical3A_979, %and3A_982], %broadcast_in_dim3A_15 masked %and3A_973 : memref<80x128xi32, #tpu.memory_space<vmem>>[vector<16xi32>, vector<16xi32>], vector<16xi32>, vector<16xi1>
        %add3A_983 = arith.constant 32 : i32
        %add3A_984 = vector.broadcast %add3A_983 : i32 to vector<16xi32>
        %add3A_985 = arith.addi %add3A_984, %iota3A : vector<16xi32>
        %mul3A_986 = arith.constant 50 : i32
        %mul3A_987 = arith.muli %sub3A_901, %mul3A_986 : i32
        %add3A_988 = arith.constant 32 : i32
        %add3A_989 = arith.addi %mul3A_987, %add3A_988 : i32
        %get3A_990 = arith.index_cast %add3A_989 : i32 to index
        %get3A_991 = tpu.vector_load %arg6[%get3A_990] {strides = array<i32>} : memref<6566xi32, #tpu.memory_space<vmem>>, vector<16xi32>,
        %mul3A_992 = arith.constant 50 : i32
        %mul3A_993 = vector.broadcast %mul3A_992 : i32 to vector<16xi32>
        %mul3A_994 = arith.muli %get3A_991, %mul3A_993 : vector<16xi32>
        %add3A_995 = vector.broadcast %sub3A_908 : i32 to vector<16xi32>
        %add3A_996 = arith.addi %add3A_995, %mul3A_994 : vector<16xi32>
        %add3A_997 = arith.addi %add3A_996, %add3A_985 : vector<16xi32>
        %lt3A_998 = arith.constant 50 : i32
        %lt3A_999 = vector.broadcast %lt3A_998 : i32 to vector<16xi32>
        %lt3A_1000 = arith.cmpi slt, %add3A_985, %lt3A_999 : vector<16xi32>
        %ge3A_1001 = arith.constant 0 : i32
        %ge3A_1002 = vector.broadcast %ge3A_1001 : i32 to vector<16xi32>
        %ge3A_1003 = arith.cmpi sge, %add3A_997, %ge3A_1002 : vector<16xi32>
        %and3A_1004 = arith.andi %lt3A_1000, %ge3A_1003 : vector<16xi1>
        %lt3A_1005 = arith.constant 10240 : i32
        %lt3A_1006 = vector.broadcast %lt3A_1005 : i32 to vector<16xi32>
        %lt3A_1007 = arith.cmpi slt, %add3A_997, %lt3A_1006 : vector<16xi32>
        %and3A_1008 = arith.andi %and3A_1004, %lt3A_1007 : vector<16xi1>
        %broadcast_in_dim3A_1009 = vector.broadcast %lt3A_903 : i1 to vector<16xi1>
        %and3A_1010 = arith.andi %and3A_1008, %broadcast_in_dim3A_1009 : vector<16xi1>
        %max3A_1011 = arith.constant 0 : i32
        %max3A_1012 = vector.broadcast %max3A_1011 : i32 to vector<16xi32>
        %max3A_1013 = arith.maxsi %add3A_997, %max3A_1012 : vector<16xi32>
        %shift_right_logical3A_1014 = arith.constant 7 : i32
        %shift_right_logical3A_1015 = vector.broadcast %shift_right_logical3A_1014 : i32 to vector<16xi32>
        %shift_right_logical3A_1016 = arith.shrui %max3A_1013, %shift_right_logical3A_1015 : vector<16xi32>
        %and3A_1017 = arith.constant 127 : i32
        %and3A_1018 = vector.broadcast %and3A_1017 : i32 to vector<16xi32>
        %and3A_1019 = arith.andi %max3A_1013, %and3A_1018 : vector<16xi32>
        tpu.vector_store_idx %arg4[%shift_right_logical3A_1016, %and3A_1019], %broadcast_in_dim3A_15 masked %and3A_1010 : memref<80x128xi32, #tpu.memory_space<vmem>>[vector<16xi32>, vector<16xi32>], vector<16xi32>, vector<16xi1>
        %add3A_1020 = arith.constant 48 : i32
        %add3A_1021 = vector.broadcast %add3A_1020 : i32 to vector<16xi32>
        %add3A_1022 = arith.addi %add3A_1021, %iota3A : vector<16xi32>
        %mul3A_1023 = arith.constant 50 : i32
        %mul3A_1024 = arith.muli %sub3A_901, %mul3A_1023 : i32
        %add3A_1025 = arith.constant 48 : i32
        %add3A_1026 = arith.addi %mul3A_1024, %add3A_1025 : i32
        %get3A_1027 = arith.index_cast %add3A_1026 : i32 to index
        %get3A_1028 = tpu.vector_load %arg6[%get3A_1027] {strides = array<i32>} : memref<6566xi32, #tpu.memory_space<vmem>>, vector<16xi32>,
        %mul3A_1029 = arith.constant 50 : i32
        %mul3A_1030 = vector.broadcast %mul3A_1029 : i32 to vector<16xi32>
        %mul3A_1031 = arith.muli %get3A_1028, %mul3A_1030 : vector<16xi32>
        %add3A_1032 = vector.broadcast %sub3A_908 : i32 to vector<16xi32>
        %add3A_1033 = arith.addi %add3A_1032, %mul3A_1031 : vector<16xi32>
        %add3A_1034 = arith.addi %add3A_1033, %add3A_1022 : vector<16xi32>
        %lt3A_1035 = arith.constant 50 : i32
        %lt3A_1036 = vector.broadcast %lt3A_1035 : i32 to vector<16xi32>
        %lt3A_1037 = arith.cmpi slt, %add3A_1022, %lt3A_1036 : vector<16xi32>
        %ge3A_1038 = arith.constant 0 : i32
        %ge3A_1039 = vector.broadcast %ge3A_1038 : i32 to vector<16xi32>
        %ge3A_1040 = arith.cmpi sge, %add3A_1034, %ge3A_1039 : vector<16xi32>
        %and3A_1041 = arith.andi %lt3A_1037, %ge3A_1040 : vector<16xi1>
        %lt3A_1042 = arith.constant 10240 : i32
        %lt3A_1043 = vector.broadcast %lt3A_1042 : i32 to vector<16xi32>
        %lt3A_1044 = arith.cmpi slt, %add3A_1034, %lt3A_1043 : vector<16xi32>
        %and3A_1045 = arith.andi %and3A_1041, %lt3A_1044 : vector<16xi1>
        %broadcast_in_dim3A_1046 = vector.broadcast %lt3A_903 : i1 to vector<16xi1>
        %and3A_1047 = arith.andi %and3A_1045, %broadcast_in_dim3A_1046 : vector<16xi1>
        %max3A_1048 = arith.constant 0 : i32
        %max3A_1049 = vector.broadcast %max3A_1048 : i32 to vector<16xi32>
        %max3A_1050 = arith.maxsi %add3A_1034, %max3A_1049 : vector<16xi32>
        %shift_right_logical3A_1051 = arith.constant 7 : i32
        %shift_right_logical3A_1052 = vector.broadcast %shift_right_logical3A_1051 : i32 to vector<16xi32>
        %shift_right_logical3A_1053 = arith.shrui %max3A_1050, %shift_right_logical3A_1052 : vector<16xi32>
        %and3A_1054 = arith.constant 127 : i32
        %and3A_1055 = vector.broadcast %and3A_1054 : i32 to vector<16xi32>
        %and3A_1056 = arith.andi %max3A_1050, %and3A_1055 : vector<16xi32>
        tpu.vector_store_idx %arg4[%shift_right_logical3A_1053, %and3A_1056], %broadcast_in_dim3A_15 masked %and3A_1047 : memref<80x128xi32, #tpu.memory_space<vmem>>[vector<16xi32>, vector<16xi32>], vector<16xi32>, vector<16xi1>
      } else {
      }
      %mul3A_44 = arith.constant 2 : i32
      %mul3A_45 = arith.muli %mul3A_44, %scan3A_40 : i32
      %mul3A_46 = arith.constant 80 : i32
      %mul3A_47 = arith.muli %mul3A_45, %mul3A_46 : i32
      %add3A_48 = arith.addi %mul3A_6, %mul3A_47 : i32
      %mul3A_49 = arith.constant 128 : i32
      %mul3A_50 = arith.muli %add3A_48, %mul3A_49 : i32
      %div3A = arith.constant 50000 : i32
      %div3A_51 = arith.divsi %mul3A_50, %div3A : i32
      %add3A_52 = arith.constant 0 : i32
      %add3A_53 = arith.addi %div3A_51, %add3A_52 : i32
      %sub3A = arith.subi %add3A_53, %mul3A_2 : i32
      %lt3A = arith.constant 128 : i32
      %lt3A_54 = arith.cmpi slt, %sub3A, %lt3A : i32
      %add3A_55 = arith.constant 0 : i32
      %add3A_56 = arith.addi %div3A_51, %add3A_55 : i32
      %mul3A_57 = arith.constant 50000 : i32
      %mul3A_58 = arith.muli %add3A_56, %mul3A_57 : i32
      %sub3A_59 = arith.subi %mul3A_58, %mul3A_50 : i32
      %add3A_60 = arith.constant 0 : i32
      %add3A_61 = vector.broadcast %add3A_60 : i32 to vector<16xi32>
      %add3A_62 = arith.addi %add3A_61, %iota3A : vector<16xi32>
      %mul3A_63 = arith.constant 50 : i32
      %mul3A_64 = arith.muli %sub3A, %mul3A_63 : i32
      %add3A_65 = arith.constant 0 : i32
      %add3A_66 = arith.addi %mul3A_64, %add3A_65 : i32
      %get3A = arith.index_cast %add3A_66 : i32 to index
      %get3A_67 = tpu.vector_load %arg6[%get3A] {strides = array<i32>} : memref<6566xi32, #tpu.memory_space<vmem>>, vector<16xi32>,
      %mul3A_68 = arith.constant 50 : i32
      %mul3A_69 = vector.broadcast %mul3A_68 : i32 to vector<16xi32>
      %mul3A_70 = arith.muli %get3A_67, %mul3A_69 : vector<16xi32>
      %add3A_71 = vector.broadcast %sub3A_59 : i32 to vector<16xi32>
      %add3A_72 = arith.addi %add3A_71, %mul3A_70 : vector<16xi32>
      %add3A_73 = arith.addi %add3A_72, %add3A_62 : vector<16xi32>
      %lt3A_74 = arith.constant 50 : i32
      %lt3A_75 = vector.broadcast %lt3A_74 : i32 to vector<16xi32>
      %lt3A_76 = arith.cmpi slt, %add3A_62, %lt3A_75 : vector<16xi32>
      %ge3A = arith.constant 0 : i32
      %ge3A_77 = vector.broadcast %ge3A : i32 to vector<16xi32>
      %ge3A_78 = arith.cmpi sge, %add3A_73, %ge3A_77 : vector<16xi32>
      %and3A = arith.andi %lt3A_76, %ge3A_78 : vector<16xi1>
      %lt3A_79 = arith.constant 10240 : i32
      %lt3A_80 = vector.broadcast %lt3A_79 : i32 to vector<16xi32>
      %lt3A_81 = arith.cmpi slt, %add3A_73, %lt3A_80 : vector<16xi32>
      %and3A_82 = arith.andi %and3A, %lt3A_81 : vector<16xi1>
      %broadcast_in_dim3A_83 = vector.broadcast %lt3A_54 : i1 to vector<16xi1>
      %and3A_84 = arith.andi %and3A_82, %broadcast_in_dim3A_83 : vector<16xi1>
      %max3A = arith.constant 0 : i32
      %max3A_85 = vector.broadcast %max3A : i32 to vector<16xi32>
      %max3A_86 = arith.maxsi %add3A_73, %max3A_85 : vector<16xi32>
      %shift_right_logical3A = arith.constant 7 : i32
      %shift_right_logical3A_87 = vector.broadcast %shift_right_logical3A : i32 to vector<16xi32>
      %shift_right_logical3A_88 = arith.shrui %max3A_86, %shift_right_logical3A_87 : vector<16xi32>
      %and3A_89 = arith.constant 127 : i32
      %and3A_90 = vector.broadcast %and3A_89 : i32 to vector<16xi32>
      %and3A_91 = arith.andi %max3A_86, %and3A_90 : vector<16xi32>
      tpu.vector_store_idx %arg4[%shift_right_logical3A_88, %and3A_91], %broadcast_in_dim3A_13 masked %and3A_84 : memref<80x128xi32, #tpu.memory_space<vmem>>[vector<16xi32>, vector<16xi32>], vector<16xi32>, vector<16xi1>
      %add3A_92 = arith.constant 16 : i32
      %add3A_93 = vector.broadcast %add3A_92 : i32 to vector<16xi32>
      %add3A_94 = arith.addi %add3A_93, %iota3A : vector<16xi32>
      %mul3A_95 = arith.constant 50 : i32
      %mul3A_96 = arith.muli %sub3A, %mul3A_95 : i32
      %add3A_97 = arith.constant 16 : i32
      %add3A_98 = arith.addi %mul3A_96, %add3A_97 : i32
      %get3A_99 = arith.index_cast %add3A_98 : i32 to index
      %get3A_100 = tpu.vector_load %arg6[%get3A_99] {strides = array<i32>} : memref<6566xi32, #tpu.memory_space<vmem>>, vector<16xi32>,
      %mul3A_101 = arith.constant 50 : i32
      %mul3A_102 = vector.broadcast %mul3A_101 : i32 to vector<16xi32>
      %mul3A_103 = arith.muli %get3A_100, %mul3A_102 : vector<16xi32>
      %add3A_104 = vector.broadcast %sub3A_59 : i32 to vector<16xi32>
      %add3A_105 = arith.addi %add3A_104, %mul3A_103 : vector<16xi32>
      %add3A_106 = arith.addi %add3A_105, %add3A_94 : vector<16xi32>
      %lt3A_107 = arith.constant 50 : i32
      %lt3A_108 = vector.broadcast %lt3A_107 : i32 to vector<16xi32>
      %lt3A_109 = arith.cmpi slt, %add3A_94, %lt3A_108 : vector<16xi32>
      %ge3A_110 = arith.constant 0 : i32
      %ge3A_111 = vector.broadcast %ge3A_110 : i32 to vector<16xi32>
      %ge3A_112 = arith.cmpi sge, %add3A_106, %ge3A_111 : vector<16xi32>
      %and3A_113 = arith.andi %lt3A_109, %ge3A_112 : vector<16xi1>
      %lt3A_114 = arith.constant 10240 : i32
      %lt3A_115 = vector.broadcast %lt3A_114 : i32 to vector<16xi32>
      %lt3A_116 = arith.cmpi slt, %add3A_106, %lt3A_115 : vector<16xi32>
      %and3A_117 = arith.andi %and3A_113, %lt3A_116 : vector<16xi1>
      %broadcast_in_dim3A_118 = vector.broadcast %lt3A_54 : i1 to vector<16xi1>
      %and3A_119 = arith.andi %and3A_117, %broadcast_in_dim3A_118 : vector<16xi1>
      %max3A_120 = arith.constant 0 : i32
      %max3A_121 = vector.broadcast %max3A_120 : i32 to vector<16xi32>
      %max3A_122 = arith.maxsi %add3A_106, %max3A_121 : vector<16xi32>
      %shift_right_logical3A_123 = arith.constant 7 : i32
      %shift_right_logical3A_124 = vector.broadcast %shift_right_logical3A_123 : i32 to vector<16xi32>
      %shift_right_logical3A_125 = arith.shrui %max3A_122, %shift_right_logical3A_124 : vector<16xi32>
      %and3A_126 = arith.constant 127 : i32
      %and3A_127 = vector.broadcast %and3A_126 : i32 to vector<16xi32>
      %and3A_128 = arith.andi %max3A_122, %and3A_127 : vector<16xi32>
      tpu.vector_store_idx %arg4[%shift_right_logical3A_125, %and3A_128], %broadcast_in_dim3A_13 masked %and3A_119 : memref<80x128xi32, #tpu.memory_space<vmem>>[vector<16xi32>, vector<16xi32>], vector<16xi32>, vector<16xi1>
      %add3A_129 = arith.constant 32 : i32
      %add3A_130 = vector.broadcast %add3A_129 : i32 to vector<16xi32>
      %add3A_131 = arith.addi %add3A_130, %iota3A : vector<16xi32>
      %mul3A_132 = arith.constant 50 : i32
      %mul3A_133 = arith.muli %sub3A, %mul3A_132 : i32
      %add3A_134 = arith.constant 32 : i32
      %add3A_135 = arith.addi %mul3A_133, %add3A_134 : i32
      %get3A_136 = arith.index_cast %add3A_135 : i32 to index
      %get3A_137 = tpu.vector_load %arg6[%get3A_136] {strides = array<i32>} : memref<6566xi32, #tpu.memory_space<vmem>>, vector<16xi32>,
      %mul3A_138 = arith.constant 50 : i32
      %mul3A_139 = vector.broadcast %mul3A_138 : i32 to vector<16xi32>
      %mul3A_140 = arith.muli %get3A_137, %mul3A_139 : vector<16xi32>
      %add3A_141 = vector.broadcast %sub3A_59 : i32 to vector<16xi32>
      %add3A_142 = arith.addi %add3A_141, %mul3A_140 : vector<16xi32>
      %add3A_143 = arith.addi %add3A_142, %add3A_131 : vector<16xi32>
      %lt3A_144 = arith.constant 50 : i32
      %lt3A_145 = vector.broadcast %lt3A_144 : i32 to vector<16xi32>
      %lt3A_146 = arith.cmpi slt, %add3A_131, %lt3A_145 : vector<16xi32>
      %ge3A_147 = arith.constant 0 : i32
      %ge3A_148 = vector.broadcast %ge3A_147 : i32 to vector<16xi32>
      %ge3A_149 = arith.cmpi sge, %add3A_143, %ge3A_148 : vector<16xi32>
      %and3A_150 = arith.andi %lt3A_146, %ge3A_149 : vector<16xi1>
      %lt3A_151 = arith.constant 10240 : i32
      %lt3A_152 = vector.broadcast %lt3A_151 : i32 to vector<16xi32>
      %lt3A_153 = arith.cmpi slt, %add3A_143, %lt3A_152 : vector<16xi32>
      %and3A_154 = arith.andi %and3A_150, %lt3A_153 : vector<16xi1>
      %broadcast_in_dim3A_155 = vector.broadcast %lt3A_54 : i1 to vector<16xi1>
      %and3A_156 = arith.andi %and3A_154, %broadcast_in_dim3A_155 : vector<16xi1>
      %max3A_157 = arith.constant 0 : i32
      %max3A_158 = vector.broadcast %max3A_157 : i32 to vector<16xi32>
      %max3A_159 = arith.maxsi %add3A_143, %max3A_158 : vector<16xi32>
      %shift_right_logical3A_160 = arith.constant 7 : i32
      %shift_right_logical3A_161 = vector.broadcast %shift_right_logical3A_160 : i32 to vector<16xi32>
      %shift_right_logical3A_162 = arith.shrui %max3A_159, %shift_right_logical3A_161 : vector<16xi32>
      %and3A_163 = arith.constant 127 : i32
      %and3A_164 = vector.broadcast %and3A_163 : i32 to vector<16xi32>
      %and3A_165 = arith.andi %max3A_159, %and3A_164 : vector<16xi32>
      tpu.vector_store_idx %arg4[%shift_right_logical3A_162, %and3A_165], %broadcast_in_dim3A_13 masked %and3A_156 : memref<80x128xi32, #tpu.memory_space<vmem>>[vector<16xi32>, vector<16xi32>], vector<16xi32>, vector<16xi1>
      %add3A_166 = arith.constant 48 : i32
      %add3A_167 = vector.broadcast %add3A_166 : i32 to vector<16xi32>
      %add3A_168 = arith.addi %add3A_167, %iota3A : vector<16xi32>
      %mul3A_169 = arith.constant 50 : i32
      %mul3A_170 = arith.muli %sub3A, %mul3A_169 : i32
      %add3A_171 = arith.constant 48 : i32
      %add3A_172 = arith.addi %mul3A_170, %add3A_171 : i32
      %get3A_173 = arith.index_cast %add3A_172 : i32 to index
      %get3A_174 = tpu.vector_load %arg6[%get3A_173] {strides = array<i32>} : memref<6566xi32, #tpu.memory_space<vmem>>, vector<16xi32>,
      %mul3A_175 = arith.constant 50 : i32
      %mul3A_176 = vector.broadcast %mul3A_175 : i32 to vector<16xi32>
      %mul3A_177 = arith.muli %get3A_174, %mul3A_176 : vector<16xi32>
      %add3A_178 = vector.broadcast %sub3A_59 : i32 to vector<16xi32>
      %add3A_179 = arith.addi %add3A_178, %mul3A_177 : vector<16xi32>
      %add3A_180 = arith.addi %add3A_179, %add3A_168 : vector<16xi32>
      %lt3A_181 = arith.constant 50 : i32
      %lt3A_182 = vector.broadcast %lt3A_181 : i32 to vector<16xi32>
      %lt3A_183 = arith.cmpi slt, %add3A_168, %lt3A_182 : vector<16xi32>
      %ge3A_184 = arith.constant 0 : i32
      %ge3A_185 = vector.broadcast %ge3A_184 : i32 to vector<16xi32>
      %ge3A_186 = arith.cmpi sge, %add3A_180, %ge3A_185 : vector<16xi32>
      %and3A_187 = arith.andi %lt3A_183, %ge3A_186 : vector<16xi1>
      %lt3A_188 = arith.constant 10240 : i32
      %lt3A_189 = vector.broadcast %lt3A_188 : i32 to vector<16xi32>
      %lt3A_190 = arith.cmpi slt, %add3A_180, %lt3A_189 : vector<16xi32>
      %and3A_191 = arith.andi %and3A_187, %lt3A_190 : vector<16xi1>
      %broadcast_in_dim3A_192 = vector.broadcast %lt3A_54 : i1 to vector<16xi1>
      %and3A_193 = arith.andi %and3A_191, %broadcast_in_dim3A_192 : vector<16xi1>
      %max3A_194 = arith.constant 0 : i32
      %max3A_195 = vector.broadcast %max3A_194 : i32 to vector<16xi32>
      %max3A_196 = arith.maxsi %add3A_180, %max3A_195 : vector<16xi32>
      %shift_right_logical3A_197 = arith.constant 7 : i32
      %shift_right_logical3A_198 = vector.broadcast %shift_right_logical3A_197 : i32 to vector<16xi32>
      %shift_right_logical3A_199 = arith.shrui %max3A_196, %shift_right_logical3A_198 : vector<16xi32>
      %and3A_200 = arith.constant 127 : i32
      %and3A_201 = vector.broadcast %and3A_200 : i32 to vector<16xi32>
      %and3A_202 = arith.andi %max3A_196, %and3A_201 : vector<16xi32>
      tpu.vector_store_idx %arg4[%shift_right_logical3A_199, %and3A_202], %broadcast_in_dim3A_13 masked %and3A_193 : memref<80x128xi32, #tpu.memory_space<vmem>>[vector<16xi32>, vector<16xi32>], vector<16xi32>, vector<16xi1>
      %add3A_203 = arith.constant 1 : i32
      %add3A_204 = arith.addi %div3A_51, %add3A_203 : i32
      %sub3A_205 = arith.subi %add3A_204, %mul3A_2 : i32
      %lt3A_206 = arith.constant 128 : i32
      %lt3A_207 = arith.cmpi slt, %sub3A_205, %lt3A_206 : i32
      %add3A_208 = arith.constant 1 : i32
      %add3A_209 = arith.addi %div3A_51, %add3A_208 : i32
      %mul3A_210 = arith.constant 50000 : i32
      %mul3A_211 = arith.muli %add3A_209, %mul3A_210 : i32
      %sub3A_212 = arith.subi %mul3A_211, %mul3A_50 : i32
      %add3A_213 = arith.constant 0 : i32
      %add3A_214 = vector.broadcast %add3A_213 : i32 to vector<16xi32>
      %add3A_215 = arith.addi %add3A_214, %iota3A : vector<16xi32>
      %mul3A_216 = arith.constant 50 : i32
      %mul3A_217 = arith.muli %sub3A_205, %mul3A_216 : i32
      %add3A_218 = arith.constant 0 : i32
      %add3A_219 = arith.addi %mul3A_217, %add3A_218 : i32
      %get3A_220 = arith.index_cast %add3A_219 : i32 to index
      %get3A_221 = tpu.vector_load %arg6[%get3A_220] {strides = array<i32>} : memref<6566xi32, #tpu.memory_space<vmem>>, vector<16xi32>,
      %mul3A_222 = arith.constant 50 : i32
      %mul3A_223 = vector.broadcast %mul3A_222 : i32 to vector<16xi32>
      %mul3A_224 = arith.muli %get3A_221, %mul3A_223 : vector<16xi32>
      %add3A_225 = vector.broadcast %sub3A_212 : i32 to vector<16xi32>
      %add3A_226 = arith.addi %add3A_225, %mul3A_224 : vector<16xi32>
      %add3A_227 = arith.addi %add3A_226, %add3A_215 : vector<16xi32>
      %lt3A_228 = arith.constant 50 : i32
      %lt3A_229 = vector.broadcast %lt3A_228 : i32 to vector<16xi32>
      %lt3A_230 = arith.cmpi slt, %add3A_215, %lt3A_229 : vector<16xi32>
      %ge3A_231 = arith.constant 0 : i32
      %ge3A_232 = vector.broadcast %ge3A_231 : i32 to vector<16xi32>
      %ge3A_233 = arith.cmpi sge, %add3A_227, %ge3A_232 : vector<16xi32>
      %and3A_234 = arith.andi %lt3A_230, %ge3A_233 : vector<16xi1>
      %lt3A_235 = arith.constant 10240 : i32
      %lt3A_236 = vector.broadcast %lt3A_235 : i32 to vector<16xi32>
      %lt3A_237 = arith.cmpi slt, %add3A_227, %lt3A_236 : vector<16xi32>
      %and3A_238 = arith.andi %and3A_234, %lt3A_237 : vector<16xi1>
      %broadcast_in_dim3A_239 = vector.broadcast %lt3A_207 : i1 to vector<16xi1>
      %and3A_240 = arith.andi %and3A_238, %broadcast_in_dim3A_239 : vector<16xi1>
      %max3A_241 = arith.constant 0 : i32
      %max3A_242 = vector.broadcast %max3A_241 : i32 to vector<16xi32>
      %max3A_243 = arith.maxsi %add3A_227, %max3A_242 : vector<16xi32>
      %shift_right_logical3A_244 = arith.constant 7 : i32
      %shift_right_logical3A_245 = vector.broadcast %shift_right_logical3A_244 : i32 to vector<16xi32>
      %shift_right_logical3A_246 = arith.shrui %max3A_243, %shift_right_logical3A_245 : vector<16xi32>
      %and3A_247 = arith.constant 127 : i32
      %and3A_248 = vector.broadcast %and3A_247 : i32 to vector<16xi32>
      %and3A_249 = arith.andi %max3A_243, %and3A_248 : vector<16xi32>
      tpu.vector_store_idx %arg4[%shift_right_logical3A_246, %and3A_249], %broadcast_in_dim3A_13 masked %and3A_240 : memref<80x128xi32, #tpu.memory_space<vmem>>[vector<16xi32>, vector<16xi32>], vector<16xi32>, vector<16xi1>
      %add3A_250 = arith.constant 16 : i32
      %add3A_251 = vector.broadcast %add3A_250 : i32 to vector<16xi32>
      %add3A_252 = arith.addi %add3A_251, %iota3A : vector<16xi32>
      %mul3A_253 = arith.constant 50 : i32
      %mul3A_254 = arith.muli %sub3A_205, %mul3A_253 : i32
      %add3A_255 = arith.constant 16 : i32
      %add3A_256 = arith.addi %mul3A_254, %add3A_255 : i32
      %get3A_257 = arith.index_cast %add3A_256 : i32 to index
      %get3A_258 = tpu.vector_load %arg6[%get3A_257] {strides = array<i32>} : memref<6566xi32, #tpu.memory_space<vmem>>, vector<16xi32>,
      %mul3A_259 = arith.constant 50 : i32
      %mul3A_260 = vector.broadcast %mul3A_259 : i32 to vector<16xi32>
      %mul3A_261 = arith.muli %get3A_258, %mul3A_260 : vector<16xi32>
      %add3A_262 = vector.broadcast %sub3A_212 : i32 to vector<16xi32>
      %add3A_263 = arith.addi %add3A_262, %mul3A_261 : vector<16xi32>
      %add3A_264 = arith.addi %add3A_263, %add3A_252 : vector<16xi32>
      %lt3A_265 = arith.constant 50 : i32
      %lt3A_266 = vector.broadcast %lt3A_265 : i32 to vector<16xi32>
      %lt3A_267 = arith.cmpi slt, %add3A_252, %lt3A_266 : vector<16xi32>
      %ge3A_268 = arith.constant 0 : i32
      %ge3A_269 = vector.broadcast %ge3A_268 : i32 to vector<16xi32>
      %ge3A_270 = arith.cmpi sge, %add3A_264, %ge3A_269 : vector<16xi32>
      %and3A_271 = arith.andi %lt3A_267, %ge3A_270 : vector<16xi1>
      %lt3A_272 = arith.constant 10240 : i32
      %lt3A_273 = vector.broadcast %lt3A_272 : i32 to vector<16xi32>
      %lt3A_274 = arith.cmpi slt, %add3A_264, %lt3A_273 : vector<16xi32>
      %and3A_275 = arith.andi %and3A_271, %lt3A_274 : vector<16xi1>
      %broadcast_in_dim3A_276 = vector.broadcast %lt3A_207 : i1 to vector<16xi1>
      %and3A_277 = arith.andi %and3A_275, %broadcast_in_dim3A_276 : vector<16xi1>
      %max3A_278 = arith.constant 0 : i32
      %max3A_279 = vector.broadcast %max3A_278 : i32 to vector<16xi32>
      %max3A_280 = arith.maxsi %add3A_264, %max3A_279 : vector<16xi32>
      %shift_right_logical3A_281 = arith.constant 7 : i32
      %shift_right_logical3A_282 = vector.broadcast %shift_right_logical3A_281 : i32 to vector<16xi32>
      %shift_right_logical3A_283 = arith.shrui %max3A_280, %shift_right_logical3A_282 : vector<16xi32>
      %and3A_284 = arith.constant 127 : i32
      %and3A_285 = vector.broadcast %and3A_284 : i32 to vector<16xi32>
      %and3A_286 = arith.andi %max3A_280, %and3A_285 : vector<16xi32>
      tpu.vector_store_idx %arg4[%shift_right_logical3A_283, %and3A_286], %broadcast_in_dim3A_13 masked %and3A_277 : memref<80x128xi32, #tpu.memory_space<vmem>>[vector<16xi32>, vector<16xi32>], vector<16xi32>, vector<16xi1>
      %add3A_287 = arith.constant 32 : i32
      %add3A_288 = vector.broadcast %add3A_287 : i32 to vector<16xi32>
      %add3A_289 = arith.addi %add3A_288, %iota3A : vector<16xi32>
      %mul3A_290 = arith.constant 50 : i32
      %mul3A_291 = arith.muli %sub3A_205, %mul3A_290 : i32
      %add3A_292 = arith.constant 32 : i32
      %add3A_293 = arith.addi %mul3A_291, %add3A_292 : i32
      %get3A_294 = arith.index_cast %add3A_293 : i32 to index
      %get3A_295 = tpu.vector_load %arg6[%get3A_294] {strides = array<i32>} : memref<6566xi32, #tpu.memory_space<vmem>>, vector<16xi32>,
      %mul3A_296 = arith.constant 50 : i32
      %mul3A_297 = vector.broadcast %mul3A_296 : i32 to vector<16xi32>
      %mul3A_298 = arith.muli %get3A_295, %mul3A_297 : vector<16xi32>
      %add3A_299 = vector.broadcast %sub3A_212 : i32 to vector<16xi32>
      %add3A_300 = arith.addi %add3A_299, %mul3A_298 : vector<16xi32>
      %add3A_301 = arith.addi %add3A_300, %add3A_289 : vector<16xi32>
      %lt3A_302 = arith.constant 50 : i32
      %lt3A_303 = vector.broadcast %lt3A_302 : i32 to vector<16xi32>
      %lt3A_304 = arith.cmpi slt, %add3A_289, %lt3A_303 : vector<16xi32>
      %ge3A_305 = arith.constant 0 : i32
      %ge3A_306 = vector.broadcast %ge3A_305 : i32 to vector<16xi32>
      %ge3A_307 = arith.cmpi sge, %add3A_301, %ge3A_306 : vector<16xi32>
      %and3A_308 = arith.andi %lt3A_304, %ge3A_307 : vector<16xi1>
      %lt3A_309 = arith.constant 10240 : i32
      %lt3A_310 = vector.broadcast %lt3A_309 : i32 to vector<16xi32>
      %lt3A_311 = arith.cmpi slt, %add3A_301, %lt3A_310 : vector<16xi32>
      %and3A_312 = arith.andi %and3A_308, %lt3A_311 : vector<16xi1>
      %broadcast_in_dim3A_313 = vector.broadcast %lt3A_207 : i1 to vector<16xi1>
      %and3A_314 = arith.andi %and3A_312, %broadcast_in_dim3A_313 : vector<16xi1>
      %max3A_315 = arith.constant 0 : i32
      %max3A_316 = vector.broadcast %max3A_315 : i32 to vector<16xi32>
      %max3A_317 = arith.maxsi %add3A_301, %max3A_316 : vector<16xi32>
      %shift_right_logical3A_318 = arith.constant 7 : i32
      %shift_right_logical3A_319 = vector.broadcast %shift_right_logical3A_318 : i32 to vector<16xi32>
      %shift_right_logical3A_320 = arith.shrui %max3A_317, %shift_right_logical3A_319 : vector<16xi32>
      %and3A_321 = arith.constant 127 : i32
      %and3A_322 = vector.broadcast %and3A_321 : i32 to vector<16xi32>
      %and3A_323 = arith.andi %max3A_317, %and3A_322 : vector<16xi32>
      tpu.vector_store_idx %arg4[%shift_right_logical3A_320, %and3A_323], %broadcast_in_dim3A_13 masked %and3A_314 : memref<80x128xi32, #tpu.memory_space<vmem>>[vector<16xi32>, vector<16xi32>], vector<16xi32>, vector<16xi1>
      %add3A_324 = arith.constant 48 : i32
      %add3A_325 = vector.broadcast %add3A_324 : i32 to vector<16xi32>
      %add3A_326 = arith.addi %add3A_325, %iota3A : vector<16xi32>
      %mul3A_327 = arith.constant 50 : i32
      %mul3A_328 = arith.muli %sub3A_205, %mul3A_327 : i32
      %add3A_329 = arith.constant 48 : i32
      %add3A_330 = arith.addi %mul3A_328, %add3A_329 : i32
      %get3A_331 = arith.index_cast %add3A_330 : i32 to index
      %get3A_332 = tpu.vector_load %arg6[%get3A_331] {strides = array<i32>} : memref<6566xi32, #tpu.memory_space<vmem>>, vector<16xi32>,
      %mul3A_333 = arith.constant 50 : i32
      %mul3A_334 = vector.broadcast %mul3A_333 : i32 to vector<16xi32>
      %mul3A_335 = arith.muli %get3A_332, %mul3A_334 : vector<16xi32>
      %add3A_336 = vector.broadcast %sub3A_212 : i32 to vector<16xi32>
      %add3A_337 = arith.addi %add3A_336, %mul3A_335 : vector<16xi32>
      %add3A_338 = arith.addi %add3A_337, %add3A_326 : vector<16xi32>
      %lt3A_339 = arith.constant 50 : i32
      %lt3A_340 = vector.broadcast %lt3A_339 : i32 to vector<16xi32>
      %lt3A_341 = arith.cmpi slt, %add3A_326, %lt3A_340 : vector<16xi32>
      %ge3A_342 = arith.constant 0 : i32
      %ge3A_343 = vector.broadcast %ge3A_342 : i32 to vector<16xi32>
      %ge3A_344 = arith.cmpi sge, %add3A_338, %ge3A_343 : vector<16xi32>
      %and3A_345 = arith.andi %lt3A_341, %ge3A_344 : vector<16xi1>
      %lt3A_346 = arith.constant 10240 : i32
      %lt3A_347 = vector.broadcast %lt3A_346 : i32 to vector<16xi32>
      %lt3A_348 = arith.cmpi slt, %add3A_338, %lt3A_347 : vector<16xi32>
      %and3A_349 = arith.andi %and3A_345, %lt3A_348 : vector<16xi1>
      %broadcast_in_dim3A_350 = vector.broadcast %lt3A_207 : i1 to vector<16xi1>
      %and3A_351 = arith.andi %and3A_349, %broadcast_in_dim3A_350 : vector<16xi1>
      %max3A_352 = arith.constant 0 : i32
      %max3A_353 = vector.broadcast %max3A_352 : i32 to vector<16xi32>
      %max3A_354 = arith.maxsi %add3A_338, %max3A_353 : vector<16xi32>
      %shift_right_logical3A_355 = arith.constant 7 : i32
      %shift_right_logical3A_356 = vector.broadcast %shift_right_logical3A_355 : i32 to vector<16xi32>
      %shift_right_logical3A_357 = arith.shrui %max3A_354, %shift_right_logical3A_356 : vector<16xi32>
      %and3A_358 = arith.constant 127 : i32
      %and3A_359 = vector.broadcast %and3A_358 : i32 to vector<16xi32>
      %and3A_360 = arith.andi %max3A_354, %and3A_359 : vector<16xi32>
      tpu.vector_store_idx %arg4[%shift_right_logical3A_357, %and3A_360], %broadcast_in_dim3A_13 masked %and3A_351 : memref<80x128xi32, #tpu.memory_space<vmem>>[vector<16xi32>, vector<16xi32>], vector<16xi32>, vector<16xi1>
      %add3A_361 = arith.constant 2 : i32
      %add3A_362 = arith.addi %div3A_51, %add3A_361 : i32
      %sub3A_363 = arith.subi %add3A_362, %mul3A_2 : i32
      %lt3A_364 = arith.constant 128 : i32
      %lt3A_365 = arith.cmpi slt, %sub3A_363, %lt3A_364 : i32
      %add3A_366 = arith.constant 2 : i32
      %add3A_367 = arith.addi %div3A_51, %add3A_366 : i32
      %mul3A_368 = arith.constant 50000 : i32
      %mul3A_369 = arith.muli %add3A_367, %mul3A_368 : i32
      %sub3A_370 = arith.subi %mul3A_369, %mul3A_50 : i32
      %add3A_371 = arith.constant 0 : i32
      %add3A_372 = vector.broadcast %add3A_371 : i32 to vector<16xi32>
      %add3A_373 = arith.addi %add3A_372, %iota3A : vector<16xi32>
      %mul3A_374 = arith.constant 50 : i32
      %mul3A_375 = arith.muli %sub3A_363, %mul3A_374 : i32
      %add3A_376 = arith.constant 0 : i32
      %add3A_377 = arith.addi %mul3A_375, %add3A_376 : i32
      %get3A_378 = arith.index_cast %add3A_377 : i32 to index
      %get3A_379 = tpu.vector_load %arg6[%get3A_378] {strides = array<i32>} : memref<6566xi32, #tpu.memory_space<vmem>>, vector<16xi32>,
      %mul3A_380 = arith.constant 50 : i32
      %mul3A_381 = vector.broadcast %mul3A_380 : i32 to vector<16xi32>
      %mul3A_382 = arith.muli %get3A_379, %mul3A_381 : vector<16xi32>
      %add3A_383 = vector.broadcast %sub3A_370 : i32 to vector<16xi32>
      %add3A_384 = arith.addi %add3A_383, %mul3A_382 : vector<16xi32>
      %add3A_385 = arith.addi %add3A_384, %add3A_373 : vector<16xi32>
      %lt3A_386 = arith.constant 50 : i32
      %lt3A_387 = vector.broadcast %lt3A_386 : i32 to vector<16xi32>
      %lt3A_388 = arith.cmpi slt, %add3A_373, %lt3A_387 : vector<16xi32>
      %ge3A_389 = arith.constant 0 : i32
      %ge3A_390 = vector.broadcast %ge3A_389 : i32 to vector<16xi32>
      %ge3A_391 = arith.cmpi sge, %add3A_385, %ge3A_390 : vector<16xi32>
      %and3A_392 = arith.andi %lt3A_388, %ge3A_391 : vector<16xi1>
      %lt3A_393 = arith.constant 10240 : i32
      %lt3A_394 = vector.broadcast %lt3A_393 : i32 to vector<16xi32>
      %lt3A_395 = arith.cmpi slt, %add3A_385, %lt3A_394 : vector<16xi32>
      %and3A_396 = arith.andi %and3A_392, %lt3A_395 : vector<16xi1>
      %broadcast_in_dim3A_397 = vector.broadcast %lt3A_365 : i1 to vector<16xi1>
      %and3A_398 = arith.andi %and3A_396, %broadcast_in_dim3A_397 : vector<16xi1>
      %max3A_399 = arith.constant 0 : i32
      %max3A_400 = vector.broadcast %max3A_399 : i32 to vector<16xi32>
      %max3A_401 = arith.maxsi %add3A_385, %max3A_400 : vector<16xi32>
      %shift_right_logical3A_402 = arith.constant 7 : i32
      %shift_right_logical3A_403 = vector.broadcast %shift_right_logical3A_402 : i32 to vector<16xi32>
      %shift_right_logical3A_404 = arith.shrui %max3A_401, %shift_right_logical3A_403 : vector<16xi32>
      %and3A_405 = arith.constant 127 : i32
      %and3A_406 = vector.broadcast %and3A_405 : i32 to vector<16xi32>
      %and3A_407 = arith.andi %max3A_401, %and3A_406 : vector<16xi32>
      tpu.vector_store_idx %arg4[%shift_right_logical3A_404, %and3A_407], %broadcast_in_dim3A_13 masked %and3A_398 : memref<80x128xi32, #tpu.memory_space<vmem>>[vector<16xi32>, vector<16xi32>], vector<16xi32>, vector<16xi1>
      %add3A_408 = arith.constant 16 : i32
      %add3A_409 = vector.broadcast %add3A_408 : i32 to vector<16xi32>
      %add3A_410 = arith.addi %add3A_409, %iota3A : vector<16xi32>
      %mul3A_411 = arith.constant 50 : i32
      %mul3A_412 = arith.muli %sub3A_363, %mul3A_411 : i32
      %add3A_413 = arith.constant 16 : i32
      %add3A_414 = arith.addi %mul3A_412, %add3A_413 : i32
      %get3A_415 = arith.index_cast %add3A_414 : i32 to index
      %get3A_416 = tpu.vector_load %arg6[%get3A_415] {strides = array<i32>} : memref<6566xi32, #tpu.memory_space<vmem>>, vector<16xi32>,
      %mul3A_417 = arith.constant 50 : i32
      %mul3A_418 = vector.broadcast %mul3A_417 : i32 to vector<16xi32>
      %mul3A_419 = arith.muli %get3A_416, %mul3A_418 : vector<16xi32>
      %add3A_420 = vector.broadcast %sub3A_370 : i32 to vector<16xi32>
      %add3A_421 = arith.addi %add3A_420, %mul3A_419 : vector<16xi32>
      %add3A_422 = arith.addi %add3A_421, %add3A_410 : vector<16xi32>
      %lt3A_423 = arith.constant 50 : i32
      %lt3A_424 = vector.broadcast %lt3A_423 : i32 to vector<16xi32>
      %lt3A_425 = arith.cmpi slt, %add3A_410, %lt3A_424 : vector<16xi32>
      %ge3A_426 = arith.constant 0 : i32
      %ge3A_427 = vector.broadcast %ge3A_426 : i32 to vector<16xi32>
      %ge3A_428 = arith.cmpi sge, %add3A_422, %ge3A_427 : vector<16xi32>
      %and3A_429 = arith.andi %lt3A_425, %ge3A_428 : vector<16xi1>
      %lt3A_430 = arith.constant 10240 : i32
      %lt3A_431 = vector.broadcast %lt3A_430 : i32 to vector<16xi32>
      %lt3A_432 = arith.cmpi slt, %add3A_422, %lt3A_431 : vector<16xi32>
      %and3A_433 = arith.andi %and3A_429, %lt3A_432 : vector<16xi1>
      %broadcast_in_dim3A_434 = vector.broadcast %lt3A_365 : i1 to vector<16xi1>
      %and3A_435 = arith.andi %and3A_433, %broadcast_in_dim3A_434 : vector<16xi1>
      %max3A_436 = arith.constant 0 : i32
      %max3A_437 = vector.broadcast %max3A_436 : i32 to vector<16xi32>
      %max3A_438 = arith.maxsi %add3A_422, %max3A_437 : vector<16xi32>
      %shift_right_logical3A_439 = arith.constant 7 : i32
      %shift_right_logical3A_440 = vector.broadcast %shift_right_logical3A_439 : i32 to vector<16xi32>
      %shift_right_logical3A_441 = arith.shrui %max3A_438, %shift_right_logical3A_440 : vector<16xi32>
      %and3A_442 = arith.constant 127 : i32
      %and3A_443 = vector.broadcast %and3A_442 : i32 to vector<16xi32>
      %and3A_444 = arith.andi %max3A_438, %and3A_443 : vector<16xi32>
      tpu.vector_store_idx %arg4[%shift_right_logical3A_441, %and3A_444], %broadcast_in_dim3A_13 masked %and3A_435 : memref<80x128xi32, #tpu.memory_space<vmem>>[vector<16xi32>, vector<16xi32>], vector<16xi32>, vector<16xi1>
      %add3A_445 = arith.constant 32 : i32
      %add3A_446 = vector.broadcast %add3A_445 : i32 to vector<16xi32>
      %add3A_447 = arith.addi %add3A_446, %iota3A : vector<16xi32>
      %mul3A_448 = arith.constant 50 : i32
      %mul3A_449 = arith.muli %sub3A_363, %mul3A_448 : i32
      %add3A_450 = arith.constant 32 : i32
      %add3A_451 = arith.addi %mul3A_449, %add3A_450 : i32
      %get3A_452 = arith.index_cast %add3A_451 : i32 to index
      %get3A_453 = tpu.vector_load %arg6[%get3A_452] {strides = array<i32>} : memref<6566xi32, #tpu.memory_space<vmem>>, vector<16xi32>,
      %mul3A_454 = arith.constant 50 : i32
      %mul3A_455 = vector.broadcast %mul3A_454 : i32 to vector<16xi32>
      %mul3A_456 = arith.muli %get3A_453, %mul3A_455 : vector<16xi32>
      %add3A_457 = vector.broadcast %sub3A_370 : i32 to vector<16xi32>
      %add3A_458 = arith.addi %add3A_457, %mul3A_456 : vector<16xi32>
      %add3A_459 = arith.addi %add3A_458, %add3A_447 : vector<16xi32>
      %lt3A_460 = arith.constant 50 : i32
      %lt3A_461 = vector.broadcast %lt3A_460 : i32 to vector<16xi32>
      %lt3A_462 = arith.cmpi slt, %add3A_447, %lt3A_461 : vector<16xi32>
      %ge3A_463 = arith.constant 0 : i32
      %ge3A_464 = vector.broadcast %ge3A_463 : i32 to vector<16xi32>
      %ge3A_465 = arith.cmpi sge, %add3A_459, %ge3A_464 : vector<16xi32>
      %and3A_466 = arith.andi %lt3A_462, %ge3A_465 : vector<16xi1>
      %lt3A_467 = arith.constant 10240 : i32
      %lt3A_468 = vector.broadcast %lt3A_467 : i32 to vector<16xi32>
      %lt3A_469 = arith.cmpi slt, %add3A_459, %lt3A_468 : vector<16xi32>
      %and3A_470 = arith.andi %and3A_466, %lt3A_469 : vector<16xi1>
      %broadcast_in_dim3A_471 = vector.broadcast %lt3A_365 : i1 to vector<16xi1>
      %and3A_472 = arith.andi %and3A_470, %broadcast_in_dim3A_471 : vector<16xi1>
      %max3A_473 = arith.constant 0 : i32
      %max3A_474 = vector.broadcast %max3A_473 : i32 to vector<16xi32>
      %max3A_475 = arith.maxsi %add3A_459, %max3A_474 : vector<16xi32>
      %shift_right_logical3A_476 = arith.constant 7 : i32
      %shift_right_logical3A_477 = vector.broadcast %shift_right_logical3A_476 : i32 to vector<16xi32>
      %shift_right_logical3A_478 = arith.shrui %max3A_475, %shift_right_logical3A_477 : vector<16xi32>
      %and3A_479 = arith.constant 127 : i32
      %and3A_480 = vector.broadcast %and3A_479 : i32 to vector<16xi32>
      %and3A_481 = arith.andi %max3A_475, %and3A_480 : vector<16xi32>
      tpu.vector_store_idx %arg4[%shift_right_logical3A_478, %and3A_481], %broadcast_in_dim3A_13 masked %and3A_472 : memref<80x128xi32, #tpu.memory_space<vmem>>[vector<16xi32>, vector<16xi32>], vector<16xi32>, vector<16xi1>
      %add3A_482 = arith.constant 48 : i32
      %add3A_483 = vector.broadcast %add3A_482 : i32 to vector<16xi32>
      %add3A_484 = arith.addi %add3A_483, %iota3A : vector<16xi32>
      %mul3A_485 = arith.constant 50 : i32
      %mul3A_486 = arith.muli %sub3A_363, %mul3A_485 : i32
      %add3A_487 = arith.constant 48 : i32
      %add3A_488 = arith.addi %mul3A_486, %add3A_487 : i32
      %get3A_489 = arith.index_cast %add3A_488 : i32 to index
      %get3A_490 = tpu.vector_load %arg6[%get3A_489] {strides = array<i32>} : memref<6566xi32, #tpu.memory_space<vmem>>, vector<16xi32>,
      %mul3A_491 = arith.constant 50 : i32
      %mul3A_492 = vector.broadcast %mul3A_491 : i32 to vector<16xi32>
      %mul3A_493 = arith.muli %get3A_490, %mul3A_492 : vector<16xi32>
      %add3A_494 = vector.broadcast %sub3A_370 : i32 to vector<16xi32>
      %add3A_495 = arith.addi %add3A_494, %mul3A_493 : vector<16xi32>
      %add3A_496 = arith.addi %add3A_495, %add3A_484 : vector<16xi32>
      %lt3A_497 = arith.constant 50 : i32
      %lt3A_498 = vector.broadcast %lt3A_497 : i32 to vector<16xi32>
      %lt3A_499 = arith.cmpi slt, %add3A_484, %lt3A_498 : vector<16xi32>
      %ge3A_500 = arith.constant 0 : i32
      %ge3A_501 = vector.broadcast %ge3A_500 : i32 to vector<16xi32>
      %ge3A_502 = arith.cmpi sge, %add3A_496, %ge3A_501 : vector<16xi32>
      %and3A_503 = arith.andi %lt3A_499, %ge3A_502 : vector<16xi1>
      %lt3A_504 = arith.constant 10240 : i32
      %lt3A_505 = vector.broadcast %lt3A_504 : i32 to vector<16xi32>
      %lt3A_506 = arith.cmpi slt, %add3A_496, %lt3A_505 : vector<16xi32>
      %and3A_507 = arith.andi %and3A_503, %lt3A_506 : vector<16xi1>
      %broadcast_in_dim3A_508 = vector.broadcast %lt3A_365 : i1 to vector<16xi1>
      %and3A_509 = arith.andi %and3A_507, %broadcast_in_dim3A_508 : vector<16xi1>
      %max3A_510 = arith.constant 0 : i32
      %max3A_511 = vector.broadcast %max3A_510 : i32 to vector<16xi32>
      %max3A_512 = arith.maxsi %add3A_496, %max3A_511 : vector<16xi32>
      %shift_right_logical3A_513 = arith.constant 7 : i32
      %shift_right_logical3A_514 = vector.broadcast %shift_right_logical3A_513 : i32 to vector<16xi32>
      %shift_right_logical3A_515 = arith.shrui %max3A_512, %shift_right_logical3A_514 : vector<16xi32>
      %and3A_516 = arith.constant 127 : i32
      %and3A_517 = vector.broadcast %and3A_516 : i32 to vector<16xi32>
      %and3A_518 = arith.andi %max3A_512, %and3A_517 : vector<16xi32>
      tpu.vector_store_idx %arg4[%shift_right_logical3A_515, %and3A_518], %broadcast_in_dim3A_13 masked %and3A_509 : memref<80x128xi32, #tpu.memory_space<vmem>>[vector<16xi32>, vector<16xi32>], vector<16xi32>, vector<16xi1>
      %mul3A_519 = arith.constant 2 : i32
      %mul3A_520 = arith.muli %mul3A_519, %scan3A_40 : i32
      %dma_start3A = arith.constant 0 : i32
      %dma_start3A_521 = arith.constant 0 : i32
      %dma_start3A_522 = arith.constant 0 : i32
      %dma_start3A_523 = tpu.memref_slice %arg7[%arg1, %dma_start3A, %dma_start3A_521, %dma_start3A_522] : memref<16x2x80x128xi32, #tpu.memory_space<vmem_shared>> -> memref<1x1x80x128xi32, #tpu.memory_space<vmem_shared>>
      %dma_start3A_524 = tpu.memref_squeeze %dma_start3A_523 : memref<1x1x80x128xi32, #tpu.memory_space<vmem_shared>> -> memref<80x128xi32, #tpu.memory_space<vmem_shared>>
      %dma_start3A_525 = arith.constant 0 : i32
      %dma_start3A_526 = arith.constant 0 : i32
      %dma_start3A_527 = tpu.memref_slice %arg7[%arg1, %dma_start3A, %dma_start3A_525, %dma_start3A_526] : memref<16x2x80x128xi32, #tpu.memory_space<vmem_shared>> -> memref<1x1x80x128xi32, #tpu.memory_space<vmem_shared>>
      %dma_start3A_528 = tpu.memref_squeeze %dma_start3A_527 : memref<1x1x80x128xi32, #tpu.memory_space<vmem_shared>> -> memref<80x128xi32, #tpu.memory_space<vmem_shared>>
      tpu.enqueue_dma source(%arg4 : memref<80x128xi32, #tpu.memory_space<vmem>>) target(%dma_start3A_528 : memref<80x128xi32, #tpu.memory_space<vmem_shared>>) target_semaphore(%arg8 : memref<!tpu.dma_semaphore, #tpu.memory_space<semaphore_mem>>)
      %dma_wait3A_529 = arith.constant 0 : i32
      %dma_wait3A_530 = arith.constant 0 : i32
      %dma_wait3A_531 = arith.constant 0 : i32
      %dma_wait3A_532 = tpu.memref_slice %arg7[%arg1, %dma_wait3A_529, %dma_wait3A_530, %dma_wait3A_531] : memref<16x2x80x128xi32, #tpu.memory_space<vmem_shared>> -> memref<1x1x80x128xi32, #tpu.memory_space<vmem_shared>>
      %dma_wait3A_533 = tpu.memref_squeeze %dma_wait3A_532 : memref<1x1x80x128xi32, #tpu.memory_space<vmem_shared>> -> memref<80x128xi32, #tpu.memory_space<vmem_shared>>
      %dma_wait3A_534 = arith.constant 0 : i32
      %dma_wait3A_535 = arith.constant 0 : i32
      %dma_wait3A_536 = tpu.memref_slice %arg7[%arg1, %dma_wait3A_529, %dma_wait3A_534, %dma_wait3A_535] : memref<16x2x80x128xi32, #tpu.memory_space<vmem_shared>> -> memref<1x1x80x128xi32, #tpu.memory_space<vmem_shared>>
      %dma_wait3A_537 = tpu.memref_squeeze %dma_wait3A_536 : memref<1x1x80x128xi32, #tpu.memory_space<vmem_shared>> -> memref<80x128xi32, #tpu.memory_space<vmem_shared>>
      tpu.wait_dma2 semaphore(%arg8 : memref<!tpu.dma_semaphore, #tpu.memory_space<semaphore_mem>>) src(%arg4 : memref<80x128xi32, #tpu.memory_space<vmem>>) dst(%dma_wait3A_537 : memref<80x128xi32, #tpu.memory_space<vmem_shared>>)
      %mul3A_538 = arith.constant 80 : i32
      %mul3A_539 = arith.muli %mul3A_520, %mul3A_538 : i32
      %add3A_540 = arith.addi %mul3A_6, %mul3A_539 : i32
      %dma_start3A_541 = arith.constant 0 : i32
      %dma_start3A_542 = arith.constant 0 : i32
      %dma_start3A_543 = tpu.memref_slice %arg3[%add3A_540, %dma_start3A_542] : memref<1600000x128xi32, #tpu.memory_space<hbm>> -> memref<80x128xi32, #tpu.memory_space<hbm>>
      %dma_start3A_544 = arith.constant 0 : i32
      %dma_start3A_545 = arith.constant 0 : i32
      %dma_start3A_546 = tpu.memref_slice %arg7[%arg1, %dma_start3A_541, %dma_start3A_544, %dma_start3A_545] : memref<16x2x80x128xi32, #tpu.memory_space<vmem_shared>> -> memref<1x1x80x128xi32, #tpu.memory_space<vmem_shared>>
      %dma_start3A_547 = tpu.memref_squeeze %dma_start3A_546 : memref<1x1x80x128xi32, #tpu.memory_space<vmem_shared>> -> memref<80x128xi32, #tpu.memory_space<vmem_shared>>
      tpu.enqueue_dma source(%dma_start3A_547 : memref<80x128xi32, #tpu.memory_space<vmem_shared>>) target(%dma_start3A_543 : memref<80x128xi32, #tpu.memory_space<hbm>>) target_semaphore(%arg9 : memref<!tpu.dma_semaphore, #tpu.memory_space<semaphore_mem>>)
      %mul3A_548 = arith.constant 2 : i32
      %mul3A_549 = arith.muli %mul3A_548, %scan3A_40 : i32
      %add3A_550 = arith.constant 1 : i32
      %add3A_551 = arith.addi %mul3A_549, %add3A_550 : i32
      %lt3A_552 = arith.constant 625 : i32
      %lt3A_553 = arith.cmpi slt, %add3A_551, %lt3A_552 : i32
      %convert_element_type3A_554 = arith.extui %lt3A_553 : i1 to i32
      %cond3A_555 = arith.constant 0 : i32
      %cond3A_556 = arith.cmpi ne, %convert_element_type3A_554, %cond3A_555 : i32
      scf.if %cond3A_556 {
        %gt3A_558 = arith.constant 0 : i32
        %gt3A_559 = arith.cmpi sgt, %scan3A_40, %gt3A_558 : i32
        %convert_element_type3A_560 = arith.extui %gt3A_559 : i1 to i32
        %cond3A_561 = arith.constant 0 : i32
        %cond3A_562 = arith.cmpi ne, %convert_element_type3A_560, %cond3A_561 : i32
        scf.if %cond3A_562 {
          %mul3A_1080 = arith.constant 2 : i32
          %mul3A_1081 = arith.muli %mul3A_1080, %scan3A_40 : i32
          %sub3A_1082 = arith.constant 1 : i32
          %sub3A_1083 = arith.subi %mul3A_1081, %sub3A_1082 : i32
          %mul3A_1084 = arith.constant 80 : i32
          %mul3A_1085 = arith.muli %sub3A_1083, %mul3A_1084 : i32
          %add3A_1086 = arith.addi %mul3A_6, %mul3A_1085 : i32
          %dma_wait3A_1087 = arith.constant 1 : i32
          %dma_wait3A_1088 = arith.constant 0 : i32
          %dma_wait3A_1089 = tpu.memref_slice %arg3[%add3A_1086, %dma_wait3A_1088] : memref<1600000x128xi32, #tpu.memory_space<hbm>> -> memref<80x128xi32, #tpu.memory_space<hbm>>
          %dma_wait3A_1090 = arith.constant 0 : i32
          %dma_wait3A_1091 = arith.constant 0 : i32
          %dma_wait3A_1092 = tpu.memref_slice %arg7[%arg1, %dma_wait3A_1087, %dma_wait3A_1090, %dma_wait3A_1091] : memref<16x2x80x128xi32, #tpu.memory_space<vmem_shared>> -> memref<1x1x80x128xi32, #tpu.memory_space<vmem_shared>>
          %dma_wait3A_1093 = tpu.memref_squeeze %dma_wait3A_1092 : memref<1x1x80x128xi32, #tpu.memory_space<vmem_shared>> -> memref<80x128xi32, #tpu.memory_space<vmem_shared>>
          tpu.wait_dma2 semaphore(%arg10 : memref<!tpu.dma_semaphore, #tpu.memory_space<semaphore_mem>>) src(%dma_wait3A_1093 : memref<80x128xi32, #tpu.memory_space<vmem_shared>>) dst(%dma_wait3A_1089 : memref<80x128xi32, #tpu.memory_space<hbm>>)
          %mul3A_1094 = arith.constant 2 : i32
          %mul3A_1095 = arith.muli %mul3A_1094, %scan3A_40 : i32
          %sub3A_1096 = arith.constant 1 : i32
          %sub3A_1097 = arith.subi %mul3A_1095, %sub3A_1096 : i32
          %mul3A_1098 = arith.constant 80 : i32
          %mul3A_1099 = arith.muli %sub3A_1097, %mul3A_1098 : i32
          %add3A_1100 = arith.addi %mul3A_6, %mul3A_1099 : i32
          %mul3A_1101 = arith.constant 128 : i32
          %mul3A_1102 = arith.muli %add3A_1100, %mul3A_1101 : i32
          %div3A_1103 = arith.constant 50000 : i32
          %div3A_1104 = arith.divsi %mul3A_1102, %div3A_1103 : i32
          %add3A_1105 = arith.constant 0 : i32
          %add3A_1106 = arith.addi %div3A_1104, %add3A_1105 : i32
          %sub3A_1107 = arith.subi %add3A_1106, %mul3A_2 : i32
          %lt3A_1108 = arith.constant 128 : i32
          %lt3A_1109 = arith.cmpi slt, %sub3A_1107, %lt3A_1108 : i32
          %add3A_1110 = arith.constant 0 : i32
          %add3A_1111 = arith.addi %div3A_1104, %add3A_1110 : i32
          %mul3A_1112 = arith.constant 50000 : i32
          %mul3A_1113 = arith.muli %add3A_1111, %mul3A_1112 : i32
          %sub3A_1114 = arith.subi %mul3A_1113, %mul3A_1102 : i32
          %add3A_1115 = arith.constant 0 : i32
          %add3A_1116 = vector.broadcast %add3A_1115 : i32 to vector<16xi32>
          %add3A_1117 = arith.addi %add3A_1116, %iota3A : vector<16xi32>
          %mul3A_1118 = arith.constant 50 : i32
          %mul3A_1119 = arith.muli %sub3A_1107, %mul3A_1118 : i32
          %add3A_1120 = arith.constant 0 : i32
          %add3A_1121 = arith.addi %mul3A_1119, %add3A_1120 : i32
          %get3A_1122 = arith.index_cast %add3A_1121 : i32 to index
          %get3A_1123 = tpu.vector_load %arg6[%get3A_1122] {strides = array<i32>} : memref<6566xi32, #tpu.memory_space<vmem>>, vector<16xi32>,
          %mul3A_1124 = arith.constant 50 : i32
          %mul3A_1125 = vector.broadcast %mul3A_1124 : i32 to vector<16xi32>
          %mul3A_1126 = arith.muli %get3A_1123, %mul3A_1125 : vector<16xi32>
          %add3A_1127 = vector.broadcast %sub3A_1114 : i32 to vector<16xi32>
          %add3A_1128 = arith.addi %add3A_1127, %mul3A_1126 : vector<16xi32>
          %add3A_1129 = arith.addi %add3A_1128, %add3A_1117 : vector<16xi32>
          %lt3A_1130 = arith.constant 50 : i32
          %lt3A_1131 = vector.broadcast %lt3A_1130 : i32 to vector<16xi32>
          %lt3A_1132 = arith.cmpi slt, %add3A_1117, %lt3A_1131 : vector<16xi32>
          %ge3A_1133 = arith.constant 0 : i32
          %ge3A_1134 = vector.broadcast %ge3A_1133 : i32 to vector<16xi32>
          %ge3A_1135 = arith.cmpi sge, %add3A_1129, %ge3A_1134 : vector<16xi32>
          %and3A_1136 = arith.andi %lt3A_1132, %ge3A_1135 : vector<16xi1>
          %lt3A_1137 = arith.constant 10240 : i32
          %lt3A_1138 = vector.broadcast %lt3A_1137 : i32 to vector<16xi32>
          %lt3A_1139 = arith.cmpi slt, %add3A_1129, %lt3A_1138 : vector<16xi32>
          %and3A_1140 = arith.andi %and3A_1136, %lt3A_1139 : vector<16xi1>
          %broadcast_in_dim3A_1141 = vector.broadcast %lt3A_1109 : i1 to vector<16xi1>
          %and3A_1142 = arith.andi %and3A_1140, %broadcast_in_dim3A_1141 : vector<16xi1>
          %max3A_1143 = arith.constant 0 : i32
          %max3A_1144 = vector.broadcast %max3A_1143 : i32 to vector<16xi32>
          %max3A_1145 = arith.maxsi %add3A_1129, %max3A_1144 : vector<16xi32>
          %shift_right_logical3A_1146 = arith.constant 7 : i32
          %shift_right_logical3A_1147 = vector.broadcast %shift_right_logical3A_1146 : i32 to vector<16xi32>
          %shift_right_logical3A_1148 = arith.shrui %max3A_1145, %shift_right_logical3A_1147 : vector<16xi32>
          %and3A_1149 = arith.constant 127 : i32
          %and3A_1150 = vector.broadcast %and3A_1149 : i32 to vector<16xi32>
          %and3A_1151 = arith.andi %max3A_1145, %and3A_1150 : vector<16xi32>
          tpu.vector_store_idx %arg5[%shift_right_logical3A_1148, %and3A_1151], %broadcast_in_dim3A_15 masked %and3A_1142 : memref<80x128xi32, #tpu.memory_space<vmem>>[vector<16xi32>, vector<16xi32>], vector<16xi32>, vector<16xi1>
          %add3A_1152 = arith.constant 16 : i32
          %add3A_1153 = vector.broadcast %add3A_1152 : i32 to vector<16xi32>
          %add3A_1154 = arith.addi %add3A_1153, %iota3A : vector<16xi32>
          %mul3A_1155 = arith.constant 50 : i32
          %mul3A_1156 = arith.muli %sub3A_1107, %mul3A_1155 : i32
          %add3A_1157 = arith.constant 16 : i32
          %add3A_1158 = arith.addi %mul3A_1156, %add3A_1157 : i32
          %get3A_1159 = arith.index_cast %add3A_1158 : i32 to index
          %get3A_1160 = tpu.vector_load %arg6[%get3A_1159] {strides = array<i32>} : memref<6566xi32, #tpu.memory_space<vmem>>, vector<16xi32>,
          %mul3A_1161 = arith.constant 50 : i32
          %mul3A_1162 = vector.broadcast %mul3A_1161 : i32 to vector<16xi32>
          %mul3A_1163 = arith.muli %get3A_1160, %mul3A_1162 : vector<16xi32>
          %add3A_1164 = vector.broadcast %sub3A_1114 : i32 to vector<16xi32>
          %add3A_1165 = arith.addi %add3A_1164, %mul3A_1163 : vector<16xi32>
          %add3A_1166 = arith.addi %add3A_1165, %add3A_1154 : vector<16xi32>
          %lt3A_1167 = arith.constant 50 : i32
          %lt3A_1168 = vector.broadcast %lt3A_1167 : i32 to vector<16xi32>
          %lt3A_1169 = arith.cmpi slt, %add3A_1154, %lt3A_1168 : vector<16xi32>
          %ge3A_1170 = arith.constant 0 : i32
          %ge3A_1171 = vector.broadcast %ge3A_1170 : i32 to vector<16xi32>
          %ge3A_1172 = arith.cmpi sge, %add3A_1166, %ge3A_1171 : vector<16xi32>
          %and3A_1173 = arith.andi %lt3A_1169, %ge3A_1172 : vector<16xi1>
          %lt3A_1174 = arith.constant 10240 : i32
          %lt3A_1175 = vector.broadcast %lt3A_1174 : i32 to vector<16xi32>
          %lt3A_1176 = arith.cmpi slt, %add3A_1166, %lt3A_1175 : vector<16xi32>
          %and3A_1177 = arith.andi %and3A_1173, %lt3A_1176 : vector<16xi1>
          %broadcast_in_dim3A_1178 = vector.broadcast %lt3A_1109 : i1 to vector<16xi1>
          %and3A_1179 = arith.andi %and3A_1177, %broadcast_in_dim3A_1178 : vector<16xi1>
          %max3A_1180 = arith.constant 0 : i32
          %max3A_1181 = vector.broadcast %max3A_1180 : i32 to vector<16xi32>
          %max3A_1182 = arith.maxsi %add3A_1166, %max3A_1181 : vector<16xi32>
          %shift_right_logical3A_1183 = arith.constant 7 : i32
          %shift_right_logical3A_1184 = vector.broadcast %shift_right_logical3A_1183 : i32 to vector<16xi32>
          %shift_right_logical3A_1185 = arith.shrui %max3A_1182, %shift_right_logical3A_1184 : vector<16xi32>
          %and3A_1186 = arith.constant 127 : i32
          %and3A_1187 = vector.broadcast %and3A_1186 : i32 to vector<16xi32>
          %and3A_1188 = arith.andi %max3A_1182, %and3A_1187 : vector<16xi32>
          tpu.vector_store_idx %arg5[%shift_right_logical3A_1185, %and3A_1188], %broadcast_in_dim3A_15 masked %and3A_1179 : memref<80x128xi32, #tpu.memory_space<vmem>>[vector<16xi32>, vector<16xi32>], vector<16xi32>, vector<16xi1>
          %add3A_1189 = arith.constant 32 : i32
          %add3A_1190 = vector.broadcast %add3A_1189 : i32 to vector<16xi32>
          %add3A_1191 = arith.addi %add3A_1190, %iota3A : vector<16xi32>
          %mul3A_1192 = arith.constant 50 : i32
          %mul3A_1193 = arith.muli %sub3A_1107, %mul3A_1192 : i32
          %add3A_1194 = arith.constant 32 : i32
          %add3A_1195 = arith.addi %mul3A_1193, %add3A_1194 : i32
          %get3A_1196 = arith.index_cast %add3A_1195 : i32 to index
          %get3A_1197 = tpu.vector_load %arg6[%get3A_1196] {strides = array<i32>} : memref<6566xi32, #tpu.memory_space<vmem>>, vector<16xi32>,
          %mul3A_1198 = arith.constant 50 : i32
          %mul3A_1199 = vector.broadcast %mul3A_1198 : i32 to vector<16xi32>
          %mul3A_1200 = arith.muli %get3A_1197, %mul3A_1199 : vector<16xi32>
          %add3A_1201 = vector.broadcast %sub3A_1114 : i32 to vector<16xi32>
          %add3A_1202 = arith.addi %add3A_1201, %mul3A_1200 : vector<16xi32>
          %add3A_1203 = arith.addi %add3A_1202, %add3A_1191 : vector<16xi32>
          %lt3A_1204 = arith.constant 50 : i32
          %lt3A_1205 = vector.broadcast %lt3A_1204 : i32 to vector<16xi32>
          %lt3A_1206 = arith.cmpi slt, %add3A_1191, %lt3A_1205 : vector<16xi32>
          %ge3A_1207 = arith.constant 0 : i32
          %ge3A_1208 = vector.broadcast %ge3A_1207 : i32 to vector<16xi32>
          %ge3A_1209 = arith.cmpi sge, %add3A_1203, %ge3A_1208 : vector<16xi32>
          %and3A_1210 = arith.andi %lt3A_1206, %ge3A_1209 : vector<16xi1>
          %lt3A_1211 = arith.constant 10240 : i32
          %lt3A_1212 = vector.broadcast %lt3A_1211 : i32 to vector<16xi32>
          %lt3A_1213 = arith.cmpi slt, %add3A_1203, %lt3A_1212 : vector<16xi32>
          %and3A_1214 = arith.andi %and3A_1210, %lt3A_1213 : vector<16xi1>
          %broadcast_in_dim3A_1215 = vector.broadcast %lt3A_1109 : i1 to vector<16xi1>
          %and3A_1216 = arith.andi %and3A_1214, %broadcast_in_dim3A_1215 : vector<16xi1>
          %max3A_1217 = arith.constant 0 : i32
          %max3A_1218 = vector.broadcast %max3A_1217 : i32 to vector<16xi32>
          %max3A_1219 = arith.maxsi %add3A_1203, %max3A_1218 : vector<16xi32>
          %shift_right_logical3A_1220 = arith.constant 7 : i32
          %shift_right_logical3A_1221 = vector.broadcast %shift_right_logical3A_1220 : i32 to vector<16xi32>
          %shift_right_logical3A_1222 = arith.shrui %max3A_1219, %shift_right_logical3A_1221 : vector<16xi32>
          %and3A_1223 = arith.constant 127 : i32
          %and3A_1224 = vector.broadcast %and3A_1223 : i32 to vector<16xi32>
          %and3A_1225 = arith.andi %max3A_1219, %and3A_1224 : vector<16xi32>
          tpu.vector_store_idx %arg5[%shift_right_logical3A_1222, %and3A_1225], %broadcast_in_dim3A_15 masked %and3A_1216 : memref<80x128xi32, #tpu.memory_space<vmem>>[vector<16xi32>, vector<16xi32>], vector<16xi32>, vector<16xi1>
          %add3A_1226 = arith.constant 48 : i32
          %add3A_1227 = vector.broadcast %add3A_1226 : i32 to vector<16xi32>
          %add3A_1228 = arith.addi %add3A_1227, %iota3A : vector<16xi32>
          %mul3A_1229 = arith.constant 50 : i32
          %mul3A_1230 = arith.muli %sub3A_1107, %mul3A_1229 : i32
          %add3A_1231 = arith.constant 48 : i32
          %add3A_1232 = arith.addi %mul3A_1230, %add3A_1231 : i32
          %get3A_1233 = arith.index_cast %add3A_1232 : i32 to index
          %get3A_1234 = tpu.vector_load %arg6[%get3A_1233] {strides = array<i32>} : memref<6566xi32, #tpu.memory_space<vmem>>, vector<16xi32>,
          %mul3A_1235 = arith.constant 50 : i32
          %mul3A_1236 = vector.broadcast %mul3A_1235 : i32 to vector<16xi32>
          %mul3A_1237 = arith.muli %get3A_1234, %mul3A_1236 : vector<16xi32>
          %add3A_1238 = vector.broadcast %sub3A_1114 : i32 to vector<16xi32>
          %add3A_1239 = arith.addi %add3A_1238, %mul3A_1237 : vector<16xi32>
          %add3A_1240 = arith.addi %add3A_1239, %add3A_1228 : vector<16xi32>
          %lt3A_1241 = arith.constant 50 : i32
          %lt3A_1242 = vector.broadcast %lt3A_1241 : i32 to vector<16xi32>
          %lt3A_1243 = arith.cmpi slt, %add3A_1228, %lt3A_1242 : vector<16xi32>
          %ge3A_1244 = arith.constant 0 : i32
          %ge3A_1245 = vector.broadcast %ge3A_1244 : i32 to vector<16xi32>
          %ge3A_1246 = arith.cmpi sge, %add3A_1240, %ge3A_1245 : vector<16xi32>
          %and3A_1247 = arith.andi %lt3A_1243, %ge3A_1246 : vector<16xi1>
          %lt3A_1248 = arith.constant 10240 : i32
          %lt3A_1249 = vector.broadcast %lt3A_1248 : i32 to vector<16xi32>
          %lt3A_1250 = arith.cmpi slt, %add3A_1240, %lt3A_1249 : vector<16xi32>
          %and3A_1251 = arith.andi %and3A_1247, %lt3A_1250 : vector<16xi1>
          %broadcast_in_dim3A_1252 = vector.broadcast %lt3A_1109 : i1 to vector<16xi1>
          %and3A_1253 = arith.andi %and3A_1251, %broadcast_in_dim3A_1252 : vector<16xi1>
          %max3A_1254 = arith.constant 0 : i32
          %max3A_1255 = vector.broadcast %max3A_1254 : i32 to vector<16xi32>
          %max3A_1256 = arith.maxsi %add3A_1240, %max3A_1255 : vector<16xi32>
          %shift_right_logical3A_1257 = arith.constant 7 : i32
          %shift_right_logical3A_1258 = vector.broadcast %shift_right_logical3A_1257 : i32 to vector<16xi32>
          %shift_right_logical3A_1259 = arith.shrui %max3A_1256, %shift_right_logical3A_1258 : vector<16xi32>
          %and3A_1260 = arith.constant 127 : i32
          %and3A_1261 = vector.broadcast %and3A_1260 : i32 to vector<16xi32>
          %and3A_1262 = arith.andi %max3A_1256, %and3A_1261 : vector<16xi32>
          tpu.vector_store_idx %arg5[%shift_right_logical3A_1259, %and3A_1262], %broadcast_in_dim3A_15 masked %and3A_1253 : memref<80x128xi32, #tpu.memory_space<vmem>>[vector<16xi32>, vector<16xi32>], vector<16xi32>, vector<16xi1>
          %add3A_1263 = arith.constant 1 : i32
          %add3A_1264 = arith.addi %div3A_1104, %add3A_1263 : i32
          %sub3A_1265 = arith.subi %add3A_1264, %mul3A_2 : i32
          %lt3A_1266 = arith.constant 128 : i32
          %lt3A_1267 = arith.cmpi slt, %sub3A_1265, %lt3A_1266 : i32
          %add3A_1268 = arith.constant 1 : i32
          %add3A_1269 = arith.addi %div3A_1104, %add3A_1268 : i32
          %mul3A_1270 = arith.constant 50000 : i32
          %mul3A_1271 = arith.muli %add3A_1269, %mul3A_1270 : i32
          %sub3A_1272 = arith.subi %mul3A_1271, %mul3A_1102 : i32
          %add3A_1273 = arith.constant 0 : i32
          %add3A_1274 = vector.broadcast %add3A_1273 : i32 to vector<16xi32>
          %add3A_1275 = arith.addi %add3A_1274, %iota3A : vector<16xi32>
          %mul3A_1276 = arith.constant 50 : i32
          %mul3A_1277 = arith.muli %sub3A_1265, %mul3A_1276 : i32
          %add3A_1278 = arith.constant 0 : i32
          %add3A_1279 = arith.addi %mul3A_1277, %add3A_1278 : i32
          %get3A_1280 = arith.index_cast %add3A_1279 : i32 to index
          %get3A_1281 = tpu.vector_load %arg6[%get3A_1280] {strides = array<i32>} : memref<6566xi32, #tpu.memory_space<vmem>>, vector<16xi32>,
          %mul3A_1282 = arith.constant 50 : i32
          %mul3A_1283 = vector.broadcast %mul3A_1282 : i32 to vector<16xi32>
          %mul3A_1284 = arith.muli %get3A_1281, %mul3A_1283 : vector<16xi32>
          %add3A_1285 = vector.broadcast %sub3A_1272 : i32 to vector<16xi32>
          %add3A_1286 = arith.addi %add3A_1285, %mul3A_1284 : vector<16xi32>
          %add3A_1287 = arith.addi %add3A_1286, %add3A_1275 : vector<16xi32>
          %lt3A_1288 = arith.constant 50 : i32
          %lt3A_1289 = vector.broadcast %lt3A_1288 : i32 to vector<16xi32>
          %lt3A_1290 = arith.cmpi slt, %add3A_1275, %lt3A_1289 : vector<16xi32>
          %ge3A_1291 = arith.constant 0 : i32
          %ge3A_1292 = vector.broadcast %ge3A_1291 : i32 to vector<16xi32>
          %ge3A_1293 = arith.cmpi sge, %add3A_1287, %ge3A_1292 : vector<16xi32>
          %and3A_1294 = arith.andi %lt3A_1290, %ge3A_1293 : vector<16xi1>
          %lt3A_1295 = arith.constant 10240 : i32
          %lt3A_1296 = vector.broadcast %lt3A_1295 : i32 to vector<16xi32>
          %lt3A_1297 = arith.cmpi slt, %add3A_1287, %lt3A_1296 : vector<16xi32>
          %and3A_1298 = arith.andi %and3A_1294, %lt3A_1297 : vector<16xi1>
          %broadcast_in_dim3A_1299 = vector.broadcast %lt3A_1267 : i1 to vector<16xi1>
          %and3A_1300 = arith.andi %and3A_1298, %broadcast_in_dim3A_1299 : vector<16xi1>
          %max3A_1301 = arith.constant 0 : i32
          %max3A_1302 = vector.broadcast %max3A_1301 : i32 to vector<16xi32>
          %max3A_1303 = arith.maxsi %add3A_1287, %max3A_1302 : vector<16xi32>
          %shift_right_logical3A_1304 = arith.constant 7 : i32
          %shift_right_logical3A_1305 = vector.broadcast %shift_right_logical3A_1304 : i32 to vector<16xi32>
          %shift_right_logical3A_1306 = arith.shrui %max3A_1303, %shift_right_logical3A_1305 : vector<16xi32>
          %and3A_1307 = arith.constant 127 : i32
          %and3A_1308 = vector.broadcast %and3A_1307 : i32 to vector<16xi32>
          %and3A_1309 = arith.andi %max3A_1303, %and3A_1308 : vector<16xi32>
          tpu.vector_store_idx %arg5[%shift_right_logical3A_1306, %and3A_1309], %broadcast_in_dim3A_15 masked %and3A_1300 : memref<80x128xi32, #tpu.memory_space<vmem>>[vector<16xi32>, vector<16xi32>], vector<16xi32>, vector<16xi1>
          %add3A_1310 = arith.constant 16 : i32
          %add3A_1311 = vector.broadcast %add3A_1310 : i32 to vector<16xi32>
          %add3A_1312 = arith.addi %add3A_1311, %iota3A : vector<16xi32>
          %mul3A_1313 = arith.constant 50 : i32
          %mul3A_1314 = arith.muli %sub3A_1265, %mul3A_1313 : i32
          %add3A_1315 = arith.constant 16 : i32
          %add3A_1316 = arith.addi %mul3A_1314, %add3A_1315 : i32
          %get3A_1317 = arith.index_cast %add3A_1316 : i32 to index
          %get3A_1318 = tpu.vector_load %arg6[%get3A_1317] {strides = array<i32>} : memref<6566xi32, #tpu.memory_space<vmem>>, vector<16xi32>,
          %mul3A_1319 = arith.constant 50 : i32
          %mul3A_1320 = vector.broadcast %mul3A_1319 : i32 to vector<16xi32>
          %mul3A_1321 = arith.muli %get3A_1318, %mul3A_1320 : vector<16xi32>
          %add3A_1322 = vector.broadcast %sub3A_1272 : i32 to vector<16xi32>
          %add3A_1323 = arith.addi %add3A_1322, %mul3A_1321 : vector<16xi32>
          %add3A_1324 = arith.addi %add3A_1323, %add3A_1312 : vector<16xi32>
          %lt3A_1325 = arith.constant 50 : i32
          %lt3A_1326 = vector.broadcast %lt3A_1325 : i32 to vector<16xi32>
          %lt3A_1327 = arith.cmpi slt, %add3A_1312, %lt3A_1326 : vector<16xi32>
          %ge3A_1328 = arith.constant 0 : i32
          %ge3A_1329 = vector.broadcast %ge3A_1328 : i32 to vector<16xi32>
          %ge3A_1330 = arith.cmpi sge, %add3A_1324, %ge3A_1329 : vector<16xi32>
          %and3A_1331 = arith.andi %lt3A_1327, %ge3A_1330 : vector<16xi1>
          %lt3A_1332 = arith.constant 10240 : i32
          %lt3A_1333 = vector.broadcast %lt3A_1332 : i32 to vector<16xi32>
          %lt3A_1334 = arith.cmpi slt, %add3A_1324, %lt3A_1333 : vector<16xi32>
          %and3A_1335 = arith.andi %and3A_1331, %lt3A_1334 : vector<16xi1>
          %broadcast_in_dim3A_1336 = vector.broadcast %lt3A_1267 : i1 to vector<16xi1>
          %and3A_1337 = arith.andi %and3A_1335, %broadcast_in_dim3A_1336 : vector<16xi1>
          %max3A_1338 = arith.constant 0 : i32
          %max3A_1339 = vector.broadcast %max3A_1338 : i32 to vector<16xi32>
          %max3A_1340 = arith.maxsi %add3A_1324, %max3A_1339 : vector<16xi32>
          %shift_right_logical3A_1341 = arith.constant 7 : i32
          %shift_right_logical3A_1342 = vector.broadcast %shift_right_logical3A_1341 : i32 to vector<16xi32>
          %shift_right_logical3A_1343 = arith.shrui %max3A_1340, %shift_right_logical3A_1342 : vector<16xi32>
          %and3A_1344 = arith.constant 127 : i32
          %and3A_1345 = vector.broadcast %and3A_1344 : i32 to vector<16xi32>
          %and3A_1346 = arith.andi %max3A_1340, %and3A_1345 : vector<16xi32>
          tpu.vector_store_idx %arg5[%shift_right_logical3A_1343, %and3A_1346], %broadcast_in_dim3A_15 masked %and3A_1337 : memref<80x128xi32, #tpu.memory_space<vmem>>[vector<16xi32>, vector<16xi32>], vector<16xi32>, vector<16xi1>
          %add3A_1347 = arith.constant 32 : i32
          %add3A_1348 = vector.broadcast %add3A_1347 : i32 to vector<16xi32>
          %add3A_1349 = arith.addi %add3A_1348, %iota3A : vector<16xi32>
          %mul3A_1350 = arith.constant 50 : i32
          %mul3A_1351 = arith.muli %sub3A_1265, %mul3A_1350 : i32
          %add3A_1352 = arith.constant 32 : i32
          %add3A_1353 = arith.addi %mul3A_1351, %add3A_1352 : i32
          %get3A_1354 = arith.index_cast %add3A_1353 : i32 to index
          %get3A_1355 = tpu.vector_load %arg6[%get3A_1354] {strides = array<i32>} : memref<6566xi32, #tpu.memory_space<vmem>>, vector<16xi32>,
          %mul3A_1356 = arith.constant 50 : i32
          %mul3A_1357 = vector.broadcast %mul3A_1356 : i32 to vector<16xi32>
          %mul3A_1358 = arith.muli %get3A_1355, %mul3A_1357 : vector<16xi32>
          %add3A_1359 = vector.broadcast %sub3A_1272 : i32 to vector<16xi32>
          %add3A_1360 = arith.addi %add3A_1359, %mul3A_1358 : vector<16xi32>
          %add3A_1361 = arith.addi %add3A_1360, %add3A_1349 : vector<16xi32>
          %lt3A_1362 = arith.constant 50 : i32
          %lt3A_1363 = vector.broadcast %lt3A_1362 : i32 to vector<16xi32>
          %lt3A_1364 = arith.cmpi slt, %add3A_1349, %lt3A_1363 : vector<16xi32>
          %ge3A_1365 = arith.constant 0 : i32
          %ge3A_1366 = vector.broadcast %ge3A_1365 : i32 to vector<16xi32>
          %ge3A_1367 = arith.cmpi sge, %add3A_1361, %ge3A_1366 : vector<16xi32>
          %and3A_1368 = arith.andi %lt3A_1364, %ge3A_1367 : vector<16xi1>
          %lt3A_1369 = arith.constant 10240 : i32
          %lt3A_1370 = vector.broadcast %lt3A_1369 : i32 to vector<16xi32>
          %lt3A_1371 = arith.cmpi slt, %add3A_1361, %lt3A_1370 : vector<16xi32>
          %and3A_1372 = arith.andi %and3A_1368, %lt3A_1371 : vector<16xi1>
          %broadcast_in_dim3A_1373 = vector.broadcast %lt3A_1267 : i1 to vector<16xi1>
          %and3A_1374 = arith.andi %and3A_1372, %broadcast_in_dim3A_1373 : vector<16xi1>
          %max3A_1375 = arith.constant 0 : i32
          %max3A_1376 = vector.broadcast %max3A_1375 : i32 to vector<16xi32>
          %max3A_1377 = arith.maxsi %add3A_1361, %max3A_1376 : vector<16xi32>
          %shift_right_logical3A_1378 = arith.constant 7 : i32
          %shift_right_logical3A_1379 = vector.broadcast %shift_right_logical3A_1378 : i32 to vector<16xi32>
          %shift_right_logical3A_1380 = arith.shrui %max3A_1377, %shift_right_logical3A_1379 : vector<16xi32>
          %and3A_1381 = arith.constant 127 : i32
          %and3A_1382 = vector.broadcast %and3A_1381 : i32 to vector<16xi32>
          %and3A_1383 = arith.andi %max3A_1377, %and3A_1382 : vector<16xi32>
          tpu.vector_store_idx %arg5[%shift_right_logical3A_1380, %and3A_1383], %broadcast_in_dim3A_15 masked %and3A_1374 : memref<80x128xi32, #tpu.memory_space<vmem>>[vector<16xi32>, vector<16xi32>], vector<16xi32>, vector<16xi1>
          %add3A_1384 = arith.constant 48 : i32
          %add3A_1385 = vector.broadcast %add3A_1384 : i32 to vector<16xi32>
          %add3A_1386 = arith.addi %add3A_1385, %iota3A : vector<16xi32>
          %mul3A_1387 = arith.constant 50 : i32
          %mul3A_1388 = arith.muli %sub3A_1265, %mul3A_1387 : i32
          %add3A_1389 = arith.constant 48 : i32
          %add3A_1390 = arith.addi %mul3A_1388, %add3A_1389 : i32
          %get3A_1391 = arith.index_cast %add3A_1390 : i32 to index
          %get3A_1392 = tpu.vector_load %arg6[%get3A_1391] {strides = array<i32>} : memref<6566xi32, #tpu.memory_space<vmem>>, vector<16xi32>,
          %mul3A_1393 = arith.constant 50 : i32
          %mul3A_1394 = vector.broadcast %mul3A_1393 : i32 to vector<16xi32>
          %mul3A_1395 = arith.muli %get3A_1392, %mul3A_1394 : vector<16xi32>
          %add3A_1396 = vector.broadcast %sub3A_1272 : i32 to vector<16xi32>
          %add3A_1397 = arith.addi %add3A_1396, %mul3A_1395 : vector<16xi32>
          %add3A_1398 = arith.addi %add3A_1397, %add3A_1386 : vector<16xi32>
          %lt3A_1399 = arith.constant 50 : i32
          %lt3A_1400 = vector.broadcast %lt3A_1399 : i32 to vector<16xi32>
          %lt3A_1401 = arith.cmpi slt, %add3A_1386, %lt3A_1400 : vector<16xi32>
          %ge3A_1402 = arith.constant 0 : i32
          %ge3A_1403 = vector.broadcast %ge3A_1402 : i32 to vector<16xi32>
          %ge3A_1404 = arith.cmpi sge, %add3A_1398, %ge3A_1403 : vector<16xi32>
          %and3A_1405 = arith.andi %lt3A_1401, %ge3A_1404 : vector<16xi1>
          %lt3A_1406 = arith.constant 10240 : i32
          %lt3A_1407 = vector.broadcast %lt3A_1406 : i32 to vector<16xi32>
          %lt3A_1408 = arith.cmpi slt, %add3A_1398, %lt3A_1407 : vector<16xi32>
          %and3A_1409 = arith.andi %and3A_1405, %lt3A_1408 : vector<16xi1>
          %broadcast_in_dim3A_1410 = vector.broadcast %lt3A_1267 : i1 to vector<16xi1>
          %and3A_1411 = arith.andi %and3A_1409, %broadcast_in_dim3A_1410 : vector<16xi1>
          %max3A_1412 = arith.constant 0 : i32
          %max3A_1413 = vector.broadcast %max3A_1412 : i32 to vector<16xi32>
          %max3A_1414 = arith.maxsi %add3A_1398, %max3A_1413 : vector<16xi32>
          %shift_right_logical3A_1415 = arith.constant 7 : i32
          %shift_right_logical3A_1416 = vector.broadcast %shift_right_logical3A_1415 : i32 to vector<16xi32>
          %shift_right_logical3A_1417 = arith.shrui %max3A_1414, %shift_right_logical3A_1416 : vector<16xi32>
          %and3A_1418 = arith.constant 127 : i32
          %and3A_1419 = vector.broadcast %and3A_1418 : i32 to vector<16xi32>
          %and3A_1420 = arith.andi %max3A_1414, %and3A_1419 : vector<16xi32>
          tpu.vector_store_idx %arg5[%shift_right_logical3A_1417, %and3A_1420], %broadcast_in_dim3A_15 masked %and3A_1411 : memref<80x128xi32, #tpu.memory_space<vmem>>[vector<16xi32>, vector<16xi32>], vector<16xi32>, vector<16xi1>
          %add3A_1421 = arith.constant 2 : i32
          %add3A_1422 = arith.addi %div3A_1104, %add3A_1421 : i32
          %sub3A_1423 = arith.subi %add3A_1422, %mul3A_2 : i32
          %lt3A_1424 = arith.constant 128 : i32
          %lt3A_1425 = arith.cmpi slt, %sub3A_1423, %lt3A_1424 : i32
          %add3A_1426 = arith.constant 2 : i32
          %add3A_1427 = arith.addi %div3A_1104, %add3A_1426 : i32
          %mul3A_1428 = arith.constant 50000 : i32
          %mul3A_1429 = arith.muli %add3A_1427, %mul3A_1428 : i32
          %sub3A_1430 = arith.subi %mul3A_1429, %mul3A_1102 : i32
          %add3A_1431 = arith.constant 0 : i32
          %add3A_1432 = vector.broadcast %add3A_1431 : i32 to vector<16xi32>
          %add3A_1433 = arith.addi %add3A_1432, %iota3A : vector<16xi32>
          %mul3A_1434 = arith.constant 50 : i32
          %mul3A_1435 = arith.muli %sub3A_1423, %mul3A_1434 : i32
          %add3A_1436 = arith.constant 0 : i32
          %add3A_1437 = arith.addi %mul3A_1435, %add3A_1436 : i32
          %get3A_1438 = arith.index_cast %add3A_1437 : i32 to index
          %get3A_1439 = tpu.vector_load %arg6[%get3A_1438] {strides = array<i32>} : memref<6566xi32, #tpu.memory_space<vmem>>, vector<16xi32>,
          %mul3A_1440 = arith.constant 50 : i32
          %mul3A_1441 = vector.broadcast %mul3A_1440 : i32 to vector<16xi32>
          %mul3A_1442 = arith.muli %get3A_1439, %mul3A_1441 : vector<16xi32>
          %add3A_1443 = vector.broadcast %sub3A_1430 : i32 to vector<16xi32>
          %add3A_1444 = arith.addi %add3A_1443, %mul3A_1442 : vector<16xi32>
          %add3A_1445 = arith.addi %add3A_1444, %add3A_1433 : vector<16xi32>
          %lt3A_1446 = arith.constant 50 : i32
          %lt3A_1447 = vector.broadcast %lt3A_1446 : i32 to vector<16xi32>
          %lt3A_1448 = arith.cmpi slt, %add3A_1433, %lt3A_1447 : vector<16xi32>
          %ge3A_1449 = arith.constant 0 : i32
          %ge3A_1450 = vector.broadcast %ge3A_1449 : i32 to vector<16xi32>
          %ge3A_1451 = arith.cmpi sge, %add3A_1445, %ge3A_1450 : vector<16xi32>
          %and3A_1452 = arith.andi %lt3A_1448, %ge3A_1451 : vector<16xi1>
          %lt3A_1453 = arith.constant 10240 : i32
          %lt3A_1454 = vector.broadcast %lt3A_1453 : i32 to vector<16xi32>
          %lt3A_1455 = arith.cmpi slt, %add3A_1445, %lt3A_1454 : vector<16xi32>
          %and3A_1456 = arith.andi %and3A_1452, %lt3A_1455 : vector<16xi1>
          %broadcast_in_dim3A_1457 = vector.broadcast %lt3A_1425 : i1 to vector<16xi1>
          %and3A_1458 = arith.andi %and3A_1456, %broadcast_in_dim3A_1457 : vector<16xi1>
          %max3A_1459 = arith.constant 0 : i32
          %max3A_1460 = vector.broadcast %max3A_1459 : i32 to vector<16xi32>
          %max3A_1461 = arith.maxsi %add3A_1445, %max3A_1460 : vector<16xi32>
          %shift_right_logical3A_1462 = arith.constant 7 : i32
          %shift_right_logical3A_1463 = vector.broadcast %shift_right_logical3A_1462 : i32 to vector<16xi32>
          %shift_right_logical3A_1464 = arith.shrui %max3A_1461, %shift_right_logical3A_1463 : vector<16xi32>
          %and3A_1465 = arith.constant 127 : i32
          %and3A_1466 = vector.broadcast %and3A_1465 : i32 to vector<16xi32>
          %and3A_1467 = arith.andi %max3A_1461, %and3A_1466 : vector<16xi32>
          tpu.vector_store_idx %arg5[%shift_right_logical3A_1464, %and3A_1467], %broadcast_in_dim3A_15 masked %and3A_1458 : memref<80x128xi32, #tpu.memory_space<vmem>>[vector<16xi32>, vector<16xi32>], vector<16xi32>, vector<16xi1>
          %add3A_1468 = arith.constant 16 : i32
          %add3A_1469 = vector.broadcast %add3A_1468 : i32 to vector<16xi32>
          %add3A_1470 = arith.addi %add3A_1469, %iota3A : vector<16xi32>
          %mul3A_1471 = arith.constant 50 : i32
          %mul3A_1472 = arith.muli %sub3A_1423, %mul3A_1471 : i32
          %add3A_1473 = arith.constant 16 : i32
          %add3A_1474 = arith.addi %mul3A_1472, %add3A_1473 : i32
          %get3A_1475 = arith.index_cast %add3A_1474 : i32 to index
          %get3A_1476 = tpu.vector_load %arg6[%get3A_1475] {strides = array<i32>} : memref<6566xi32, #tpu.memory_space<vmem>>, vector<16xi32>,
          %mul3A_1477 = arith.constant 50 : i32
          %mul3A_1478 = vector.broadcast %mul3A_1477 : i32 to vector<16xi32>
          %mul3A_1479 = arith.muli %get3A_1476, %mul3A_1478 : vector<16xi32>
          %add3A_1480 = vector.broadcast %sub3A_1430 : i32 to vector<16xi32>
          %add3A_1481 = arith.addi %add3A_1480, %mul3A_1479 : vector<16xi32>
          %add3A_1482 = arith.addi %add3A_1481, %add3A_1470 : vector<16xi32>
          %lt3A_1483 = arith.constant 50 : i32
          %lt3A_1484 = vector.broadcast %lt3A_1483 : i32 to vector<16xi32>
          %lt3A_1485 = arith.cmpi slt, %add3A_1470, %lt3A_1484 : vector<16xi32>
          %ge3A_1486 = arith.constant 0 : i32
          %ge3A_1487 = vector.broadcast %ge3A_1486 : i32 to vector<16xi32>
          %ge3A_1488 = arith.cmpi sge, %add3A_1482, %ge3A_1487 : vector<16xi32>
          %and3A_1489 = arith.andi %lt3A_1485, %ge3A_1488 : vector<16xi1>
          %lt3A_1490 = arith.constant 10240 : i32
          %lt3A_1491 = vector.broadcast %lt3A_1490 : i32 to vector<16xi32>
          %lt3A_1492 = arith.cmpi slt, %add3A_1482, %lt3A_1491 : vector<16xi32>
          %and3A_1493 = arith.andi %and3A_1489, %lt3A_1492 : vector<16xi1>
          %broadcast_in_dim3A_1494 = vector.broadcast %lt3A_1425 : i1 to vector<16xi1>
          %and3A_1495 = arith.andi %and3A_1493, %broadcast_in_dim3A_1494 : vector<16xi1>
          %max3A_1496 = arith.constant 0 : i32
          %max3A_1497 = vector.broadcast %max3A_1496 : i32 to vector<16xi32>
          %max3A_1498 = arith.maxsi %add3A_1482, %max3A_1497 : vector<16xi32>
          %shift_right_logical3A_1499 = arith.constant 7 : i32
          %shift_right_logical3A_1500 = vector.broadcast %shift_right_logical3A_1499 : i32 to vector<16xi32>
          %shift_right_logical3A_1501 = arith.shrui %max3A_1498, %shift_right_logical3A_1500 : vector<16xi32>
          %and3A_1502 = arith.constant 127 : i32
          %and3A_1503 = vector.broadcast %and3A_1502 : i32 to vector<16xi32>
          %and3A_1504 = arith.andi %max3A_1498, %and3A_1503 : vector<16xi32>
          tpu.vector_store_idx %arg5[%shift_right_logical3A_1501, %and3A_1504], %broadcast_in_dim3A_15 masked %and3A_1495 : memref<80x128xi32, #tpu.memory_space<vmem>>[vector<16xi32>, vector<16xi32>], vector<16xi32>, vector<16xi1>
          %add3A_1505 = arith.constant 32 : i32
          %add3A_1506 = vector.broadcast %add3A_1505 : i32 to vector<16xi32>
          %add3A_1507 = arith.addi %add3A_1506, %iota3A : vector<16xi32>
          %mul3A_1508 = arith.constant 50 : i32
          %mul3A_1509 = arith.muli %sub3A_1423, %mul3A_1508 : i32
          %add3A_1510 = arith.constant 32 : i32
          %add3A_1511 = arith.addi %mul3A_1509, %add3A_1510 : i32
          %get3A_1512 = arith.index_cast %add3A_1511 : i32 to index
          %get3A_1513 = tpu.vector_load %arg6[%get3A_1512] {strides = array<i32>} : memref<6566xi32, #tpu.memory_space<vmem>>, vector<16xi32>,
          %mul3A_1514 = arith.constant 50 : i32
          %mul3A_1515 = vector.broadcast %mul3A_1514 : i32 to vector<16xi32>
          %mul3A_1516 = arith.muli %get3A_1513, %mul3A_1515 : vector<16xi32>
          %add3A_1517 = vector.broadcast %sub3A_1430 : i32 to vector<16xi32>
          %add3A_1518 = arith.addi %add3A_1517, %mul3A_1516 : vector<16xi32>
          %add3A_1519 = arith.addi %add3A_1518, %add3A_1507 : vector<16xi32>
          %lt3A_1520 = arith.constant 50 : i32
          %lt3A_1521 = vector.broadcast %lt3A_1520 : i32 to vector<16xi32>
          %lt3A_1522 = arith.cmpi slt, %add3A_1507, %lt3A_1521 : vector<16xi32>
          %ge3A_1523 = arith.constant 0 : i32
          %ge3A_1524 = vector.broadcast %ge3A_1523 : i32 to vector<16xi32>
          %ge3A_1525 = arith.cmpi sge, %add3A_1519, %ge3A_1524 : vector<16xi32>
          %and3A_1526 = arith.andi %lt3A_1522, %ge3A_1525 : vector<16xi1>
          %lt3A_1527 = arith.constant 10240 : i32
          %lt3A_1528 = vector.broadcast %lt3A_1527 : i32 to vector<16xi32>
          %lt3A_1529 = arith.cmpi slt, %add3A_1519, %lt3A_1528 : vector<16xi32>
          %and3A_1530 = arith.andi %and3A_1526, %lt3A_1529 : vector<16xi1>
          %broadcast_in_dim3A_1531 = vector.broadcast %lt3A_1425 : i1 to vector<16xi1>
          %and3A_1532 = arith.andi %and3A_1530, %broadcast_in_dim3A_1531 : vector<16xi1>
          %max3A_1533 = arith.constant 0 : i32
          %max3A_1534 = vector.broadcast %max3A_1533 : i32 to vector<16xi32>
          %max3A_1535 = arith.maxsi %add3A_1519, %max3A_1534 : vector<16xi32>
          %shift_right_logical3A_1536 = arith.constant 7 : i32
          %shift_right_logical3A_1537 = vector.broadcast %shift_right_logical3A_1536 : i32 to vector<16xi32>
          %shift_right_logical3A_1538 = arith.shrui %max3A_1535, %shift_right_logical3A_1537 : vector<16xi32>
          %and3A_1539 = arith.constant 127 : i32
          %and3A_1540 = vector.broadcast %and3A_1539 : i32 to vector<16xi32>
          %and3A_1541 = arith.andi %max3A_1535, %and3A_1540 : vector<16xi32>
          tpu.vector_store_idx %arg5[%shift_right_logical3A_1538, %and3A_1541], %broadcast_in_dim3A_15 masked %and3A_1532 : memref<80x128xi32, #tpu.memory_space<vmem>>[vector<16xi32>, vector<16xi32>], vector<16xi32>, vector<16xi1>
          %add3A_1542 = arith.constant 48 : i32
          %add3A_1543 = vector.broadcast %add3A_1542 : i32 to vector<16xi32>
          %add3A_1544 = arith.addi %add3A_1543, %iota3A : vector<16xi32>
          %mul3A_1545 = arith.constant 50 : i32
          %mul3A_1546 = arith.muli %sub3A_1423, %mul3A_1545 : i32
          %add3A_1547 = arith.constant 48 : i32
          %add3A_1548 = arith.addi %mul3A_1546, %add3A_1547 : i32
          %get3A_1549 = arith.index_cast %add3A_1548 : i32 to index
          %get3A_1550 = tpu.vector_load %arg6[%get3A_1549] {strides = array<i32>} : memref<6566xi32, #tpu.memory_space<vmem>>, vector<16xi32>,
          %mul3A_1551 = arith.constant 50 : i32
          %mul3A_1552 = vector.broadcast %mul3A_1551 : i32 to vector<16xi32>
          %mul3A_1553 = arith.muli %get3A_1550, %mul3A_1552 : vector<16xi32>
          %add3A_1554 = vector.broadcast %sub3A_1430 : i32 to vector<16xi32>
          %add3A_1555 = arith.addi %add3A_1554, %mul3A_1553 : vector<16xi32>
          %add3A_1556 = arith.addi %add3A_1555, %add3A_1544 : vector<16xi32>
          %lt3A_1557 = arith.constant 50 : i32
          %lt3A_1558 = vector.broadcast %lt3A_1557 : i32 to vector<16xi32>
          %lt3A_1559 = arith.cmpi slt, %add3A_1544, %lt3A_1558 : vector<16xi32>
          %ge3A_1560 = arith.constant 0 : i32
          %ge3A_1561 = vector.broadcast %ge3A_1560 : i32 to vector<16xi32>
          %ge3A_1562 = arith.cmpi sge, %add3A_1556, %ge3A_1561 : vector<16xi32>
          %and3A_1563 = arith.andi %lt3A_1559, %ge3A_1562 : vector<16xi1>
          %lt3A_1564 = arith.constant 10240 : i32
          %lt3A_1565 = vector.broadcast %lt3A_1564 : i32 to vector<16xi32>
          %lt3A_1566 = arith.cmpi slt, %add3A_1556, %lt3A_1565 : vector<16xi32>
          %and3A_1567 = arith.andi %and3A_1563, %lt3A_1566 : vector<16xi1>
          %broadcast_in_dim3A_1568 = vector.broadcast %lt3A_1425 : i1 to vector<16xi1>
          %and3A_1569 = arith.andi %and3A_1567, %broadcast_in_dim3A_1568 : vector<16xi1>
          %max3A_1570 = arith.constant 0 : i32
          %max3A_1571 = vector.broadcast %max3A_1570 : i32 to vector<16xi32>
          %max3A_1572 = arith.maxsi %add3A_1556, %max3A_1571 : vector<16xi32>
          %shift_right_logical3A_1573 = arith.constant 7 : i32
          %shift_right_logical3A_1574 = vector.broadcast %shift_right_logical3A_1573 : i32 to vector<16xi32>
          %shift_right_logical3A_1575 = arith.shrui %max3A_1572, %shift_right_logical3A_1574 : vector<16xi32>
          %and3A_1576 = arith.constant 127 : i32
          %and3A_1577 = vector.broadcast %and3A_1576 : i32 to vector<16xi32>
          %and3A_1578 = arith.andi %max3A_1572, %and3A_1577 : vector<16xi32>
          tpu.vector_store_idx %arg5[%shift_right_logical3A_1575, %and3A_1578], %broadcast_in_dim3A_15 masked %and3A_1569 : memref<80x128xi32, #tpu.memory_space<vmem>>[vector<16xi32>, vector<16xi32>], vector<16xi32>, vector<16xi1>
        } else {
        }
        %mul3A_563 = arith.constant 2 : i32
        %mul3A_564 = arith.muli %mul3A_563, %scan3A_40 : i32
        %add3A_565 = arith.constant 1 : i32
        %add3A_566 = arith.addi %mul3A_564, %add3A_565 : i32
        %mul3A_567 = arith.constant 80 : i32
        %mul3A_568 = arith.muli %add3A_566, %mul3A_567 : i32
        %add3A_569 = arith.addi %mul3A_6, %mul3A_568 : i32
        %mul3A_570 = arith.constant 128 : i32
        %mul3A_571 = arith.muli %add3A_569, %mul3A_570 : i32
        %div3A_572 = arith.constant 50000 : i32
        %div3A_573 = arith.divsi %mul3A_571, %div3A_572 : i32
        %add3A_574 = arith.constant 0 : i32
        %add3A_575 = arith.addi %div3A_573, %add3A_574 : i32
        %sub3A_576 = arith.subi %add3A_575, %mul3A_2 : i32
        %lt3A_577 = arith.constant 128 : i32
        %lt3A_578 = arith.cmpi slt, %sub3A_576, %lt3A_577 : i32
        %add3A_579 = arith.constant 0 : i32
        %add3A_580 = arith.addi %div3A_573, %add3A_579 : i32
        %mul3A_581 = arith.constant 50000 : i32
        %mul3A_582 = arith.muli %add3A_580, %mul3A_581 : i32
        %sub3A_583 = arith.subi %mul3A_582, %mul3A_571 : i32
        %add3A_584 = arith.constant 0 : i32
        %add3A_585 = vector.broadcast %add3A_584 : i32 to vector<16xi32>
        %add3A_586 = arith.addi %add3A_585, %iota3A : vector<16xi32>
        %mul3A_587 = arith.constant 50 : i32
        %mul3A_588 = arith.muli %sub3A_576, %mul3A_587 : i32
        %add3A_589 = arith.constant 0 : i32
        %add3A_590 = arith.addi %mul3A_588, %add3A_589 : i32
        %get3A_591 = arith.index_cast %add3A_590 : i32 to index
        %get3A_592 = tpu.vector_load %arg6[%get3A_591] {strides = array<i32>} : memref<6566xi32, #tpu.memory_space<vmem>>, vector<16xi32>,
        %mul3A_593 = arith.constant 50 : i32
        %mul3A_594 = vector.broadcast %mul3A_593 : i32 to vector<16xi32>
        %mul3A_595 = arith.muli %get3A_592, %mul3A_594 : vector<16xi32>
        %add3A_596 = vector.broadcast %sub3A_583 : i32 to vector<16xi32>
        %add3A_597 = arith.addi %add3A_596, %mul3A_595 : vector<16xi32>
        %add3A_598 = arith.addi %add3A_597, %add3A_586 : vector<16xi32>
        %lt3A_599 = arith.constant 50 : i32
        %lt3A_600 = vector.broadcast %lt3A_599 : i32 to vector<16xi32>
        %lt3A_601 = arith.cmpi slt, %add3A_586, %lt3A_600 : vector<16xi32>
        %ge3A_602 = arith.constant 0 : i32
        %ge3A_603 = vector.broadcast %ge3A_602 : i32 to vector<16xi32>
        %ge3A_604 = arith.cmpi sge, %add3A_598, %ge3A_603 : vector<16xi32>
        %and3A_605 = arith.andi %lt3A_601, %ge3A_604 : vector<16xi1>
        %lt3A_606 = arith.constant 10240 : i32
        %lt3A_607 = vector.broadcast %lt3A_606 : i32 to vector<16xi32>
        %lt3A_608 = arith.cmpi slt, %add3A_598, %lt3A_607 : vector<16xi32>
        %and3A_609 = arith.andi %and3A_605, %lt3A_608 : vector<16xi1>
        %broadcast_in_dim3A_610 = vector.broadcast %lt3A_578 : i1 to vector<16xi1>
        %and3A_611 = arith.andi %and3A_609, %broadcast_in_dim3A_610 : vector<16xi1>
        %max3A_612 = arith.constant 0 : i32
        %max3A_613 = vector.broadcast %max3A_612 : i32 to vector<16xi32>
        %max3A_614 = arith.maxsi %add3A_598, %max3A_613 : vector<16xi32>
        %shift_right_logical3A_615 = arith.constant 7 : i32
        %shift_right_logical3A_616 = vector.broadcast %shift_right_logical3A_615 : i32 to vector<16xi32>
        %shift_right_logical3A_617 = arith.shrui %max3A_614, %shift_right_logical3A_616 : vector<16xi32>
        %and3A_618 = arith.constant 127 : i32
        %and3A_619 = vector.broadcast %and3A_618 : i32 to vector<16xi32>
        %and3A_620 = arith.andi %max3A_614, %and3A_619 : vector<16xi32>
        tpu.vector_store_idx %arg5[%shift_right_logical3A_617, %and3A_620], %broadcast_in_dim3A_13 masked %and3A_611 : memref<80x128xi32, #tpu.memory_space<vmem>>[vector<16xi32>, vector<16xi32>], vector<16xi32>, vector<16xi1>
        %add3A_621 = arith.constant 16 : i32
        %add3A_622 = vector.broadcast %add3A_621 : i32 to vector<16xi32>
        %add3A_623 = arith.addi %add3A_622, %iota3A : vector<16xi32>
        %mul3A_624 = arith.constant 50 : i32
        %mul3A_625 = arith.muli %sub3A_576, %mul3A_624 : i32
        %add3A_626 = arith.constant 16 : i32
        %add3A_627 = arith.addi %mul3A_625, %add3A_626 : i32
        %get3A_628 = arith.index_cast %add3A_627 : i32 to index
        %get3A_629 = tpu.vector_load %arg6[%get3A_628] {strides = array<i32>} : memref<6566xi32, #tpu.memory_space<vmem>>, vector<16xi32>,
        %mul3A_630 = arith.constant 50 : i32
        %mul3A_631 = vector.broadcast %mul3A_630 : i32 to vector<16xi32>
        %mul3A_632 = arith.muli %get3A_629, %mul3A_631 : vector<16xi32>
        %add3A_633 = vector.broadcast %sub3A_583 : i32 to vector<16xi32>
        %add3A_634 = arith.addi %add3A_633, %mul3A_632 : vector<16xi32>
        %add3A_635 = arith.addi %add3A_634, %add3A_623 : vector<16xi32>
        %lt3A_636 = arith.constant 50 : i32
        %lt3A_637 = vector.broadcast %lt3A_636 : i32 to vector<16xi32>
        %lt3A_638 = arith.cmpi slt, %add3A_623, %lt3A_637 : vector<16xi32>
        %ge3A_639 = arith.constant 0 : i32
        %ge3A_640 = vector.broadcast %ge3A_639 : i32 to vector<16xi32>
        %ge3A_641 = arith.cmpi sge, %add3A_635, %ge3A_640 : vector<16xi32>
        %and3A_642 = arith.andi %lt3A_638, %ge3A_641 : vector<16xi1>
        %lt3A_643 = arith.constant 10240 : i32
        %lt3A_644 = vector.broadcast %lt3A_643 : i32 to vector<16xi32>
        %lt3A_645 = arith.cmpi slt, %add3A_635, %lt3A_644 : vector<16xi32>
        %and3A_646 = arith.andi %and3A_642, %lt3A_645 : vector<16xi1>
        %broadcast_in_dim3A_647 = vector.broadcast %lt3A_578 : i1 to vector<16xi1>
        %and3A_648 = arith.andi %and3A_646, %broadcast_in_dim3A_647 : vector<16xi1>
        %max3A_649 = arith.constant 0 : i32
        %max3A_650 = vector.broadcast %max3A_649 : i32 to vector<16xi32>
        %max3A_651 = arith.maxsi %add3A_635, %max3A_650 : vector<16xi32>
        %shift_right_logical3A_652 = arith.constant 7 : i32
        %shift_right_logical3A_653 = vector.broadcast %shift_right_logical3A_652 : i32 to vector<16xi32>
        %shift_right_logical3A_654 = arith.shrui %max3A_651, %shift_right_logical3A_653 : vector<16xi32>
        %and3A_655 = arith.constant 127 : i32
        %and3A_656 = vector.broadcast %and3A_655 : i32 to vector<16xi32>
        %and3A_657 = arith.andi %max3A_651, %and3A_656 : vector<16xi32>
        tpu.vector_store_idx %arg5[%shift_right_logical3A_654, %and3A_657], %broadcast_in_dim3A_13 masked %and3A_648 : memref<80x128xi32, #tpu.memory_space<vmem>>[vector<16xi32>, vector<16xi32>], vector<16xi32>, vector<16xi1>
        %add3A_658 = arith.constant 32 : i32
        %add3A_659 = vector.broadcast %add3A_658 : i32 to vector<16xi32>
        %add3A_660 = arith.addi %add3A_659, %iota3A : vector<16xi32>
        %mul3A_661 = arith.constant 50 : i32
        %mul3A_662 = arith.muli %sub3A_576, %mul3A_661 : i32
        %add3A_663 = arith.constant 32 : i32
        %add3A_664 = arith.addi %mul3A_662, %add3A_663 : i32
        %get3A_665 = arith.index_cast %add3A_664 : i32 to index
        %get3A_666 = tpu.vector_load %arg6[%get3A_665] {strides = array<i32>} : memref<6566xi32, #tpu.memory_space<vmem>>, vector<16xi32>,
        %mul3A_667 = arith.constant 50 : i32
        %mul3A_668 = vector.broadcast %mul3A_667 : i32 to vector<16xi32>
        %mul3A_669 = arith.muli %get3A_666, %mul3A_668 : vector<16xi32>
        %add3A_670 = vector.broadcast %sub3A_583 : i32 to vector<16xi32>
        %add3A_671 = arith.addi %add3A_670, %mul3A_669 : vector<16xi32>
        %add3A_672 = arith.addi %add3A_671, %add3A_660 : vector<16xi32>
        %lt3A_673 = arith.constant 50 : i32
        %lt3A_674 = vector.broadcast %lt3A_673 : i32 to vector<16xi32>
        %lt3A_675 = arith.cmpi slt, %add3A_660, %lt3A_674 : vector<16xi32>
        %ge3A_676 = arith.constant 0 : i32
        %ge3A_677 = vector.broadcast %ge3A_676 : i32 to vector<16xi32>
        %ge3A_678 = arith.cmpi sge, %add3A_672, %ge3A_677 : vector<16xi32>
        %and3A_679 = arith.andi %lt3A_675, %ge3A_678 : vector<16xi1>
        %lt3A_680 = arith.constant 10240 : i32
        %lt3A_681 = vector.broadcast %lt3A_680 : i32 to vector<16xi32>
        %lt3A_682 = arith.cmpi slt, %add3A_672, %lt3A_681 : vector<16xi32>
        %and3A_683 = arith.andi %and3A_679, %lt3A_682 : vector<16xi1>
        %broadcast_in_dim3A_684 = vector.broadcast %lt3A_578 : i1 to vector<16xi1>
        %and3A_685 = arith.andi %and3A_683, %broadcast_in_dim3A_684 : vector<16xi1>
        %max3A_686 = arith.constant 0 : i32
        %max3A_687 = vector.broadcast %max3A_686 : i32 to vector<16xi32>
        %max3A_688 = arith.maxsi %add3A_672, %max3A_687 : vector<16xi32>
        %shift_right_logical3A_689 = arith.constant 7 : i32
        %shift_right_logical3A_690 = vector.broadcast %shift_right_logical3A_689 : i32 to vector<16xi32>
        %shift_right_logical3A_691 = arith.shrui %max3A_688, %shift_right_logical3A_690 : vector<16xi32>
        %and3A_692 = arith.constant 127 : i32
        %and3A_693 = vector.broadcast %and3A_692 : i32 to vector<16xi32>
        %and3A_694 = arith.andi %max3A_688, %and3A_693 : vector<16xi32>
        tpu.vector_store_idx %arg5[%shift_right_logical3A_691, %and3A_694], %broadcast_in_dim3A_13 masked %and3A_685 : memref<80x128xi32, #tpu.memory_space<vmem>>[vector<16xi32>, vector<16xi32>], vector<16xi32>, vector<16xi1>
        %add3A_695 = arith.constant 48 : i32
        %add3A_696 = vector.broadcast %add3A_695 : i32 to vector<16xi32>
        %add3A_697 = arith.addi %add3A_696, %iota3A : vector<16xi32>
        %mul3A_698 = arith.constant 50 : i32
        %mul3A_699 = arith.muli %sub3A_576, %mul3A_698 : i32
        %add3A_700 = arith.constant 48 : i32
        %add3A_701 = arith.addi %mul3A_699, %add3A_700 : i32
        %get3A_702 = arith.index_cast %add3A_701 : i32 to index
        %get3A_703 = tpu.vector_load %arg6[%get3A_702] {strides = array<i32>} : memref<6566xi32, #tpu.memory_space<vmem>>, vector<16xi32>,
        %mul3A_704 = arith.constant 50 : i32
        %mul3A_705 = vector.broadcast %mul3A_704 : i32 to vector<16xi32>
        %mul3A_706 = arith.muli %get3A_703, %mul3A_705 : vector<16xi32>
        %add3A_707 = vector.broadcast %sub3A_583 : i32 to vector<16xi32>
        %add3A_708 = arith.addi %add3A_707, %mul3A_706 : vector<16xi32>
        %add3A_709 = arith.addi %add3A_708, %add3A_697 : vector<16xi32>
        %lt3A_710 = arith.constant 50 : i32
        %lt3A_711 = vector.broadcast %lt3A_710 : i32 to vector<16xi32>
        %lt3A_712 = arith.cmpi slt, %add3A_697, %lt3A_711 : vector<16xi32>
        %ge3A_713 = arith.constant 0 : i32
        %ge3A_714 = vector.broadcast %ge3A_713 : i32 to vector<16xi32>
        %ge3A_715 = arith.cmpi sge, %add3A_709, %ge3A_714 : vector<16xi32>
        %and3A_716 = arith.andi %lt3A_712, %ge3A_715 : vector<16xi1>
        %lt3A_717 = arith.constant 10240 : i32
        %lt3A_718 = vector.broadcast %lt3A_717 : i32 to vector<16xi32>
        %lt3A_719 = arith.cmpi slt, %add3A_709, %lt3A_718 : vector<16xi32>
        %and3A_720 = arith.andi %and3A_716, %lt3A_719 : vector<16xi1>
        %broadcast_in_dim3A_721 = vector.broadcast %lt3A_578 : i1 to vector<16xi1>
        %and3A_722 = arith.andi %and3A_720, %broadcast_in_dim3A_721 : vector<16xi1>
        %max3A_723 = arith.constant 0 : i32
        %max3A_724 = vector.broadcast %max3A_723 : i32 to vector<16xi32>
        %max3A_725 = arith.maxsi %add3A_709, %max3A_724 : vector<16xi32>
        %shift_right_logical3A_726 = arith.constant 7 : i32
        %shift_right_logical3A_727 = vector.broadcast %shift_right_logical3A_726 : i32 to vector<16xi32>
        %shift_right_logical3A_728 = arith.shrui %max3A_725, %shift_right_logical3A_727 : vector<16xi32>
        %and3A_729 = arith.constant 127 : i32
        %and3A_730 = vector.broadcast %and3A_729 : i32 to vector<16xi32>
        %and3A_731 = arith.andi %max3A_725, %and3A_730 : vector<16xi32>
        tpu.vector_store_idx %arg5[%shift_right_logical3A_728, %and3A_731], %broadcast_in_dim3A_13 masked %and3A_722 : memref<80x128xi32, #tpu.memory_space<vmem>>[vector<16xi32>, vector<16xi32>], vector<16xi32>, vector<16xi1>
        %add3A_732 = arith.constant 1 : i32
        %add3A_733 = arith.addi %div3A_573, %add3A_732 : i32
        %sub3A_734 = arith.subi %add3A_733, %mul3A_2 : i32
        %lt3A_735 = arith.constant 128 : i32
        %lt3A_736 = arith.cmpi slt, %sub3A_734, %lt3A_735 : i32
        %add3A_737 = arith.constant 1 : i32
        %add3A_738 = arith.addi %div3A_573, %add3A_737 : i32
        %mul3A_739 = arith.constant 50000 : i32
        %mul3A_740 = arith.muli %add3A_738, %mul3A_739 : i32
        %sub3A_741 = arith.subi %mul3A_740, %mul3A_571 : i32
        %add3A_742 = arith.constant 0 : i32
        %add3A_743 = vector.broadcast %add3A_742 : i32 to vector<16xi32>
        %add3A_744 = arith.addi %add3A_743, %iota3A : vector<16xi32>
        %mul3A_745 = arith.constant 50 : i32
        %mul3A_746 = arith.muli %sub3A_734, %mul3A_745 : i32
        %add3A_747 = arith.constant 0 : i32
        %add3A_748 = arith.addi %mul3A_746, %add3A_747 : i32
        %get3A_749 = arith.index_cast %add3A_748 : i32 to index
        %get3A_750 = tpu.vector_load %arg6[%get3A_749] {strides = array<i32>} : memref<6566xi32, #tpu.memory_space<vmem>>, vector<16xi32>,
        %mul3A_751 = arith.constant 50 : i32
        %mul3A_752 = vector.broadcast %mul3A_751 : i32 to vector<16xi32>
        %mul3A_753 = arith.muli %get3A_750, %mul3A_752 : vector<16xi32>
        %add3A_754 = vector.broadcast %sub3A_741 : i32 to vector<16xi32>
        %add3A_755 = arith.addi %add3A_754, %mul3A_753 : vector<16xi32>
        %add3A_756 = arith.addi %add3A_755, %add3A_744 : vector<16xi32>
        %lt3A_757 = arith.constant 50 : i32
        %lt3A_758 = vector.broadcast %lt3A_757 : i32 to vector<16xi32>
        %lt3A_759 = arith.cmpi slt, %add3A_744, %lt3A_758 : vector<16xi32>
        %ge3A_760 = arith.constant 0 : i32
        %ge3A_761 = vector.broadcast %ge3A_760 : i32 to vector<16xi32>
        %ge3A_762 = arith.cmpi sge, %add3A_756, %ge3A_761 : vector<16xi32>
        %and3A_763 = arith.andi %lt3A_759, %ge3A_762 : vector<16xi1>
        %lt3A_764 = arith.constant 10240 : i32
        %lt3A_765 = vector.broadcast %lt3A_764 : i32 to vector<16xi32>
        %lt3A_766 = arith.cmpi slt, %add3A_756, %lt3A_765 : vector<16xi32>
        %and3A_767 = arith.andi %and3A_763, %lt3A_766 : vector<16xi1>
        %broadcast_in_dim3A_768 = vector.broadcast %lt3A_736 : i1 to vector<16xi1>
        %and3A_769 = arith.andi %and3A_767, %broadcast_in_dim3A_768 : vector<16xi1>
        %max3A_770 = arith.constant 0 : i32
        %max3A_771 = vector.broadcast %max3A_770 : i32 to vector<16xi32>
        %max3A_772 = arith.maxsi %add3A_756, %max3A_771 : vector<16xi32>
        %shift_right_logical3A_773 = arith.constant 7 : i32
        %shift_right_logical3A_774 = vector.broadcast %shift_right_logical3A_773 : i32 to vector<16xi32>
        %shift_right_logical3A_775 = arith.shrui %max3A_772, %shift_right_logical3A_774 : vector<16xi32>
        %and3A_776 = arith.constant 127 : i32
        %and3A_777 = vector.broadcast %and3A_776 : i32 to vector<16xi32>
        %and3A_778 = arith.andi %max3A_772, %and3A_777 : vector<16xi32>
        tpu.vector_store_idx %arg5[%shift_right_logical3A_775, %and3A_778], %broadcast_in_dim3A_13 masked %and3A_769 : memref<80x128xi32, #tpu.memory_space<vmem>>[vector<16xi32>, vector<16xi32>], vector<16xi32>, vector<16xi1>
        %add3A_779 = arith.constant 16 : i32
        %add3A_780 = vector.broadcast %add3A_779 : i32 to vector<16xi32>
        %add3A_781 = arith.addi %add3A_780, %iota3A : vector<16xi32>
        %mul3A_782 = arith.constant 50 : i32
        %mul3A_783 = arith.muli %sub3A_734, %mul3A_782 : i32
        %add3A_784 = arith.constant 16 : i32
        %add3A_785 = arith.addi %mul3A_783, %add3A_784 : i32
        %get3A_786 = arith.index_cast %add3A_785 : i32 to index
        %get3A_787 = tpu.vector_load %arg6[%get3A_786] {strides = array<i32>} : memref<6566xi32, #tpu.memory_space<vmem>>, vector<16xi32>,
        %mul3A_788 = arith.constant 50 : i32
        %mul3A_789 = vector.broadcast %mul3A_788 : i32 to vector<16xi32>
        %mul3A_790 = arith.muli %get3A_787, %mul3A_789 : vector<16xi32>
        %add3A_791 = vector.broadcast %sub3A_741 : i32 to vector<16xi32>
        %add3A_792 = arith.addi %add3A_791, %mul3A_790 : vector<16xi32>
        %add3A_793 = arith.addi %add3A_792, %add3A_781 : vector<16xi32>
        %lt3A_794 = arith.constant 50 : i32
        %lt3A_795 = vector.broadcast %lt3A_794 : i32 to vector<16xi32>
        %lt3A_796 = arith.cmpi slt, %add3A_781, %lt3A_795 : vector<16xi32>
        %ge3A_797 = arith.constant 0 : i32
        %ge3A_798 = vector.broadcast %ge3A_797 : i32 to vector<16xi32>
        %ge3A_799 = arith.cmpi sge, %add3A_793, %ge3A_798 : vector<16xi32>
        %and3A_800 = arith.andi %lt3A_796, %ge3A_799 : vector<16xi1>
        %lt3A_801 = arith.constant 10240 : i32
        %lt3A_802 = vector.broadcast %lt3A_801 : i32 to vector<16xi32>
        %lt3A_803 = arith.cmpi slt, %add3A_793, %lt3A_802 : vector<16xi32>
        %and3A_804 = arith.andi %and3A_800, %lt3A_803 : vector<16xi1>
        %broadcast_in_dim3A_805 = vector.broadcast %lt3A_736 : i1 to vector<16xi1>
        %and3A_806 = arith.andi %and3A_804, %broadcast_in_dim3A_805 : vector<16xi1>
        %max3A_807 = arith.constant 0 : i32
        %max3A_808 = vector.broadcast %max3A_807 : i32 to vector<16xi32>
        %max3A_809 = arith.maxsi %add3A_793, %max3A_808 : vector<16xi32>
        %shift_right_logical3A_810 = arith.constant 7 : i32
        %shift_right_logical3A_811 = vector.broadcast %shift_right_logical3A_810 : i32 to vector<16xi32>
        %shift_right_logical3A_812 = arith.shrui %max3A_809, %shift_right_logical3A_811 : vector<16xi32>
        %and3A_813 = arith.constant 127 : i32
        %and3A_814 = vector.broadcast %and3A_813 : i32 to vector<16xi32>
        %and3A_815 = arith.andi %max3A_809, %and3A_814 : vector<16xi32>
        tpu.vector_store_idx %arg5[%shift_right_logical3A_812, %and3A_815], %broadcast_in_dim3A_13 masked %and3A_806 : memref<80x128xi32, #tpu.memory_space<vmem>>[vector<16xi32>, vector<16xi32>], vector<16xi32>, vector<16xi1>
        %add3A_816 = arith.constant 32 : i32
        %add3A_817 = vector.broadcast %add3A_816 : i32 to vector<16xi32>
        %add3A_818 = arith.addi %add3A_817, %iota3A : vector<16xi32>
        %mul3A_819 = arith.constant 50 : i32
        %mul3A_820 = arith.muli %sub3A_734, %mul3A_819 : i32
        %add3A_821 = arith.constant 32 : i32
        %add3A_822 = arith.addi %mul3A_820, %add3A_821 : i32
        %get3A_823 = arith.index_cast %add3A_822 : i32 to index
        %get3A_824 = tpu.vector_load %arg6[%get3A_823] {strides = array<i32>} : memref<6566xi32, #tpu.memory_space<vmem>>, vector<16xi32>,
        %mul3A_825 = arith.constant 50 : i32
        %mul3A_826 = vector.broadcast %mul3A_825 : i32 to vector<16xi32>
        %mul3A_827 = arith.muli %get3A_824, %mul3A_826 : vector<16xi32>
        %add3A_828 = vector.broadcast %sub3A_741 : i32 to vector<16xi32>
        %add3A_829 = arith.addi %add3A_828, %mul3A_827 : vector<16xi32>
        %add3A_830 = arith.addi %add3A_829, %add3A_818 : vector<16xi32>
        %lt3A_831 = arith.constant 50 : i32
        %lt3A_832 = vector.broadcast %lt3A_831 : i32 to vector<16xi32>
        %lt3A_833 = arith.cmpi slt, %add3A_818, %lt3A_832 : vector<16xi32>
        %ge3A_834 = arith.constant 0 : i32
        %ge3A_835 = vector.broadcast %ge3A_834 : i32 to vector<16xi32>
        %ge3A_836 = arith.cmpi sge, %add3A_830, %ge3A_835 : vector<16xi32>
        %and3A_837 = arith.andi %lt3A_833, %ge3A_836 : vector<16xi1>
        %lt3A_838 = arith.constant 10240 : i32
        %lt3A_839 = vector.broadcast %lt3A_838 : i32 to vector<16xi32>
        %lt3A_840 = arith.cmpi slt, %add3A_830, %lt3A_839 : vector<16xi32>
        %and3A_841 = arith.andi %and3A_837, %lt3A_840 : vector<16xi1>
        %broadcast_in_dim3A_842 = vector.broadcast %lt3A_736 : i1 to vector<16xi1>
        %and3A_843 = arith.andi %and3A_841, %broadcast_in_dim3A_842 : vector<16xi1>
        %max3A_844 = arith.constant 0 : i32
        %max3A_845 = vector.broadcast %max3A_844 : i32 to vector<16xi32>
        %max3A_846 = arith.maxsi %add3A_830, %max3A_845 : vector<16xi32>
        %shift_right_logical3A_847 = arith.constant 7 : i32
        %shift_right_logical3A_848 = vector.broadcast %shift_right_logical3A_847 : i32 to vector<16xi32>
        %shift_right_logical3A_849 = arith.shrui %max3A_846, %shift_right_logical3A_848 : vector<16xi32>
        %and3A_850 = arith.constant 127 : i32
        %and3A_851 = vector.broadcast %and3A_850 : i32 to vector<16xi32>
        %and3A_852 = arith.andi %max3A_846, %and3A_851 : vector<16xi32>
        tpu.vector_store_idx %arg5[%shift_right_logical3A_849, %and3A_852], %broadcast_in_dim3A_13 masked %and3A_843 : memref<80x128xi32, #tpu.memory_space<vmem>>[vector<16xi32>, vector<16xi32>], vector<16xi32>, vector<16xi1>
        %add3A_853 = arith.constant 48 : i32
        %add3A_854 = vector.broadcast %add3A_853 : i32 to vector<16xi32>
        %add3A_855 = arith.addi %add3A_854, %iota3A : vector<16xi32>
        %mul3A_856 = arith.constant 50 : i32
        %mul3A_857 = arith.muli %sub3A_734, %mul3A_856 : i32
        %add3A_858 = arith.constant 48 : i32
        %add3A_859 = arith.addi %mul3A_857, %add3A_858 : i32
        %get3A_860 = arith.index_cast %add3A_859 : i32 to index
        %get3A_861 = tpu.vector_load %arg6[%get3A_860] {strides = array<i32>} : memref<6566xi32, #tpu.memory_space<vmem>>, vector<16xi32>,
        %mul3A_862 = arith.constant 50 : i32
        %mul3A_863 = vector.broadcast %mul3A_862 : i32 to vector<16xi32>
        %mul3A_864 = arith.muli %get3A_861, %mul3A_863 : vector<16xi32>
        %add3A_865 = vector.broadcast %sub3A_741 : i32 to vector<16xi32>
        %add3A_866 = arith.addi %add3A_865, %mul3A_864 : vector<16xi32>
        %add3A_867 = arith.addi %add3A_866, %add3A_855 : vector<16xi32>
        %lt3A_868 = arith.constant 50 : i32
        %lt3A_869 = vector.broadcast %lt3A_868 : i32 to vector<16xi32>
        %lt3A_870 = arith.cmpi slt, %add3A_855, %lt3A_869 : vector<16xi32>
        %ge3A_871 = arith.constant 0 : i32
        %ge3A_872 = vector.broadcast %ge3A_871 : i32 to vector<16xi32>
        %ge3A_873 = arith.cmpi sge, %add3A_867, %ge3A_872 : vector<16xi32>
        %and3A_874 = arith.andi %lt3A_870, %ge3A_873 : vector<16xi1>
        %lt3A_875 = arith.constant 10240 : i32
        %lt3A_876 = vector.broadcast %lt3A_875 : i32 to vector<16xi32>
        %lt3A_877 = arith.cmpi slt, %add3A_867, %lt3A_876 : vector<16xi32>
        %and3A_878 = arith.andi %and3A_874, %lt3A_877 : vector<16xi1>
        %broadcast_in_dim3A_879 = vector.broadcast %lt3A_736 : i1 to vector<16xi1>
        %and3A_880 = arith.andi %and3A_878, %broadcast_in_dim3A_879 : vector<16xi1>
        %max3A_881 = arith.constant 0 : i32
        %max3A_882 = vector.broadcast %max3A_881 : i32 to vector<16xi32>
        %max3A_883 = arith.maxsi %add3A_867, %max3A_882 : vector<16xi32>
        %shift_right_logical3A_884 = arith.constant 7 : i32
        %shift_right_logical3A_885 = vector.broadcast %shift_right_logical3A_884 : i32 to vector<16xi32>
        %shift_right_logical3A_886 = arith.shrui %max3A_883, %shift_right_logical3A_885 : vector<16xi32>
        %and3A_887 = arith.constant 127 : i32
        %and3A_888 = vector.broadcast %and3A_887 : i32 to vector<16xi32>
        %and3A_889 = arith.andi %max3A_883, %and3A_888 : vector<16xi32>
        tpu.vector_store_idx %arg5[%shift_right_logical3A_886, %and3A_889], %broadcast_in_dim3A_13 masked %and3A_880 : memref<80x128xi32, #tpu.memory_space<vmem>>[vector<16xi32>, vector<16xi32>], vector<16xi32>, vector<16xi1>
        %add3A_890 = arith.constant 2 : i32
        %add3A_891 = arith.addi %div3A_573, %add3A_890 : i32
        %sub3A_892 = arith.subi %add3A_891, %mul3A_2 : i32
        %lt3A_893 = arith.constant 128 : i32
        %lt3A_894 = arith.cmpi slt, %sub3A_892, %lt3A_893 : i32
        %add3A_895 = arith.constant 2 : i32
        %add3A_896 = arith.addi %div3A_573, %add3A_895 : i32
        %mul3A_897 = arith.constant 50000 : i32
        %mul3A_898 = arith.muli %add3A_896, %mul3A_897 : i32
        %sub3A_899 = arith.subi %mul3A_898, %mul3A_571 : i32
        %add3A_900 = arith.constant 0 : i32
        %add3A_901 = vector.broadcast %add3A_900 : i32 to vector<16xi32>
        %add3A_902 = arith.addi %add3A_901, %iota3A : vector<16xi32>
        %mul3A_903 = arith.constant 50 : i32
        %mul3A_904 = arith.muli %sub3A_892, %mul3A_903 : i32
        %add3A_905 = arith.constant 0 : i32
        %add3A_906 = arith.addi %mul3A_904, %add3A_905 : i32
        %get3A_907 = arith.index_cast %add3A_906 : i32 to index
        %get3A_908 = tpu.vector_load %arg6[%get3A_907] {strides = array<i32>} : memref<6566xi32, #tpu.memory_space<vmem>>, vector<16xi32>,
        %mul3A_909 = arith.constant 50 : i32
        %mul3A_910 = vector.broadcast %mul3A_909 : i32 to vector<16xi32>
        %mul3A_911 = arith.muli %get3A_908, %mul3A_910 : vector<16xi32>
        %add3A_912 = vector.broadcast %sub3A_899 : i32 to vector<16xi32>
        %add3A_913 = arith.addi %add3A_912, %mul3A_911 : vector<16xi32>
        %add3A_914 = arith.addi %add3A_913, %add3A_902 : vector<16xi32>
        %lt3A_915 = arith.constant 50 : i32
        %lt3A_916 = vector.broadcast %lt3A_915 : i32 to vector<16xi32>
        %lt3A_917 = arith.cmpi slt, %add3A_902, %lt3A_916 : vector<16xi32>
        %ge3A_918 = arith.constant 0 : i32
        %ge3A_919 = vector.broadcast %ge3A_918 : i32 to vector<16xi32>
        %ge3A_920 = arith.cmpi sge, %add3A_914, %ge3A_919 : vector<16xi32>
        %and3A_921 = arith.andi %lt3A_917, %ge3A_920 : vector<16xi1>
        %lt3A_922 = arith.constant 10240 : i32
        %lt3A_923 = vector.broadcast %lt3A_922 : i32 to vector<16xi32>
        %lt3A_924 = arith.cmpi slt, %add3A_914, %lt3A_923 : vector<16xi32>
        %and3A_925 = arith.andi %and3A_921, %lt3A_924 : vector<16xi1>
        %broadcast_in_dim3A_926 = vector.broadcast %lt3A_894 : i1 to vector<16xi1>
        %and3A_927 = arith.andi %and3A_925, %broadcast_in_dim3A_926 : vector<16xi1>
        %max3A_928 = arith.constant 0 : i32
        %max3A_929 = vector.broadcast %max3A_928 : i32 to vector<16xi32>
        %max3A_930 = arith.maxsi %add3A_914, %max3A_929 : vector<16xi32>
        %shift_right_logical3A_931 = arith.constant 7 : i32
        %shift_right_logical3A_932 = vector.broadcast %shift_right_logical3A_931 : i32 to vector<16xi32>
        %shift_right_logical3A_933 = arith.shrui %max3A_930, %shift_right_logical3A_932 : vector<16xi32>
        %and3A_934 = arith.constant 127 : i32
        %and3A_935 = vector.broadcast %and3A_934 : i32 to vector<16xi32>
        %and3A_936 = arith.andi %max3A_930, %and3A_935 : vector<16xi32>
        tpu.vector_store_idx %arg5[%shift_right_logical3A_933, %and3A_936], %broadcast_in_dim3A_13 masked %and3A_927 : memref<80x128xi32, #tpu.memory_space<vmem>>[vector<16xi32>, vector<16xi32>], vector<16xi32>, vector<16xi1>
        %add3A_937 = arith.constant 16 : i32
        %add3A_938 = vector.broadcast %add3A_937 : i32 to vector<16xi32>
        %add3A_939 = arith.addi %add3A_938, %iota3A : vector<16xi32>
        %mul3A_940 = arith.constant 50 : i32
        %mul3A_941 = arith.muli %sub3A_892, %mul3A_940 : i32
        %add3A_942 = arith.constant 16 : i32
        %add3A_943 = arith.addi %mul3A_941, %add3A_942 : i32
        %get3A_944 = arith.index_cast %add3A_943 : i32 to index
        %get3A_945 = tpu.vector_load %arg6[%get3A_944] {strides = array<i32>} : memref<6566xi32, #tpu.memory_space<vmem>>, vector<16xi32>,
        %mul3A_946 = arith.constant 50 : i32
        %mul3A_947 = vector.broadcast %mul3A_946 : i32 to vector<16xi32>
        %mul3A_948 = arith.muli %get3A_945, %mul3A_947 : vector<16xi32>
        %add3A_949 = vector.broadcast %sub3A_899 : i32 to vector<16xi32>
        %add3A_950 = arith.addi %add3A_949, %mul3A_948 : vector<16xi32>
        %add3A_951 = arith.addi %add3A_950, %add3A_939 : vector<16xi32>
        %lt3A_952 = arith.constant 50 : i32
        %lt3A_953 = vector.broadcast %lt3A_952 : i32 to vector<16xi32>
        %lt3A_954 = arith.cmpi slt, %add3A_939, %lt3A_953 : vector<16xi32>
        %ge3A_955 = arith.constant 0 : i32
        %ge3A_956 = vector.broadcast %ge3A_955 : i32 to vector<16xi32>
        %ge3A_957 = arith.cmpi sge, %add3A_951, %ge3A_956 : vector<16xi32>
        %and3A_958 = arith.andi %lt3A_954, %ge3A_957 : vector<16xi1>
        %lt3A_959 = arith.constant 10240 : i32
        %lt3A_960 = vector.broadcast %lt3A_959 : i32 to vector<16xi32>
        %lt3A_961 = arith.cmpi slt, %add3A_951, %lt3A_960 : vector<16xi32>
        %and3A_962 = arith.andi %and3A_958, %lt3A_961 : vector<16xi1>
        %broadcast_in_dim3A_963 = vector.broadcast %lt3A_894 : i1 to vector<16xi1>
        %and3A_964 = arith.andi %and3A_962, %broadcast_in_dim3A_963 : vector<16xi1>
        %max3A_965 = arith.constant 0 : i32
        %max3A_966 = vector.broadcast %max3A_965 : i32 to vector<16xi32>
        %max3A_967 = arith.maxsi %add3A_951, %max3A_966 : vector<16xi32>
        %shift_right_logical3A_968 = arith.constant 7 : i32
        %shift_right_logical3A_969 = vector.broadcast %shift_right_logical3A_968 : i32 to vector<16xi32>
        %shift_right_logical3A_970 = arith.shrui %max3A_967, %shift_right_logical3A_969 : vector<16xi32>
        %and3A_971 = arith.constant 127 : i32
        %and3A_972 = vector.broadcast %and3A_971 : i32 to vector<16xi32>
        %and3A_973 = arith.andi %max3A_967, %and3A_972 : vector<16xi32>
        tpu.vector_store_idx %arg5[%shift_right_logical3A_970, %and3A_973], %broadcast_in_dim3A_13 masked %and3A_964 : memref<80x128xi32, #tpu.memory_space<vmem>>[vector<16xi32>, vector<16xi32>], vector<16xi32>, vector<16xi1>
        %add3A_974 = arith.constant 32 : i32
        %add3A_975 = vector.broadcast %add3A_974 : i32 to vector<16xi32>
        %add3A_976 = arith.addi %add3A_975, %iota3A : vector<16xi32>
        %mul3A_977 = arith.constant 50 : i32
        %mul3A_978 = arith.muli %sub3A_892, %mul3A_977 : i32
        %add3A_979 = arith.constant 32 : i32
        %add3A_980 = arith.addi %mul3A_978, %add3A_979 : i32
        %get3A_981 = arith.index_cast %add3A_980 : i32 to index
        %get3A_982 = tpu.vector_load %arg6[%get3A_981] {strides = array<i32>} : memref<6566xi32, #tpu.memory_space<vmem>>, vector<16xi32>,
        %mul3A_983 = arith.constant 50 : i32
        %mul3A_984 = vector.broadcast %mul3A_983 : i32 to vector<16xi32>
        %mul3A_985 = arith.muli %get3A_982, %mul3A_984 : vector<16xi32>
        %add3A_986 = vector.broadcast %sub3A_899 : i32 to vector<16xi32>
        %add3A_987 = arith.addi %add3A_986, %mul3A_985 : vector<16xi32>
        %add3A_988 = arith.addi %add3A_987, %add3A_976 : vector<16xi32>
        %lt3A_989 = arith.constant 50 : i32
        %lt3A_990 = vector.broadcast %lt3A_989 : i32 to vector<16xi32>
        %lt3A_991 = arith.cmpi slt, %add3A_976, %lt3A_990 : vector<16xi32>
        %ge3A_992 = arith.constant 0 : i32
        %ge3A_993 = vector.broadcast %ge3A_992 : i32 to vector<16xi32>
        %ge3A_994 = arith.cmpi sge, %add3A_988, %ge3A_993 : vector<16xi32>
        %and3A_995 = arith.andi %lt3A_991, %ge3A_994 : vector<16xi1>
        %lt3A_996 = arith.constant 10240 : i32
        %lt3A_997 = vector.broadcast %lt3A_996 : i32 to vector<16xi32>
        %lt3A_998 = arith.cmpi slt, %add3A_988, %lt3A_997 : vector<16xi32>
        %and3A_999 = arith.andi %and3A_995, %lt3A_998 : vector<16xi1>
        %broadcast_in_dim3A_1000 = vector.broadcast %lt3A_894 : i1 to vector<16xi1>
        %and3A_1001 = arith.andi %and3A_999, %broadcast_in_dim3A_1000 : vector<16xi1>
        %max3A_1002 = arith.constant 0 : i32
        %max3A_1003 = vector.broadcast %max3A_1002 : i32 to vector<16xi32>
        %max3A_1004 = arith.maxsi %add3A_988, %max3A_1003 : vector<16xi32>
        %shift_right_logical3A_1005 = arith.constant 7 : i32
        %shift_right_logical3A_1006 = vector.broadcast %shift_right_logical3A_1005 : i32 to vector<16xi32>
        %shift_right_logical3A_1007 = arith.shrui %max3A_1004, %shift_right_logical3A_1006 : vector<16xi32>
        %and3A_1008 = arith.constant 127 : i32
        %and3A_1009 = vector.broadcast %and3A_1008 : i32 to vector<16xi32>
        %and3A_1010 = arith.andi %max3A_1004, %and3A_1009 : vector<16xi32>
        tpu.vector_store_idx %arg5[%shift_right_logical3A_1007, %and3A_1010], %broadcast_in_dim3A_13 masked %and3A_1001 : memref<80x128xi32, #tpu.memory_space<vmem>>[vector<16xi32>, vector<16xi32>], vector<16xi32>, vector<16xi1>
        %add3A_1011 = arith.constant 48 : i32
        %add3A_1012 = vector.broadcast %add3A_1011 : i32 to vector<16xi32>
        %add3A_1013 = arith.addi %add3A_1012, %iota3A : vector<16xi32>
        %mul3A_1014 = arith.constant 50 : i32
        %mul3A_1015 = arith.muli %sub3A_892, %mul3A_1014 : i32
        %add3A_1016 = arith.constant 48 : i32
        %add3A_1017 = arith.addi %mul3A_1015, %add3A_1016 : i32
        %get3A_1018 = arith.index_cast %add3A_1017 : i32 to index
        %get3A_1019 = tpu.vector_load %arg6[%get3A_1018] {strides = array<i32>} : memref<6566xi32, #tpu.memory_space<vmem>>, vector<16xi32>,
        %mul3A_1020 = arith.constant 50 : i32
        %mul3A_1021 = vector.broadcast %mul3A_1020 : i32 to vector<16xi32>
        %mul3A_1022 = arith.muli %get3A_1019, %mul3A_1021 : vector<16xi32>
        %add3A_1023 = vector.broadcast %sub3A_899 : i32 to vector<16xi32>
        %add3A_1024 = arith.addi %add3A_1023, %mul3A_1022 : vector<16xi32>
        %add3A_1025 = arith.addi %add3A_1024, %add3A_1013 : vector<16xi32>
        %lt3A_1026 = arith.constant 50 : i32
        %lt3A_1027 = vector.broadcast %lt3A_1026 : i32 to vector<16xi32>
        %lt3A_1028 = arith.cmpi slt, %add3A_1013, %lt3A_1027 : vector<16xi32>
        %ge3A_1029 = arith.constant 0 : i32
        %ge3A_1030 = vector.broadcast %ge3A_1029 : i32 to vector<16xi32>
        %ge3A_1031 = arith.cmpi sge, %add3A_1025, %ge3A_1030 : vector<16xi32>
        %and3A_1032 = arith.andi %lt3A_1028, %ge3A_1031 : vector<16xi1>
        %lt3A_1033 = arith.constant 10240 : i32
        %lt3A_1034 = vector.broadcast %lt3A_1033 : i32 to vector<16xi32>
        %lt3A_1035 = arith.cmpi slt, %add3A_1025, %lt3A_1034 : vector<16xi32>
        %and3A_1036 = arith.andi %and3A_1032, %lt3A_1035 : vector<16xi1>
        %broadcast_in_dim3A_1037 = vector.broadcast %lt3A_894 : i1 to vector<16xi1>
        %and3A_1038 = arith.andi %and3A_1036, %broadcast_in_dim3A_1037 : vector<16xi1>
        %max3A_1039 = arith.constant 0 : i32
        %max3A_1040 = vector.broadcast %max3A_1039 : i32 to vector<16xi32>
        %max3A_1041 = arith.maxsi %add3A_1025, %max3A_1040 : vector<16xi32>
        %shift_right_logical3A_1042 = arith.constant 7 : i32
        %shift_right_logical3A_1043 = vector.broadcast %shift_right_logical3A_1042 : i32 to vector<16xi32>
        %shift_right_logical3A_1044 = arith.shrui %max3A_1041, %shift_right_logical3A_1043 : vector<16xi32>
        %and3A_1045 = arith.constant 127 : i32
        %and3A_1046 = vector.broadcast %and3A_1045 : i32 to vector<16xi32>
        %and3A_1047 = arith.andi %max3A_1041, %and3A_1046 : vector<16xi32>
        tpu.vector_store_idx %arg5[%shift_right_logical3A_1044, %and3A_1047], %broadcast_in_dim3A_13 masked %and3A_1038 : memref<80x128xi32, #tpu.memory_space<vmem>>[vector<16xi32>, vector<16xi32>], vector<16xi32>, vector<16xi1>
        %mul3A_1048 = arith.constant 2 : i32
        %mul3A_1049 = arith.muli %mul3A_1048, %scan3A_40 : i32
        %add3A_1050 = arith.constant 1 : i32
        %add3A_1051 = arith.addi %mul3A_1049, %add3A_1050 : i32
        %dma_start3A_1052 = arith.constant 1 : i32
        %dma_start3A_1053 = arith.constant 0 : i32
        %dma_start3A_1054 = arith.constant 0 : i32
        %dma_start3A_1055 = tpu.memref_slice %arg7[%arg1, %dma_start3A_1052, %dma_start3A_1053, %dma_start3A_1054] : memref<16x2x80x128xi32, #tpu.memory_space<vmem_shared>> -> memref<1x1x80x128xi32, #tpu.memory_space<vmem_shared>>
        %dma_start3A_1056 = tpu.memref_squeeze %dma_start3A_1055 : memref<1x1x80x128xi32, #tpu.memory_space<vmem_shared>> -> memref<80x128xi32, #tpu.memory_space<vmem_shared>>
        %dma_start3A_1057 = arith.constant 0 : i32
        %dma_start3A_1058 = arith.constant 0 : i32
        %dma_start3A_1059 = tpu.memref_slice %arg7[%arg1, %dma_start3A_1052, %dma_start3A_1057, %dma_start3A_1058] : memref<16x2x80x128xi32, #tpu.memory_space<vmem_shared>> -> memref<1x1x80x128xi32, #tpu.memory_space<vmem_shared>>
        %dma_start3A_1060 = tpu.memref_squeeze %dma_start3A_1059 : memref<1x1x80x128xi32, #tpu.memory_space<vmem_shared>> -> memref<80x128xi32, #tpu.memory_space<vmem_shared>>
        tpu.enqueue_dma source(%arg5 : memref<80x128xi32, #tpu.memory_space<vmem>>) target(%dma_start3A_1060 : memref<80x128xi32, #tpu.memory_space<vmem_shared>>) target_semaphore(%arg8 : memref<!tpu.dma_semaphore, #tpu.memory_space<semaphore_mem>>)
        %dma_wait3A_1061 = arith.constant 1 : i32
        %dma_wait3A_1062 = arith.constant 0 : i32
        %dma_wait3A_1063 = arith.constant 0 : i32
        %dma_wait3A_1064 = tpu.memref_slice %arg7[%arg1, %dma_wait3A_1061, %dma_wait3A_1062, %dma_wait3A_1063] : memref<16x2x80x128xi32, #tpu.memory_space<vmem_shared>> -> memref<1x1x80x128xi32, #tpu.memory_space<vmem_shared>>
        %dma_wait3A_1065 = tpu.memref_squeeze %dma_wait3A_1064 : memref<1x1x80x128xi32, #tpu.memory_space<vmem_shared>> -> memref<80x128xi32, #tpu.memory_space<vmem_shared>>
        %dma_wait3A_1066 = arith.constant 0 : i32
        %dma_wait3A_1067 = arith.constant 0 : i32
        %dma_wait3A_1068 = tpu.memref_slice %arg7[%arg1, %dma_wait3A_1061, %dma_wait3A_1066, %dma_wait3A_1067] : memref<16x2x80x128xi32, #tpu.memory_space<vmem_shared>> -> memref<1x1x80x128xi32, #tpu.memory_space<vmem_shared>>
        %dma_wait3A_1069 = tpu.memref_squeeze %dma_wait3A_1068 : memref<1x1x80x128xi32, #tpu.memory_space<vmem_shared>> -> memref<80x128xi32, #tpu.memory_space<vmem_shared>>
        tpu.wait_dma2 semaphore(%arg8 : memref<!tpu.dma_semaphore, #tpu.memory_space<semaphore_mem>>) src(%arg5 : memref<80x128xi32, #tpu.memory_space<vmem>>) dst(%dma_wait3A_1069 : memref<80x128xi32, #tpu.memory_space<vmem_shared>>)
        %mul3A_1070 = arith.constant 80 : i32
        %mul3A_1071 = arith.muli %add3A_1051, %mul3A_1070 : i32
        %add3A_1072 = arith.addi %mul3A_6, %mul3A_1071 : i32
        %dma_start3A_1073 = arith.constant 1 : i32
        %dma_start3A_1074 = arith.constant 0 : i32
        %dma_start3A_1075 = tpu.memref_slice %arg3[%add3A_1072, %dma_start3A_1074] : memref<1600000x128xi32, #tpu.memory_space<hbm>> -> memref<80x128xi32, #tpu.memory_space<hbm>>
        %dma_start3A_1076 = arith.constant 0 : i32
        %dma_start3A_1077 = arith.constant 0 : i32
        %dma_start3A_1078 = tpu.memref_slice %arg7[%arg1, %dma_start3A_1073, %dma_start3A_1076, %dma_start3A_1077] : memref<16x2x80x128xi32, #tpu.memory_space<vmem_shared>> -> memref<1x1x80x128xi32, #tpu.memory_space<vmem_shared>>
        %dma_start3A_1079 = tpu.memref_squeeze %dma_start3A_1078 : memref<1x1x80x128xi32, #tpu.memory_space<vmem_shared>> -> memref<80x128xi32, #tpu.memory_space<vmem_shared>>
        tpu.enqueue_dma source(%dma_start3A_1079 : memref<80x128xi32, #tpu.memory_space<vmem_shared>>) target(%dma_start3A_1075 : memref<80x128xi32, #tpu.memory_space<hbm>>) target_semaphore(%arg10 : memref<!tpu.dma_semaphore, #tpu.memory_space<semaphore_mem>>)
      } else {
      }
      %scan3A_557 = arith.constant 0 : i32
      scf.yield %scan3A_557 : i32
    }
    %scan3A_22 = arith.constant 313 : i32
    %add3A_23 = arith.constant 49920 : i32
    %add3A_24 = arith.addi %mul3A_6, %add3A_23 : i32
    %dma_wait3A = arith.constant 0 : i32
    %dma_wait3A_25 = arith.constant 0 : i32
    %dma_wait3A_26 = tpu.memref_slice %arg3[%add3A_24, %dma_wait3A_25] : memref<1600000x128xi32, #tpu.memory_space<hbm>> -> memref<80x128xi32, #tpu.memory_space<hbm>>
    %dma_wait3A_27 = arith.constant 0 : i32
    %dma_wait3A_28 = arith.constant 0 : i32
    %dma_wait3A_29 = tpu.memref_slice %arg7[%arg1, %dma_wait3A, %dma_wait3A_27, %dma_wait3A_28] : memref<16x2x80x128xi32, #tpu.memory_space<vmem_shared>> -> memref<1x1x80x128xi32, #tpu.memory_space<vmem_shared>>
    %dma_wait3A_30 = tpu.memref_squeeze %dma_wait3A_29 : memref<1x1x80x128xi32, #tpu.memory_space<vmem_shared>> -> memref<80x128xi32, #tpu.memory_space<vmem_shared>>
    tpu.wait_dma2 semaphore(%arg9 : memref<!tpu.dma_semaphore, #tpu.memory_space<semaphore_mem>>) src(%dma_wait3A_30 : memref<80x128xi32, #tpu.memory_space<vmem_shared>>) dst(%dma_wait3A_26 : memref<80x128xi32, #tpu.memory_space<hbm>>)
    %add3A_31 = arith.constant 49840 : i32
    %add3A_32 = arith.addi %mul3A_6, %add3A_31 : i32
    %dma_wait3A_33 = arith.constant 1 : i32
    %dma_wait3A_34 = arith.constant 0 : i32
    %dma_wait3A_35 = tpu.memref_slice %arg3[%add3A_32, %dma_wait3A_34] : memref<1600000x128xi32, #tpu.memory_space<hbm>> -> memref<80x128xi32, #tpu.memory_space<hbm>>
    %dma_wait3A_36 = arith.constant 0 : i32
    %dma_wait3A_37 = arith.constant 0 : i32
    %dma_wait3A_38 = tpu.memref_slice %arg7[%arg1, %dma_wait3A_33, %dma_wait3A_36, %dma_wait3A_37] : memref<16x2x80x128xi32, #tpu.memory_space<vmem_shared>> -> memref<1x1x80x128xi32, #tpu.memory_space<vmem_shared>>
    %dma_wait3A_39 = tpu.memref_squeeze %dma_wait3A_38 : memref<1x1x80x128xi32, #tpu.memory_space<vmem_shared>> -> memref<80x128xi32, #tpu.memory_space<vmem_shared>>
    tpu.wait_dma2 semaphore(%arg10 : memref<!tpu.dma_semaphore, #tpu.memory_space<semaphore_mem>>) src(%dma_wait3A_39 : memref<80x128xi32, #tpu.memory_space<vmem_shared>>) dst(%dma_wait3A_35 : memref<80x128xi32, #tpu.memory_space<hbm>>)
    return
  }
}

</mosaic_0001>

<sc_bundles>
// kernel: kernel.3.cloned.1.call-start
scs
__scs_entry_jumppad:
0x0: {  	(pc) =	sbr.rel $0x88, $3  }
0x1: {  	(tag) =	ssettag $0x0;
	lr =	simm.s32 $0x1  }
0x2: {  	[smem:$0x3FA0] =	sst lr;
	_ =	strace $0xD0000000  }
0x3: {  	_ = 	snop  }
0x4: {  	_ = 	snop  }
0x5: {  	_ = 	snop  }
0x6: {  	_ = 	snop  }
0x7: {  	_ = 	snop  }
__scs_overlays_trampoline_lowered:
0x8: {  	[smem:$0x3FAF] =	sst s0  }
0x9: {  	[smem:$0x3FB0] =	sst s1  }
0xa: {  	[smem:$0x3FB1] =	sst s2  }
0xb: {  	[smem:$0x3FB2] =	sst s3  }
0xc: {  	[smem:$0x3FB3] =	sst s4  }
0xd: {  	[smem:$0x3FB4] =	sst s5  }
0xe: {  	[smem:$0x3FB5] =	sst s6  }
0xf: {  	[smem:$0x3FB6] =	sst s7  }
0x10: {  	[smem:$0x3FB7] =	sst s8  }
0x11: {  	[smem:$0x3FB8] =	sst s9;
	s0 =	simm.s32 @!p0 $0x0  }
0x12: {  	s1 =	sld [smem:$0x3F9E];
	s0 =	simm.s32 @p0 $0x1  }
0x13: {  	[smem:$0x3FB9] =	sst s0;
	s0 =	simm.s32 @!p1 $0x0  }
0x14: {  	s2 =	sld [smem:$0x3F9D];
	s0 =	simm.s32 @p1 $0x1  }
0x15: {  	[smem:$0x3FBA] =	sst s0;
	s0 =	simm.s32 @!p2 $0x0  }
0x16: {  	s3 =	sld [smem:$0x3FDB];
	s0 =	simm.s32 @p2 $0x1  }
0x17: {  	s4 =	simm.s32 $0x1BF5;
	[smem:$0x3FBC] =	sst s0  }
0x18: {  	s0 =	sld [smem:$0x3F9F];
	_ =	swait.ge [sflag:s4], $0x0  }
0x19: {  	s7 =	sld [smem:$0x3FA0]  }
0x1a: {  	s8 =	sadd.s32 $0xFFFFE003, lr  }
0x1b: {  	s9 =	sadd.s32 $0xFFFFFEF7, lr;
	s5 =	simm.s32 $0xFFFFFFFF;
	p2 =	slt.u32 s8, $0xFFFFF086  }
0x1c: {  	p1 =	slt.u32 s9, $0xF7A;
	s5 =	simm.s32 @!p2 $0x0  }
0x1d: {  	s5 =	simm.s32 @p1 $0x1;
	p0 =	seq.s32 s7, s2  }
0x1e: {  	s7 =	smul.u32 @!p0 $0xF7A, s2;
	p2 =	seq.s32 @!p0 s5, $0x0  }
0x1f: {  	s9 =	smul.u32 $0xF7A, s1;
	s8 =	simm.s32 @!p0 $0x1BF5;
	p2 =	por !p2, p0  }
0x20: {  	[sflag:s8] =	ssyncset.s32 @!p0 $0xFFFFF086;
	s6 =	sadd.s32 @!p0 s3, s7;
	s7 =	simm.s32 @!p0 $0x108  }
0x21: {  	s3 =	sadd.s32 s3, s9;
	s6 =	sadd.s32 @!p0 $0x88, s6;
	s7 =	simm.s32 @p2 $0x1082  }
0x22: {  	[simem:s7], [sflag:s8] =	dma.local @!p0 [hbm:s6], $0xF7A  }
0x23: {  	s9 =	sor.u32 $0xD0000000, s2;
	s6 =	simm.s32 $0x108;
	_ =	swait.ge @!p0 [sflag:s8], $0x0  }
0x24: {  	s3 =	sadd.s32 $0x88, s3;
	s6 =	simm.s32 @!p1 $0x1082;
	[sflag:s4] =	ssyncset.s32 $0xFFFFF086  }
0x25: {  	[simem:s6], [sflag:s4] =	dma.local [hbm:s3], $0xF7A  }
0x26: {  	[smem:$0x3FA0] =	sst s1;
	(tag) =	ssettag s2;
	_ =	strace s9  }
0x27: {  	s1 =	sld [smem:$0x3FB0]  }
0x28: {  	s2 =	sld [smem:$0x3FB1]  }
0x29: {  	s4 =	sld [smem:$0x3FB3]  }
0x2a: {  	p0 =	seq.s32 s5, $0x0;
	s5 =	sld [smem:$0x3FB4]  }
0x2b: {  	s6 =	sld [smem:$0x3FB5]  }
0x2c: {  	s7 =	sld [smem:$0x3FB6]  }
0x2d: {  	s3 =	simm.s32 $0x108;
	s8 =	sld [smem:$0x3FB7]  }
0x2e: {  	s3 =	simm.s32 @!p0 $0x1082;
	s9 =	sld [smem:$0x3FB8]  }
0x2f: {  	lr =	sadd.s32 s0, s3;
	s0 =	sld [smem:$0x3FAF]  }
0x30: {  	s3 =	sld [smem:$0x3FB2]  }
0x31: {  	[smem:$0x3FBB] =	sst s10  }
0x32: {  	s10 =	sld [smem:$0x3FB9];
	_ =	sdelay $0x3  }
0x33: {  	p0 =	seq.s32 s10, $0x1;
	s10 =	sld [smem:$0x3FBB];
	_ =	sdelay $0x3  }
0x34: {  	[smem:$0x3FBB] =	sst s10  }
0x35: {  	s10 =	sld [smem:$0x3FBA];
	_ =	sdelay $0x3  }
0x36: {  	p1 =	seq.s32 s10, $0x1;
	s10 =	sld [smem:$0x3FBB];
	_ =	sdelay $0x3  }
0x37: {  	[smem:$0x3FBB] =	sst s10  }
0x38: {  	s10 =	sld [smem:$0x3FBC]  }
0x39: {  	_ = 	snop;
	(pc) =	sbr.ind lr, $3  }
0x3a: {  	_ = 	snop  }
0x3b: {  	_ = 	snop  }
0x3c: {  	p2 =	seq.s32 s10, $0x1;
	s10 =	sld [smem:$0x3FBB]  }
0x3d: {  	_ =	shalt  }
0x3e: {  	_ =	shalt  }
0x3f: {  	_ =	shalt  }
0x40: {  	_ =	shalt  }
0x41: {  	_ =	shalt  }
0x42: {  	_ =	shalt  }
0x43: {  	_ =	shalt  }
0x44: {  	_ =	shalt  }
0x45: {  	_ =	shalt  }
0x46: {  	_ =	shalt  }
0x47: {  	_ =	shalt  }
0x48: {  	_ =	shalt  }
0x49: {  	_ =	shalt  }
0x4a: {  	_ =	shalt  }
0x4b: {  	_ =	shalt  }
0x4c: {  	_ =	shalt  }
0x4d: {  	_ =	shalt  }
0x4e: {  	_ =	shalt  }
0x4f: {  	_ =	shalt  }
0x50: {  	_ =	shalt  }
0x51: {  	_ =	shalt  }
0x52: {  	_ =	shalt  }
0x53: {  	_ =	shalt  }
0x54: {  	_ =	shalt  }
0x55: {  	_ =	shalt  }
0x56: {  	_ =	shalt  }
0x57: {  	_ =	shalt  }
0x58: {  	_ =	shalt  }
0x59: {  	_ =	shalt  }
0x5a: {  	_ =	shalt  }
0x5b: {  	_ =	shalt  }
0x5c: {  	_ =	shalt  }
0x5d: {  	_ =	shalt  }
0x5e: {  	_ =	shalt  }
0x5f: {  	_ =	shalt  }
0x60: {  	_ =	shalt  }
0x61: {  	_ =	shalt  }
0x62: {  	_ =	shalt  }
0x63: {  	_ =	shalt  }
0x64: {  	_ =	shalt  }
0x65: {  	_ =	shalt  }
0x66: {  	_ =	shalt  }
0x67: {  	_ =	shalt  }
0x68: {  	_ =	shalt  }
0x69: {  	_ =	shalt  }
0x6a: {  	_ =	shalt  }
0x6b: {  	_ =	shalt  }
0x6c: {  	_ =	shalt  }
0x6d: {  	_ =	shalt  }
0x6e: {  	_ =	shalt  }
0x6f: {  	_ =	shalt  }
0x70: {  	_ =	shalt  }
0x71: {  	_ =	shalt  }
0x72: {  	_ =	shalt  }
0x73: {  	_ =	shalt  }
0x74: {  	_ =	shalt  }
0x75: {  	_ =	shalt  }
0x76: {  	_ =	shalt  }
0x77: {  	_ =	shalt  }
0x78: {  	_ =	shalt  }
0x79: {  	_ =	shalt  }
0x7a: {  	_ =	shalt  }
0x7b: {  	_ =	shalt  }
0x7c: {  	_ =	shalt  }
0x7d: {  	_ =	shalt  }
0x7e: {  	_ =	shalt  }
0x7f: {  	_ =	shalt  }
0x80: {  	_ =	shalt  }
0x81: {  	_ =	shalt  }
0x82: {  	_ =	shalt  }
0x83: {  	_ =	shalt  }
0x84: {  	_ =	shalt  }
0x85: {  	_ =	shalt  }
0x86: {  	_ =	shalt  }
0x87: {  	_ =	shalt  }
.Lfunc_end0:
.L_simem_size_0:
called_computation.1_lowered:
.L_overlay_start_0:
0x88: {  	s2 =	sld [smem:$0x3FD9]  }
0x89: {  	s3 =	sld [smem:$0x3FFE];
	_ =	sdelay $0x1  }
0x8a: {  	s1 =	srdreg.scid  }
0x8b: {  	s0 =	sand.u32 $0x1, s1  }
0x8c: {  	s17 =	sshll.u32 s0, $0xA;
	s2 =	sadd.s32 s3, s2  }
0x8d: {  	s2 =	sadd.s32 s2, s17  }
0x8e: {  	[smem:$0x3FC7] =	sst s2  }
0x8f: {  	_ = 	snop  }
0x90: {  	s2 =	sld [smem:$0x3FD0];
	(tm) =	ssettm $0x1  }
0x91: {  	s18 =	sld [smem:$0x3FFB];
	_ =	sdelay $0x3  }
0x92: {  	_ =	strace s18  }
0x93: {  	s3 =	sld [smem:$0x3FFC];
	_ =	sdelay $0x3  }
0x94: {  	_ =	strace s3  }
0x95: {  	s3 =	sld [smem:$0x3FFD];
	_ =	sdelay $0x3  }
0x96: {  	_ =	strace s3  }
0x97: {  	_ =	strace $0x8FFFFFFF  }
0x98: {  	s19 =	sld [smem:$0x3FDB];
	_ =	sdelay $0x1  }
0x99: {  	s4 =	simm.s32 $_scs_section_size  }
0x9a: {  	s5 =	simm.s32 $_size__tile_overlayer_lowered;
	s6 =	simm.s32 $_tile_overlayer_lowered  }
0x9b: {  	s22 =	simm.s32 $0x1BFF;
	s21 =	sshll.u32 s6, $0x1;
	s3 =	sadd.s32 s4, s19  }
0x9c: {  	s7 =	simm.s32 $0x0;
	s20 =	sshll.u32 s5, $0x1;
	s5 =	sadd.s32 s21, s3  }
0x9d: {  	[timem:s7], [sflag:s22] =	dma.local [hbm:s5], s20  }
0x9e: {  	_ =	swait.ge [sflag:s22], s20  }
0x9f: {  	s4 =	ssub.s32 $0x0, s20;
	[sflag:s22] =	ssyncset.done $0x0  }
0xa0: {  	[sflag:s22] =	ssyncadd.s32 s4;
	_ =	sdelay $0x1  }
0xa1: {  	s23 =	simm.s32 $0x1B8B  }
0xa2: {  	_ =	swait.ge [sflag:s23], $0x1  }
0xa3: {  	[sflag:s23] =	ssyncset.done $0x0  }
0xa4: {  	s25 =	simm.s32 $0x1B8E;
	s24 =	sld [smem:$0x3FFE];
	[sflag:s23] =	ssyncadd.s32 $0xFFFFFFFF  }
0xa5: {  	s26 =	simm.s32 $execute0_lowered;
	[smem:$0x3FD2] =	sst s25  }
0xa6: {  	s5 =	sshll.u32 s26, $0x1;
	_ =	strace $0x80000046;
	[dreg:$0x1] =	wrdreg $0xFFFFFFFF  }
0xa7: {  	s28 =	simm.s32 $_size_execute0_lowered;
	s3 =	sadd.s32 s3, s5;
	[dreg:$0x0] =	wrdreg $0x0  }
0xa8: {  	s5 =	sshll.u32 s28, $0x1;
	[dreg:$0x2] =	wrdreg s3  }
0xa9: {  	[dreg:$0x3] =	wrdreg s5  }
0xaa: {  	[dreg:$0x4] =	wrdreg $0xC0  }
0xab: {  	_ =	task [dreg:s7], $0x5FFFF  }
0xac: {  	[dreg:$0x1] =	wrdreg $0xFFFFFFFF  }
0xad: {  	[dreg:$0x0] =	wrdreg $0x60  }
0xae: {  	[dreg:$0x2] =	wrdreg s24  }
0xaf: {  	[dreg:$0x3] =	wrdreg s2  }
0xb0: {  	[dreg:$0x4] =	wrdreg $0x6A000  }
0xb1: {  	[dreg:$0x5] =	wrdreg $0x9  }
0xb2: {  	_ =	task.clear_ibuf [dreg:s7], $0x6FFFF;
	_ =	strace $0x90000046  }
0xb3: {  	s29 =	simm.s32 $0x9;
	_ =	strace $0x80000048  }
0xb4: {  	_ =	swait.ge [sflag:s29], $0x1  }
0xb5: {  	[sflag:s29] =	ssyncadd.s32 $0xFFFFFFFF  }
0xb6: {  	_ =	strace $0x90000048  }
0xb7: {  	_ =	sfence  }
0xb8: {  	s30 =	sld [smem:$0x0];
	_ =	sdelay $0x2  }
0xb9: {  	s31 =	sshll.u32 s1, $0xD;
	s1 =	sshrl.u32 s1, $0x2  }
0xba: {  	s3 =	sand.u32 $0x4000, s31;
	s1 =	sadd.s32 s1, s30  }
0xbb: {  	s0 =	sor.u32 s3, s0;
	s1 =	sshll.u32 s1, $0x11  }
0xbc: {  	s0 =	sor.u32 s1, s0  }
0xbd: {  	s0 =	sadd.s32 $0x8F2B, s0  }
0xbe: {  	[sflag:s0] =	ssyncadd.remote.s32 $0x1  }
0xbf: {  	_ =	sfence.sel $0xFFFF  }
0xc0: {  	[dreg:$0x0] =	wrdreg $0xFFFFFFFF;
	(pc) =	sbr.abs _section_cstart, $3  }
0xc1: {  	[dreg:$0x1] =	wrdreg $0xFFFFFFFF  }
0xc2: {  	_ =	task.clear_ibuf [dreg:s7], $0x2FFFF;
	_ =	strace $0x9FFFFFFF  }
0xc3: {  	(tm) =	ssettm $0x7FFFFFFF  }
tec
execute0_lowered:
.L_overlay_start_1:
0x0: {  	(tag) =	ssettag $0x1  }
0x1: {  	s0 =	stileid.u32  }
0x2: {  	s10 =	smul.u32 $0x14000, s0  }
0x3: {  	s12 =	smul.u32 $0xC35000, s0  }
0x4: {  	s1 =	srdreg.scid;
	s21 =	smul.u32 $0x186A0, s0  }
0x5: {  	s1 =	sand.u32 $0x1, s1;
	s25 =	smul.u32 $0x186A00, s0  }
0x6: {  	s13 =	smul.u32 $0x61A800, s1  }
0x7: {  	s5 =	rddreg [dreg:$0x0];
	s14 =	smul.u32 $0xC350, s1  }
0x8: {  	s15 =	rddreg [dreg:$0x1];
	s3 =	sshll.u32 s0, $0x1;
	s23 =	smul.u32 $0xFF9E5800, s1  }
0x9: {  	s6 =	sor.u32 s1, s3;
	s9 =	ssub.s32 $0x2, s1;
	s1 =	smul.u32 $0xC3500, s1  }
0xa: {  	s7 =	rddreg [dreg:$0x2];
	s3 =	simm.s32 $0x0;
	s8 =	smul.u32 $0x320, s6  }
0xb: {  	s4 =	smul.u32 $0xC350, s6;
	[smem:$0x7FF] =	sst s3  }
0xc: {  	s11 =	sshrl.u32 s9, $0x1;
	s20 =	sshrl.u32 s10, $0x2;
	s29 =	sadd.s32 s25, s15  }
0xd: {  	s25 =	simm.s32 $0x3;
	_ =	strace $0x80000047;
	s11 =	ssub.s32 s9, s11  }
0xe: {  	s10 =	sadd.s32 s14, s21;
	s26 =	sadd.s32 s13, s12;
	s12 =	ssub.s32 s23, s12  }
0xf: {  	s14 =	smul.u32 $0xFF3CB000, s0;
	s1 =	sadd.s32 s1, s29;
	s16 =	ssub.s32 $0x1D6A0, s13  }
0x10: {  	s19 =	ssub.s32 $0x9B50, s13;
	s23 =	simm.s32 $0x1;
	s8 =	sadd.s32 s8, s5  }
0x11: {  	s5 =	sshll.u32 s6, $0x7;
	s6 =	sadd.s32 s20, s7;
	s2 =	sadd.s32 $0x1FFFFB0, s4  }
0x12: {  	s24 =	smax.u32 s11, $0x1;
	[dreg:$0x7] =	wrdreg s26;
	s10 =	sshll.u32 s10, $0x7  }
0x13: {  	s30 =	sadd.s32 $0x500, s1;
	s20 =	ssub.s32 $0x15EA0, s13;
	[dreg:$0x4] =	wrdreg s2  }
.Ltmp0:
0x14: {  	s26 =	simm.s32 $0x2;
	[dreg:$0x6] =	wrdreg s24;
	(pc) =	sbr.rel .LBB2_1-.Ltmp0, $4  }
0x15: {  	s1 =	simm.s32 $0x0;
	s22 =	sadd.s32 $0x800, s8;
	[dreg:$0x9] =	wrdreg s30  }
0x16: {  	v0 =	vimm.s32 $0x0;
	v1 =	vlaneseq.u32;
	s9 =	sadd.s32 $0x2800, s6;
	s28 =	sadd.s32 $0xFFFFB000, s10;
	[dreg:$0x5] =	wrdreg s22  }
0x17: {  	vm0 =	vmxor vm0, vm0;
	v2 =	vimm.s32 $0x1;
	vm1 =	vmmov $0x3;
	s2 =	smov.u32 s15;
	s31 =	sadd.s32 $0x2800, s10;
	[dreg:$0x8] =	wrdreg s28  }
0x18: {  	v3 =	vor.u32 $0x10, v1;
	v4 =	vor.u32 $0x20, v1;
	v5 =	vor.u32 $0x30, v1;
	s15 =	ssub.s32 $0x11350, s13;
	s24 =	simm.s32 $0x2800;
	[dreg:$0xa] =	wrdreg s31  }
.LBB2_11:
0x19: {  	_ =	swait.ge [sflag:s26], $0x500  }
0x1a: {  	[sflag:s26] =	ssyncset.done $0x0  }
0x1b: {  	[sflag:s26] =	ssyncadd.s32 $0xFFFFFB00  }
0x1c: {  	_ =	swait.ge [sflag:s25], $0x500  }
0x1d: {  	s1 =	rddreg [dreg:$0xb]  }
0x1e: {  	s0 =	rddreg [dreg:$0x6];
	s1 =	sadd.s32 $0x1, s1  }
0x1f: {  	p0 =	sne.s32 s1, s0  }
.Ltmp1:
0x20: {  	_ = 	snop;
	(pc) =	sbr.rel @!p0 .LBB2_12-.Ltmp1, $3  }
0x21: {  	_ =	sdelay $0x1  }
0x22: {  	[sflag:s25] =	ssyncset.done $0x0  }
0x23: {  	[sflag:s25] =	ssyncadd.s32 $0xFFFFFB00  }
.LBB2_1:
0x24: {  	[dreg:$0xb] =	wrdreg s1;
	s1 =	simm.s32 $0x0;
	s8 =	simm.s32 $0x200  }
.LBB2_2:
0x25: {  	p0 =	sne.s32 s8, $0x9E00;
	[tilespmem:s1+$0x2870] =	vst v0  }
0x26: {  	[tilespmem:s1+$0x0] =	vst v0  }
0x27: {  	[tilespmem:s1+$0x2800] =	vst v0  }
0x28: {  	[tilespmem:s1+$0x10] =	vst v0  }
0x29: {  	[tilespmem:s1+$0x2810] =	vst v0  }
0x2a: {  	[tilespmem:s1+$0x20] =	vst v0  }
0x2b: {  	[tilespmem:s1+$0x2820] =	vst v0  }
0x2c: {  	[tilespmem:s1+$0x30] =	vst v0  }
0x2d: {  	[tilespmem:s1+$0x2830] =	vst v0  }
0x2e: {  	[tilespmem:s1+$0x40] =	vst v0  }
0x2f: {  	[tilespmem:s1+$0x2840] =	vst v0  }
.Ltmp2:
0x30: {  	[tilespmem:s1+$0x50] =	vst v0;
	(pc) =	sbr.rel @p0 .LBB2_2-.Ltmp2, $4  }
0x31: {  	[tilespmem:s1+$0x2850] =	vst v0  }
0x32: {  	[tilespmem:s1+$0x60] =	vst v0  }
0x33: {  	[tilespmem:s1+$0x2860] =	vst v0  }
0x34: {  	[tilespmem:s1+$0x70] =	vst v0;
	s1 =	sshra.s32 s8, $0x2;
	s8 =	sadd.s32 $0x200, s8  }
0x35: {  	[tilespmem:s1+$0x2870] =	vst v0  }
0x36: {  	[tilespmem:s1+$0x0] =	vst v0  }
0x37: {  	[tilespmem:s1+$0x2800] =	vst v0  }
0x38: {  	[tilespmem:s1+$0x10] =	vst v0  }
0x39: {  	[tilespmem:s1+$0x2810] =	vst v0  }
0x3a: {  	[tilespmem:s1+$0x20] =	vst v0  }
0x3b: {  	[tilespmem:s1+$0x2820] =	vst v0  }
0x3c: {  	[tilespmem:s1+$0x30] =	vst v0  }
0x3d: {  	[tilespmem:s1+$0x2830] =	vst v0  }
0x3e: {  	[tilespmem:s1+$0x40] =	vst v0  }
0x3f: {  	[tilespmem:s1+$0x2840] =	vst v0  }
0x40: {  	[tilespmem:s1+$0x50] =	vst v0  }
0x41: {  	[tilespmem:s1+$0x2850] =	vst v0  }
0x42: {  	[tilespmem:s1+$0x60] =	vst v0  }
0x43: {  	[tilespmem:s1+$0x2860] =	vst v0;
	s8 =	simm.s32 $0x0  }
0x44: {  	[tilespmem:s1+$0x70] =	vst v0;
	s0 =	rddreg [dreg:$0x5];
	s28 =	simm.s32 $0x5000;
	s29 =	simm.s32 $0x4  }
0x45: {  	[tilespmem:s28], [sflag:$0x4] =	stream.linear.gather [hbm4b:s0+s8], $0x1900, $0x38;
	[tilespmem:$0xBA00] =	vst v63  }
.Ltmp3:
0x46: {  	_ =	swait.ge [sflag:s29], $0x1900;
	(pc) =	sbr.rel .LBB2_4-.Ltmp3, $4  }
0x47: {  	s31 =	rddreg [dreg:$0xa]  }
0x48: {  	s17 =	rddreg [dreg:$0x9]  }
0x49: {  	s30 =	simm.s32 $0x1;
	[sflag:s29] =	ssyncset.done $0x0;
	s13 =	rddreg [dreg:$0x8]  }
0x4a: {  	s21 =	simm.s32 $0x0;
	s11 =	rddreg [dreg:$0x7];
	[sflag:s29] =	ssyncadd.s32 $0xFFFFE700  }
.LBB2_9:
0x4b: {  	s0 =	sadd.s32 $0x2800, s11  }
0x4c: {  	s0 =	sshrl.u32 s0, $0x4  }
0x4d: {  	s0 =	smulhi.u32 $0xA7C5AC5, s0;
	_ =	sdelay $0x1  }
0x4e: {  	s0 =	sshrl.u32 s0, $0x7  }
0x4f: {  	s29 =	ssub.s32 s0, s5  }
0x50: {  	s1 =	smul.u32 $0xC8, s29  }
0x51: {  	s18 =	sshrl.u32 s31, $0x4  }
0x52: {  	s0 =	smulhi.u32 $0xA7C5AC5, s18;
	s7 =	sshra.s32 s1, $0x2  }
0x53: {  	v6 =	vld [tilespmem:s7+$0x5000]  }
0x54: {  	s0 =	sshrl.u32 s0, $0x7  }
0x55: {  	s18 =	smul.u32 $0xC350, s0;
	_ =	sdelay $0x1  }
0x56: {  	s0 =	sadd.s32 s18, s12  }
0x57: {  	s0 =	sadd.s32 s0, s21;
	v6 =	vmul.u32 $0x32, v6  }
0x58: {  	s0 =	sadd.s32 $0xFFFFD800, s0  }
0x59: {  	v6 =	vadd.s32 s0, v6  }
0x5a: {  	vm2 =	vmmov vm0;
	p0 =	slt.s32 s29, $0x80;
	v6 =	vadd.s32 v1, v6  }
0x5b: {  	vm2 =	vmneg @p0 vm2;
	vm3 =	vlt.u32 v6, $0x2800  }
0x5c: {  	vm4 =	vgt.s32 v6, $0x0;
	vm3 =	vmand vm2, vm3  }
0x5d: {  	v6 =	vnsel vm4, $0x0, v6;
	_ =	sdelay $0x4  }
0x5e: {  	[tilespmem:v6+s24+$0x0] =	vst.idx.msk vm3, v2  }
0x5f: {  	v6 =	vld [tilespmem:s7+$0x5010];
	_ =	sdelay $0x4  }
0x60: {  	v6 =	vmul.u32 $0x32, v6;
	_ =	sdelay $0x1  }
0x61: {  	v6 =	vadd.s32 s0, v6  }
0x62: {  	v6 =	vadd.s32 v3, v6  }
0x63: {  	vm3 =	vlt.u32 v6, $0x2800  }
0x64: {  	vm8 =	vgt.s32 v6, $0x0;
	vm3 =	vmand vm2, vm3  }
0x65: {  	v6 =	vnsel vm8, $0x0, v6;
	_ =	sdelay $0x4  }
0x66: {  	[tilespmem:v6+s24+$0x0] =	vst.idx.msk vm3, v2  }
0x67: {  	v6 =	vld [tilespmem:s7+$0x5020];
	_ =	sdelay $0x4  }
0x68: {  	v6 =	vmul.u32 $0x32, v6;
	_ =	sdelay $0x1  }
0x69: {  	v6 =	vadd.s32 s0, v6  }
0x6a: {  	v6 =	vadd.s32 v4, v6  }
0x6b: {  	vm3 =	vlt.u32 v6, $0x2800  }
0x6c: {  	vm9 =	vgt.s32 v6, $0x0;
	vm3 =	vmand vm2, vm3  }
0x6d: {  	v6 =	vnsel vm9, $0x0, v6;
	_ =	sdelay $0x4  }
0x6e: {  	[tilespmem:v6+s24+$0x0] =	vst.idx.msk vm3, v2  }
0x6f: {  	v6 =	vld [tilespmem:s7+$0x5030];
	_ =	sdelay $0x4  }
0x70: {  	v6 =	vmul.u32 $0x32, v6;
	_ =	sdelay $0x1  }
0x71: {  	v6 =	vadd.s32 s0, v6  }
0x72: {  	v6 =	vadd.s32 v5, v6  }
0x73: {  	vm3 =	vlt.u32 v6, $0x2800  }
0x74: {  	vm2 =	vmand vm3, vm2  }
0x75: {  	vm3 =	vgt.s32 v6, $0x0;
	vm2 =	vmand vm2, vm1  }
0x76: {  	v6 =	vnsel vm3, $0x0, v6;
	_ =	sdelay $0x3  }
0x77: {  	s22 =	sadd.s32 $0xC8, s1  }
0x78: {  	s0 =	sshra.s32 s22, $0x2;
	[tilespmem:v6+s24+$0x0] =	vst.idx.msk vm2, v2  }
0x79: {  	v6 =	vld [tilespmem:s0+$0x5000];
	_ =	sdelay $0x4  }
0x7a: {  	s28 =	sadd.s32 s18, s19;
	s22 =	sadd.s32 s21, s14;
	v6 =	vmul.u32 $0x32, v6  }
0x7b: {  	s7 =	sadd.s32 s28, s22  }
0x7c: {  	s28 =	sadd.s32 $0x1, s29;
	v6 =	vadd.s32 s7, v6  }
0x7d: {  	p0 =	slt.s32 s28, $0x80;
	vm2 =	vmmov vm0;
	v6 =	vadd.s32 v1, v6  }
0x7e: {  	vm2 =	vmneg @p0 vm2;
	vm3 =	vlt.u32 v6, $0x2800  }
0x7f: {  	vm10 =	vgt.s32 v6, $0x0;
	vm3 =	vmand vm2, vm3  }
0x80: {  	v6 =	vnsel vm10, $0x0, v6;
	_ =	sdelay $0x4  }
0x81: {  	[tilespmem:v6+s24+$0x0] =	vst.idx.msk vm3, v2  }
0x82: {  	v6 =	vld [tilespmem:s0+$0x5010];
	_ =	sdelay $0x4  }
0x83: {  	v6 =	vmul.u32 $0x32, v6;
	_ =	sdelay $0x1  }
0x84: {  	v6 =	vadd.s32 s7, v6  }
0x85: {  	v6 =	vadd.s32 v3, v6  }
0x86: {  	vm3 =	vlt.u32 v6, $0x2800  }
0x87: {  	vm11 =	vgt.s32 v6, $0x0;
	vm3 =	vmand vm2, vm3  }
0x88: {  	v6 =	vnsel vm11, $0x0, v6;
	_ =	sdelay $0x4  }
0x89: {  	[tilespmem:v6+s24+$0x0] =	vst.idx.msk vm3, v2  }
0x8a: {  	v6 =	vld [tilespmem:s0+$0x5020];
	_ =	sdelay $0x4  }
0x8b: {  	v6 =	vmul.u32 $0x32, v6;
	_ =	sdelay $0x1  }
0x8c: {  	v6 =	vadd.s32 s7, v6  }
0x8d: {  	v6 =	vadd.s32 v4, v6  }
0x8e: {  	vm3 =	vlt.u32 v6, $0x2800  }
0x8f: {  	vm12 =	vgt.s32 v6, $0x0;
	vm3 =	vmand vm2, vm3  }
0x90: {  	v6 =	vnsel vm12, $0x0, v6;
	_ =	sdelay $0x4  }
0x91: {  	[tilespmem:v6+s24+$0x0] =	vst.idx.msk vm3, v2  }
0x92: {  	v6 =	vld [tilespmem:s0+$0x5030];
	_ =	sdelay $0x4  }
0x93: {  	v6 =	vmul.u32 $0x32, v6;
	_ =	sdelay $0x1  }
0x94: {  	v6 =	vadd.s32 s7, v6  }
0x95: {  	v6 =	vadd.s32 v5, v6  }
0x96: {  	vm3 =	vlt.u32 v6, $0x2800  }
0x97: {  	vm2 =	vmand vm3, vm2  }
0x98: {  	vm3 =	vgt.s32 v6, $0x0;
	vm2 =	vmand vm2, vm1  }
0x99: {  	v6 =	vnsel vm3, $0x0, v6;
	_ =	sdelay $0x3  }
0x9a: {  	s7 =	sadd.s32 $0x190, s1  }
0x9b: {  	s0 =	sshra.s32 s7, $0x2;
	[tilespmem:v6+s24+$0x0] =	vst.idx.msk vm2, v2  }
0x9c: {  	v6 =	vld [tilespmem:s0+$0x5000];
	_ =	sdelay $0x4  }
0x9d: {  	s18 =	sadd.s32 s18, s20;
	v6 =	vmul.u32 $0x32, v6  }
0x9e: {  	s1 =	sadd.s32 s18, s22  }
0x9f: {  	s22 =	sadd.s32 $0x2, s29;
	v6 =	vadd.s32 s1, v6  }
0xa0: {  	p0 =	slt.s32 s22, $0x80;
	vm2 =	vmmov vm0;
	v6 =	vadd.s32 v1, v6  }
0xa1: {  	vm2 =	vmneg @p0 vm2;
	vm3 =	vlt.u32 v6, $0x2800  }
0xa2: {  	vm13 =	vgt.s32 v6, $0x0;
	vm3 =	vmand vm2, vm3  }
0xa3: {  	v6 =	vnsel vm13, $0x0, v6;
	_ =	sdelay $0x4  }
0xa4: {  	[tilespmem:v6+s24+$0x0] =	vst.idx.msk vm3, v2  }
0xa5: {  	v6 =	vld [tilespmem:s0+$0x5010];
	_ =	sdelay $0x4  }
0xa6: {  	v6 =	vmul.u32 $0x32, v6;
	_ =	sdelay $0x1  }
0xa7: {  	v6 =	vadd.s32 s1, v6  }
0xa8: {  	v6 =	vadd.s32 v3, v6  }
0xa9: {  	vm3 =	vlt.u32 v6, $0x2800  }
0xaa: {  	vm14 =	vgt.s32 v6, $0x0;
	vm3 =	vmand vm2, vm3  }
0xab: {  	v6 =	vnsel vm14, $0x0, v6;
	_ =	sdelay $0x4  }
0xac: {  	[tilespmem:v6+s24+$0x0] =	vst.idx.msk vm3, v2  }
0xad: {  	v6 =	vld [tilespmem:s0+$0x5020];
	_ =	sdelay $0x4  }
0xae: {  	v6 =	vmul.u32 $0x32, v6;
	_ =	sdelay $0x1  }
0xaf: {  	v6 =	vadd.s32 s1, v6  }
0xb0: {  	v6 =	vadd.s32 v4, v6  }
0xb1: {  	vm3 =	vlt.u32 v6, $0x2800  }
0xb2: {  	vm15 =	vgt.s32 v6, $0x0;
	vm3 =	vmand vm2, vm3  }
0xb3: {  	v6 =	vnsel vm15, $0x0, v6;
	_ =	sdelay $0x4  }
0xb4: {  	[tilespmem:v6+s24+$0x0] =	vst.idx.msk vm3, v2  }
0xb5: {  	v6 =	vld [tilespmem:s0+$0x5030];
	_ =	sdelay $0x4  }
0xb6: {  	v6 =	vmul.u32 $0x32, v6;
	_ =	sdelay $0x1  }
0xb7: {  	v6 =	vadd.s32 s1, v6  }
0xb8: {  	v6 =	vadd.s32 v5, v6  }
0xb9: {  	vm3 =	vlt.u32 v6, $0x2800  }
0xba: {  	vm2 =	vmand vm3, vm2  }
0xbb: {  	vm3 =	vgt.s32 v6, $0x0;
	vm2 =	vmand vm2, vm1  }
0xbc: {  	v6 =	vnsel vm3, $0x0, v6;
	_ =	sdelay $0x4  }
0xbd: {  	[tilespmem:v6+s24+$0x0] =	vst.idx.msk vm2, v2  }
0xbe: {  	[spmem:s9] =	stream.linear.scatter [tilespmem:s24], [sflag:$0x1], $0x2800, $0x38;
	[tilespmem:$0xBA00] =	vst v63  }
0xbf: {  	_ =	swait.ge [sflag:s23], $0x2800  }
0xc0: {  	[sflag:s23] =	ssyncset.done $0x0  }
0xc1: {  	s28 =	sor.u32 $0x1C03, s10;
	s29 =	sshrl.u32 s9, $0x3;
	[sflag:s23] =	ssyncadd.s32 $0xFFFFD800  }
0xc2: {  	[hbm:s17], [sflag:s28] =	dma.local [spmem:s29], $0x500  }
.LBB2_10:
0xc3: {  	s21 =	sadd.s32 $0xFFFFB000, s21  }
0xc4: {  	p0 =	sne.s32 s21, $0xFF9E3000  }
.Ltmp4:
0xc5: {  	_ = 	snop;
	(pc) =	sbr.rel @!p0 .LBB2_11-.Ltmp4, $3  }
0xc6: {  	_ =	sdelay $0x1  }
0xc7: {  	s8 =	sadd.s32 $0xA0, s8;
	s11 =	sadd.s32 $0x5000, s11;
	s13 =	sadd.s32 $0x5000, s13  }
0xc8: {  	s17 =	sadd.s32 $0xA00, s17;
	s31 =	sadd.s32 $0x5000, s31;
	s30 =	sadd.s32 $0x2, s30  }
.LBB2_4:
0xc9: {  	p0 =	seq.s32 s21, $0x0  }
.Ltmp5:
0xca: {  	_ = 	snop;
	(pc) =	sbr.rel @p0 .LBB2_6-.Ltmp5, $2  }
0xcb: {  	_ =	sdelay $0x2  }
0xcc: {  	s29 =	simm.s32 $0x0  }
0xcd: {  	s1 =	sadd.s32 $0xFFFFB000, s11  }
0xce: {  	s1 =	sshrl.u32 s1, $0x4  }
0xcf: {  	s1 =	smulhi.u32 $0xA7C5AC5, s1;
	_ =	sdelay $0x1  }
0xd0: {  	s1 =	sshrl.u32 s1, $0x7  }
0xd1: {  	s10 =	ssub.s32 s1, s5  }
0xd2: {  	_ =	swait.ge [sflag:s26], $0x500;
	s29 =	smul.u32 $0xC8, s10  }
0xd3: {  	s28 =	sshrl.u32 s13, $0x4;
	[sflag:s26] =	ssyncset.done $0x0  }
0xd4: {  	[sflag:s26] =	ssyncadd.s32 $0xFFFFFB00;
	s1 =	smulhi.u32 $0xA7C5AC5, s28;
	s18 =	sshra.s32 s29, $0x2  }
0xd5: {  	v6 =	vld [tilespmem:s18+$0x5000]  }
0xd6: {  	s1 =	sshrl.u32 s1, $0x7  }
0xd7: {  	s1 =	smul.u32 $0xC350, s1;
	_ =	sdelay $0x1  }
0xd8: {  	s22 =	sadd.s32 s1, s12  }
0xd9: {  	s22 =	sadd.s32 s22, s21;
	v6 =	vmul.u32 $0x32, v6  }
0xda: {  	s22 =	sadd.s32 $0x5000, s22  }
0xdb: {  	v6 =	vadd.s32 s22, v6  }
0xdc: {  	vm2 =	vmmov vm0;
	p1 =	slt.s32 s10, $0x80;
	v6 =	vadd.s32 v1, v6  }
0xdd: {  	vm2 =	vmneg @p1 vm2;
	vm3 =	vlt.u32 v6, $0x2800  }
0xde: {  	vm4 =	vgt.s32 v6, $0x0;
	vm3 =	vmand vm2, vm3  }
0xdf: {  	v6 =	vnsel vm4, $0x0, v6;
	_ =	sdelay $0x4  }
0xe0: {  	[tilespmem:v6+s3+$0x0] =	vst.idx.msk vm3, v0  }
0xe1: {  	v6 =	vld [tilespmem:s18+$0x5010];
	_ =	sdelay $0x4  }
0xe2: {  	v6 =	vmul.u32 $0x32, v6;
	_ =	sdelay $0x1  }
0xe3: {  	v6 =	vadd.s32 s22, v6  }
0xe4: {  	v6 =	vadd.s32 v3, v6  }
0xe5: {  	vm3 =	vlt.u32 v6, $0x2800  }
0xe6: {  	vm8 =	vgt.s32 v6, $0x0;
	vm3 =	vmand vm2, vm3  }
0xe7: {  	v6 =	vnsel vm8, $0x0, v6;
	_ =	sdelay $0x4  }
0xe8: {  	[tilespmem:v6+s3+$0x0] =	vst.idx.msk vm3, v0  }
0xe9: {  	v6 =	vld [tilespmem:s18+$0x5020];
	_ =	sdelay $0x4  }
0xea: {  	v6 =	vmul.u32 $0x32, v6;
	_ =	sdelay $0x1  }
0xeb: {  	v6 =	vadd.s32 s22, v6  }
0xec: {  	v6 =	vadd.s32 v4, v6  }
0xed: {  	vm3 =	vlt.u32 v6, $0x2800  }
0xee: {  	vm9 =	vgt.s32 v6, $0x0;
	vm3 =	vmand vm2, vm3  }
0xef: {  	v6 =	vnsel vm9, $0x0, v6;
	_ =	sdelay $0x4  }
0xf0: {  	[tilespmem:v6+s3+$0x0] =	vst.idx.msk vm3, v0  }
0xf1: {  	v6 =	vld [tilespmem:s18+$0x5030];
	_ =	sdelay $0x4  }
0xf2: {  	v6 =	vmul.u32 $0x32, v6;
	_ =	sdelay $0x1  }
0xf3: {  	v6 =	vadd.s32 s22, v6  }
0xf4: {  	v6 =	vadd.s32 v5, v6  }
0xf5: {  	vm3 =	vlt.u32 v6, $0x2800  }
0xf6: {  	vm2 =	vmand vm3, vm2  }
0xf7: {  	vm3 =	vgt.s32 v6, $0x0;
	vm2 =	vmand vm2, vm1  }
0xf8: {  	v6 =	vnsel vm3, $0x0, v6;
	_ =	sdelay $0x3  }
0xf9: {  	s0 =	sadd.s32 $0xC8, s29  }
0xfa: {  	s18 =	sshra.s32 s0, $0x2;
	[tilespmem:v6+s3+$0x0] =	vst.idx.msk vm2, v0  }
0xfb: {  	v6 =	vld [tilespmem:s18+$0x5000];
	_ =	sdelay $0x4  }
0xfc: {  	s28 =	sadd.s32 s21, s14;
	s7 =	sadd.s32 s1, s15;
	v6 =	vmul.u32 $0x32, v6  }
0xfd: {  	s22 =	sadd.s32 s7, s28  }
0xfe: {  	s7 =	sadd.s32 $0x1, s10;
	v6 =	vadd.s32 s22, v6  }
0xff: {  	p1 =	slt.s32 s7, $0x80;
	vm2 =	vmmov vm0;
	v6 =	vadd.s32 v1, v6  }
0x100: {  	vm2 =	vmneg @p1 vm2;
	vm3 =	vlt.u32 v6, $0x2800  }
0x101: {  	vm10 =	vgt.s32 v6, $0x0;
	vm3 =	vmand vm2, vm3  }
0x102: {  	v6 =	vnsel vm10, $0x0, v6;
	_ =	sdelay $0x4  }
0x103: {  	[tilespmem:v6+s3+$0x0] =	vst.idx.msk vm3, v0  }
0x104: {  	v6 =	vld [tilespmem:s18+$0x5010];
	_ =	sdelay $0x4  }
0x105: {  	v6 =	vmul.u32 $0x32, v6;
	_ =	sdelay $0x1  }
0x106: {  	v6 =	vadd.s32 s22, v6  }
0x107: {  	v6 =	vadd.s32 v3, v6  }
0x108: {  	vm3 =	vlt.u32 v6, $0x2800  }
0x109: {  	vm11 =	vgt.s32 v6, $0x0;
	vm3 =	vmand vm2, vm3  }
0x10a: {  	v6 =	vnsel vm11, $0x0, v6;
	_ =	sdelay $0x4  }
0x10b: {  	[tilespmem:v6+s3+$0x0] =	vst.idx.msk vm3, v0  }
0x10c: {  	v6 =	vld [tilespmem:s18+$0x5020];
	_ =	sdelay $0x4  }
0x10d: {  	v6 =	vmul.u32 $0x32, v6;
	_ =	sdelay $0x1  }
0x10e: {  	v6 =	vadd.s32 s22, v6  }
0x10f: {  	v6 =	vadd.s32 v4, v6  }
0x110: {  	vm3 =	vlt.u32 v6, $0x2800  }
0x111: {  	vm12 =	vgt.s32 v6, $0x0;
	vm3 =	vmand vm2, vm3  }
0x112: {  	v6 =	vnsel vm12, $0x0, v6;
	_ =	sdelay $0x4  }
0x113: {  	[tilespmem:v6+s3+$0x0] =	vst.idx.msk vm3, v0  }
0x114: {  	v6 =	vld [tilespmem:s18+$0x5030];
	_ =	sdelay $0x4  }
0x115: {  	v6 =	vmul.u32 $0x32, v6;
	_ =	sdelay $0x1  }
0x116: {  	v6 =	vadd.s32 s22, v6  }
0x117: {  	v6 =	vadd.s32 v5, v6  }
0x118: {  	vm3 =	vlt.u32 v6, $0x2800  }
0x119: {  	vm2 =	vmand vm3, vm2  }
0x11a: {  	vm3 =	vgt.s32 v6, $0x0;
	vm2 =	vmand vm2, vm1  }
0x11b: {  	v6 =	vnsel vm3, $0x0, v6;
	_ =	sdelay $0x3  }
0x11c: {  	s22 =	sadd.s32 $0x190, s29  }
0x11d: {  	s7 =	sshra.s32 s22, $0x2;
	[tilespmem:v6+s3+$0x0] =	vst.idx.msk vm2, v0  }
0x11e: {  	v6 =	vld [tilespmem:s7+$0x5000];
	_ =	sdelay $0x4  }
0x11f: {  	s1 =	sadd.s32 s1, s16;
	v6 =	vmul.u32 $0x32, v6  }
0x120: {  	s1 =	sadd.s32 s1, s28  }
0x121: {  	s10 =	sadd.s32 $0x2, s10;
	v6 =	vadd.s32 s1, v6  }
0x122: {  	p1 =	slt.s32 s10, $0x80;
	vm2 =	vmmov vm0;
	v6 =	vadd.s32 v1, v6  }
0x123: {  	vm2 =	vmneg @p1 vm2;
	vm3 =	vlt.u32 v6, $0x2800  }
0x124: {  	vm13 =	vgt.s32 v6, $0x0;
	vm3 =	vmand vm2, vm3  }
0x125: {  	v6 =	vnsel vm13, $0x0, v6;
	_ =	sdelay $0x4  }
0x126: {  	[tilespmem:v6+s3+$0x0] =	vst.idx.msk vm3, v0  }
0x127: {  	v6 =	vld [tilespmem:s7+$0x5010];
	_ =	sdelay $0x4  }
0x128: {  	v6 =	vmul.u32 $0x32, v6;
	_ =	sdelay $0x1  }
0x129: {  	v6 =	vadd.s32 s1, v6  }
0x12a: {  	v6 =	vadd.s32 v3, v6  }
0x12b: {  	vm3 =	vlt.u32 v6, $0x2800  }
0x12c: {  	vm14 =	vgt.s32 v6, $0x0;
	vm3 =	vmand vm2, vm3  }
0x12d: {  	v6 =	vnsel vm14, $0x0, v6;
	_ =	sdelay $0x4  }
0x12e: {  	[tilespmem:v6+s3+$0x0] =	vst.idx.msk vm3, v0  }
0x12f: {  	v6 =	vld [tilespmem:s7+$0x5020];
	_ =	sdelay $0x4  }
0x130: {  	v6 =	vmul.u32 $0x32, v6;
	_ =	sdelay $0x1  }
0x131: {  	v6 =	vadd.s32 s1, v6  }
0x132: {  	v6 =	vadd.s32 v4, v6  }
0x133: {  	vm3 =	vlt.u32 v6, $0x2800  }
0x134: {  	vm15 =	vgt.s32 v6, $0x0;
	vm3 =	vmand vm2, vm3  }
0x135: {  	v6 =	vnsel vm15, $0x0, v6;
	_ =	sdelay $0x4  }
0x136: {  	[tilespmem:v6+s3+$0x0] =	vst.idx.msk vm3, v0  }
0x137: {  	v6 =	vld [tilespmem:s7+$0x5030];
	_ =	sdelay $0x4  }
0x138: {  	v6 =	vmul.u32 $0x32, v6;
	_ =	sdelay $0x1  }
0x139: {  	v6 =	vadd.s32 s1, v6  }
0x13a: {  	v6 =	vadd.s32 v5, v6  }
0x13b: {  	vm3 =	vlt.u32 v6, $0x2800  }
0x13c: {  	vm2 =	vmand vm3, vm2  }
0x13d: {  	vm3 =	vgt.s32 v6, $0x0;
	vm2 =	vmand vm2, vm1  }
0x13e: {  	v6 =	vnsel vm3, $0x0, v6;
	_ =	sdelay $0x4  }
0x13f: {  	s29 =	smov.u32 s8;
	[tilespmem:v6+s3+$0x0] =	vst.idx.msk vm2, v0  }
.LBB2_6:
0x140: {  	s10 =	sadd.s32 s4, s29  }
0x141: {  	s7 =	sshll.u32 s10, $0x7  }
0x142: {  	s1 =	smulhi.u32 $0x14F8B589, s7;
	_ =	sdelay $0x1  }
0x143: {  	s18 =	sshrl.u32 s1, $0xC  }
0x144: {  	s1 =	ssub.s32 s18, s5  }
0x145: {  	s22 =	smul.u32 $0xC8, s1;
	_ =	sdelay $0x1  }
0x146: {  	s28 =	sshra.s32 s22, $0x2  }
0x147: {  	v6 =	vld [tilespmem:s28+$0x5000];
	_ =	sdelay $0x3  }
0x148: {  	s18 =	smul.u32 $0xC350, s18  }
0x149: {  	v6 =	vmul.u32 $0x32, v6  }
0x14a: {  	s18 =	ssub.s32 s18, s7  }
0x14b: {  	v6 =	vadd.s32 s18, v6  }
0x14c: {  	vm2 =	vmmov vm0;
	p1 =	slt.s32 s1, $0x80;
	v6 =	vadd.s32 v1, v6  }
0x14d: {  	vm2 =	vmneg @p1 vm2;
	vm3 =	vlt.u32 v6, $0x2800  }
0x14e: {  	vm4 =	vgt.s32 v6, $0x0;
	vm3 =	vmand vm2, vm3  }
0x14f: {  	v6 =	vnsel vm4, $0x0, v6;
	_ =	sdelay $0x4  }
0x150: {  	[tilespmem:v6+s3+$0x0] =	vst.idx.msk vm3, v2  }
0x151: {  	v6 =	vld [tilespmem:s28+$0x5010];
	_ =	sdelay $0x4  }
0x152: {  	v6 =	vmul.u32 $0x32, v6;
	_ =	sdelay $0x1  }
0x153: {  	v6 =	vadd.s32 s18, v6  }
0x154: {  	v6 =	vadd.s32 v3, v6  }
0x155: {  	vm3 =	vlt.u32 v6, $0x2800  }
0x156: {  	vm8 =	vgt.s32 v6, $0x0;
	vm3 =	vmand vm2, vm3  }
0x157: {  	v6 =	vnsel vm8, $0x0, v6;
	_ =	sdelay $0x4  }
0x158: {  	[tilespmem:v6+s3+$0x0] =	vst.idx.msk vm3, v2  }
0x159: {  	v6 =	vld [tilespmem:s28+$0x5020];
	_ =	sdelay $0x4  }
0x15a: {  	v6 =	vmul.u32 $0x32, v6;
	_ =	sdelay $0x1  }
0x15b: {  	v6 =	vadd.s32 s18, v6  }
0x15c: {  	v6 =	vadd.s32 v4, v6  }
0x15d: {  	vm3 =	vlt.u32 v6, $0x2800  }
0x15e: {  	vm9 =	vgt.s32 v6, $0x0;
	vm3 =	vmand vm2, vm3  }
0x15f: {  	v6 =	vnsel vm9, $0x0, v6;
	_ =	sdelay $0x4  }
0x160: {  	[tilespmem:v6+s3+$0x0] =	vst.idx.msk vm3, v2  }
0x161: {  	v6 =	vld [tilespmem:s28+$0x5030];
	_ =	sdelay $0x4  }
0x162: {  	v6 =	vmul.u32 $0x32, v6;
	_ =	sdelay $0x1  }
0x163: {  	v6 =	vadd.s32 s18, v6  }
0x164: {  	v6 =	vadd.s32 v5, v6  }
0x165: {  	vm3 =	vlt.u32 v6, $0x2800  }
0x166: {  	vm2 =	vmand vm3, vm2  }
0x167: {  	vm3 =	vgt.s32 v6, $0x0;
	vm2 =	vmand vm2, vm1  }
0x168: {  	v6 =	vnsel vm3, $0x0, v6;
	_ =	sdelay $0x3  }
0x169: {  	s0 =	sadd.s32 $0xC8, s22  }
0x16a: {  	s7 =	sshra.s32 s0, $0x2;
	[tilespmem:v6+s3+$0x0] =	vst.idx.msk vm2, v2  }
0x16b: {  	v6 =	vld [tilespmem:s7+$0x5000];
	_ =	sdelay $0x4  }
0x16c: {  	v6 =	vmul.u32 $0x32, v6  }
0x16d: {  	s28 =	sadd.s32 $0xC350, s18  }
0x16e: {  	s0 =	sadd.s32 $0x1, s1;
	v6 =	vadd.s32 s28, v6  }
0x16f: {  	p1 =	slt.s32 s0, $0x80;
	vm2 =	vmmov vm0;
	v6 =	vadd.s32 v1, v6  }
0x170: {  	vm2 =	vmneg @p1 vm2;
	vm3 =	vlt.u32 v6, $0x2800  }
0x171: {  	vm10 =	vgt.s32 v6, $0x0;
	vm3 =	vmand vm2, vm3  }
0x172: {  	v6 =	vnsel vm10, $0x0, v6;
	_ =	sdelay $0x4  }
0x173: {  	[tilespmem:v6+s3+$0x0] =	vst.idx.msk vm3, v2  }
0x174: {  	v6 =	vld [tilespmem:s7+$0x5010];
	_ =	sdelay $0x4  }
0x175: {  	v6 =	vmul.u32 $0x32, v6;
	_ =	sdelay $0x1  }
0x176: {  	v6 =	vadd.s32 s28, v6  }
0x177: {  	v6 =	vadd.s32 v3, v6  }
0x178: {  	vm3 =	vlt.u32 v6, $0x2800  }
0x179: {  	vm11 =	vgt.s32 v6, $0x0;
	vm3 =	vmand vm2, vm3  }
0x17a: {  	v6 =	vnsel vm11, $0x0, v6;
	_ =	sdelay $0x4  }
0x17b: {  	[tilespmem:v6+s3+$0x0] =	vst.idx.msk vm3, v2  }
0x17c: {  	v6 =	vld [tilespmem:s7+$0x5020];
	_ =	sdelay $0x4  }
0x17d: {  	v6 =	vmul.u32 $0x32, v6;
	_ =	sdelay $0x1  }
0x17e: {  	v6 =	vadd.s32 s28, v6  }
0x17f: {  	v6 =	vadd.s32 v4, v6  }
0x180: {  	vm3 =	vlt.u32 v6, $0x2800  }
0x181: {  	vm12 =	vgt.s32 v6, $0x0;
	vm3 =	vmand vm2, vm3  }
0x182: {  	v6 =	vnsel vm12, $0x0, v6;
	_ =	sdelay $0x4  }
0x183: {  	[tilespmem:v6+s3+$0x0] =	vst.idx.msk vm3, v2  }
0x184: {  	v6 =	vld [tilespmem:s7+$0x5030];
	_ =	sdelay $0x4  }
0x185: {  	v6 =	vmul.u32 $0x32, v6;
	_ =	sdelay $0x1  }
0x186: {  	v6 =	vadd.s32 s28, v6  }
0x187: {  	v6 =	vadd.s32 v5, v6  }
0x188: {  	vm3 =	vlt.u32 v6, $0x2800  }
0x189: {  	vm2 =	vmand vm3, vm2  }
0x18a: {  	vm3 =	vgt.s32 v6, $0x0;
	vm2 =	vmand vm2, vm1  }
0x18b: {  	v6 =	vnsel vm3, $0x0, v6;
	_ =	sdelay $0x3  }
0x18c: {  	s22 =	sadd.s32 $0x190, s22  }
0x18d: {  	s0 =	sshra.s32 s22, $0x2;
	[tilespmem:v6+s3+$0x0] =	vst.idx.msk vm2, v2  }
0x18e: {  	v6 =	vld [tilespmem:s0+$0x5000];
	_ =	sdelay $0x4  }
0x18f: {  	v6 =	vmul.u32 $0x32, v6  }
0x190: {  	s28 =	sadd.s32 $0x186A0, s18  }
0x191: {  	s1 =	sadd.s32 $0x2, s1;
	v6 =	vadd.s32 s28, v6  }
0x192: {  	p1 =	slt.s32 s1, $0x80;
	vm2 =	vmmov vm0;
	v6 =	vadd.s32 v1, v6  }
0x193: {  	vm2 =	vmneg @p1 vm2;
	vm3 =	vlt.u32 v6, $0x2800  }
0x194: {  	vm13 =	vgt.s32 v6, $0x0;
	vm3 =	vmand vm2, vm3  }
0x195: {  	v6 =	vnsel vm13, $0x0, v6;
	_ =	sdelay $0x4  }
0x196: {  	[tilespmem:v6+s3+$0x0] =	vst.idx.msk vm3, v2  }
0x197: {  	v6 =	vld [tilespmem:s0+$0x5010];
	_ =	sdelay $0x4  }
0x198: {  	v6 =	vmul.u32 $0x32, v6;
	_ =	sdelay $0x1  }
0x199: {  	v6 =	vadd.s32 s28, v6  }
0x19a: {  	v6 =	vadd.s32 v3, v6  }
0x19b: {  	vm3 =	vlt.u32 v6, $0x2800  }
0x19c: {  	vm14 =	vgt.s32 v6, $0x0;
	vm3 =	vmand vm2, vm3  }
0x19d: {  	v6 =	vnsel vm14, $0x0, v6;
	_ =	sdelay $0x4  }
0x19e: {  	[tilespmem:v6+s3+$0x0] =	vst.idx.msk vm3, v2  }
0x19f: {  	v6 =	vld [tilespmem:s0+$0x5020];
	_ =	sdelay $0x4  }
0x1a0: {  	v6 =	vmul.u32 $0x32, v6;
	_ =	sdelay $0x1  }
0x1a1: {  	v6 =	vadd.s32 s28, v6  }
0x1a2: {  	v6 =	vadd.s32 v4, v6  }
0x1a3: {  	vm3 =	vlt.u32 v6, $0x2800  }
0x1a4: {  	vm15 =	vgt.s32 v6, $0x0;
	vm3 =	vmand vm2, vm3  }
0x1a5: {  	v6 =	vnsel vm15, $0x0, v6;
	_ =	sdelay $0x4  }
0x1a6: {  	[tilespmem:v6+s3+$0x0] =	vst.idx.msk vm3, v2  }
0x1a7: {  	v6 =	vld [tilespmem:s0+$0x5030];
	_ =	sdelay $0x4  }
0x1a8: {  	v6 =	vmul.u32 $0x32, v6;
	_ =	sdelay $0x1  }
0x1a9: {  	v6 =	vadd.s32 s28, v6  }
0x1aa: {  	v6 =	vadd.s32 v5, v6  }
0x1ab: {  	vm3 =	vlt.u32 v6, $0x2800  }
0x1ac: {  	vm2 =	vmand vm3, vm2  }
0x1ad: {  	vm3 =	vgt.s32 v6, $0x0;
	vm2 =	vmand vm2, vm1  }
0x1ae: {  	v6 =	vnsel vm3, $0x0, v6;
	_ =	sdelay $0x4  }
0x1af: {  	p1 =	sgt.u32 s30, $0x270;
	[tilespmem:v6+s3+$0x0] =	vst.idx.msk vm2, v2  }
0x1b0: {  	[spmem:s6] =	stream.linear.scatter [tilespmem:s3], [sflag:$0x1], $0x2800, $0x38;
	[tilespmem:$0xBA00] =	vst v63  }
.Ltmp6:
0x1b1: {  	s22 =	stileid.u32;
	(pc) =	sbr.rel @p1 .LBB2_10-.Ltmp6, $4  }
0x1b2: {  	s18 =	sshll.u32 s10, $0x4;
	s10 =	sshll.u32 s22, $0x6;
	_ =	swait.ge [sflag:s23], $0x2800  }
0x1b3: {  	s1 =	sor.u32 $0x1C02, s10;
	[sflag:s23] =	ssyncset.done $0x0  }
0x1b4: {  	s0 =	sadd.s32 s2, s18;
	s28 =	sshrl.u32 s6, $0x3;
	[sflag:s23] =	ssyncadd.s32 $0xFFFFD800  }
0x1b5: {  	[hbm:s0], [sflag:s1] =	dma.local [spmem:s28], $0x500  }
.Ltmp7:
0x1b6: {  	(pc) =	sbr.rel @p0 .LBB2_9-.Ltmp7, $1  }
0x1b7: {  	_ =	sdelay $0x3  }
0x1b8: {  	s0 =	rddreg [dreg:$0x4]  }
0x1b9: {  	s0 =	sadd.s32 s29, s0  }
0x1ba: {  	s0 =	sshll.u32 s0, $0x7  }
0x1bb: {  	s1 =	sshrl.u32 s0, $0x4  }
0x1bc: {  	s1 =	smulhi.u32 $0xA7C5AC5, s1;
	_ =	sdelay $0x1  }
0x1bd: {  	s7 =	sshrl.u32 s1, $0x7  }
0x1be: {  	s29 =	ssub.s32 s7, s5  }
0x1bf: {  	_ =	swait.ge [sflag:s25], $0x500;
	s1 =	smul.u32 $0xC8, s29  }
0x1c0: {  	[sflag:s25] =	ssyncset.done $0x0  }
0x1c1: {  	[sflag:s25] =	ssyncadd.s32 $0xFFFFFB00;
	s22 =	sshra.s32 s1, $0x2  }
0x1c2: {  	v6 =	vld [tilespmem:s22+$0x5000];
	_ =	sdelay $0x3  }
0x1c3: {  	s7 =	smul.u32 $0xC350, s7  }
0x1c4: {  	v6 =	vmul.u32 $0x32, v6  }
0x1c5: {  	s18 =	ssub.s32 s7, s0  }
0x1c6: {  	v6 =	vadd.s32 s18, v6  }
0x1c7: {  	vm2 =	vmmov vm0;
	p0 =	slt.s32 s29, $0x80;
	v6 =	vadd.s32 v1, v6  }
0x1c8: {  	vm2 =	vmneg @p0 vm2;
	vm3 =	vlt.u32 v6, $0x2800  }
0x1c9: {  	vm4 =	vgt.s32 v6, $0x0;
	vm3 =	vmand vm2, vm3  }
0x1ca: {  	v6 =	vnsel vm4, $0x0, v6;
	_ =	sdelay $0x4  }
0x1cb: {  	[tilespmem:v6+s24+$0x0] =	vst.idx.msk vm3, v0  }
0x1cc: {  	v6 =	vld [tilespmem:s22+$0x5010];
	_ =	sdelay $0x4  }
0x1cd: {  	v6 =	vmul.u32 $0x32, v6;
	_ =	sdelay $0x1  }
0x1ce: {  	v6 =	vadd.s32 s18, v6  }
0x1cf: {  	v6 =	vadd.s32 v3, v6  }
0x1d0: {  	vm3 =	vlt.u32 v6, $0x2800  }
0x1d1: {  	vm8 =	vgt.s32 v6, $0x0;
	vm3 =	vmand vm2, vm3  }
0x1d2: {  	v6 =	vnsel vm8, $0x0, v6;
	_ =	sdelay $0x4  }
0x1d3: {  	[tilespmem:v6+s24+$0x0] =	vst.idx.msk vm3, v0  }
0x1d4: {  	v6 =	vld [tilespmem:s22+$0x5020];
	_ =	sdelay $0x4  }
0x1d5: {  	v6 =	vmul.u32 $0x32, v6;
	_ =	sdelay $0x1  }
0x1d6: {  	v6 =	vadd.s32 s18, v6  }
0x1d7: {  	v6 =	vadd.s32 v4, v6  }
0x1d8: {  	vm3 =	vlt.u32 v6, $0x2800  }
0x1d9: {  	vm9 =	vgt.s32 v6, $0x0;
	vm3 =	vmand vm2, vm3  }
0x1da: {  	v6 =	vnsel vm9, $0x0, v6;
	_ =	sdelay $0x4  }
0x1db: {  	[tilespmem:v6+s24+$0x0] =	vst.idx.msk vm3, v0  }
0x1dc: {  	v6 =	vld [tilespmem:s22+$0x5030];
	_ =	sdelay $0x4  }
0x1dd: {  	v6 =	vmul.u32 $0x32, v6;
	_ =	sdelay $0x1  }
0x1de: {  	v6 =	vadd.s32 s18, v6  }
0x1df: {  	v6 =	vadd.s32 v5, v6  }
0x1e0: {  	vm3 =	vlt.u32 v6, $0x2800  }
0x1e1: {  	vm2 =	vmand vm3, vm2  }
0x1e2: {  	vm3 =	vgt.s32 v6, $0x0;
	vm2 =	vmand vm2, vm1  }
0x1e3: {  	v6 =	vnsel vm3, $0x0, v6;
	_ =	sdelay $0x3  }
0x1e4: {  	s22 =	sadd.s32 $0xC8, s1  }
0x1e5: {  	s0 =	sshra.s32 s22, $0x2;
	[tilespmem:v6+s24+$0x0] =	vst.idx.msk vm2, v0  }
0x1e6: {  	v6 =	vld [tilespmem:s0+$0x5000];
	_ =	sdelay $0x4  }
0x1e7: {  	v6 =	vmul.u32 $0x32, v6  }
0x1e8: {  	s7 =	sadd.s32 $0xC350, s18  }
0x1e9: {  	s28 =	sadd.s32 $0x1, s29;
	v6 =	vadd.s32 s7, v6  }
0x1ea: {  	p0 =	slt.s32 s28, $0x80;
	vm2 =	vmmov vm0;
	v6 =	vadd.s32 v1, v6  }
0x1eb: {  	vm2 =	vmneg @p0 vm2;
	vm3 =	vlt.u32 v6, $0x2800  }
0x1ec: {  	vm10 =	vgt.s32 v6, $0x0;
	vm3 =	vmand vm2, vm3  }
0x1ed: {  	v6 =	vnsel vm10, $0x0, v6;
	_ =	sdelay $0x4  }
0x1ee: {  	[tilespmem:v6+s24+$0x0] =	vst.idx.msk vm3, v0  }
0x1ef: {  	v6 =	vld [tilespmem:s0+$0x5010];
	_ =	sdelay $0x4  }
0x1f0: {  	v6 =	vmul.u32 $0x32, v6;
	_ =	sdelay $0x1  }
0x1f1: {  	v6 =	vadd.s32 s7, v6  }
0x1f2: {  	v6 =	vadd.s32 v3, v6  }
0x1f3: {  	vm3 =	vlt.u32 v6, $0x2800  }
0x1f4: {  	vm11 =	vgt.s32 v6, $0x0;
	vm3 =	vmand vm2, vm3  }
0x1f5: {  	v6 =	vnsel vm11, $0x0, v6;
	_ =	sdelay $0x4  }
0x1f6: {  	[tilespmem:v6+s24+$0x0] =	vst.idx.msk vm3, v0  }
0x1f7: {  	v6 =	vld [tilespmem:s0+$0x5020];
	_ =	sdelay $0x4  }
0x1f8: {  	v6 =	vmul.u32 $0x32, v6;
	_ =	sdelay $0x1  }
0x1f9: {  	v6 =	vadd.s32 s7, v6  }
0x1fa: {  	v6 =	vadd.s32 v4, v6  }
0x1fb: {  	vm3 =	vlt.u32 v6, $0x2800  }
0x1fc: {  	vm12 =	vgt.s32 v6, $0x0;
	vm3 =	vmand vm2, vm3  }
0x1fd: {  	v6 =	vnsel vm12, $0x0, v6;
	_ =	sdelay $0x4  }
0x1fe: {  	[tilespmem:v6+s24+$0x0] =	vst.idx.msk vm3, v0  }
0x1ff: {  	v6 =	vld [tilespmem:s0+$0x5030];
	_ =	sdelay $0x4  }
0x200: {  	v6 =	vmul.u32 $0x32, v6;
	_ =	sdelay $0x1  }
0x201: {  	v6 =	vadd.s32 s7, v6  }
0x202: {  	v6 =	vadd.s32 v5, v6  }
0x203: {  	vm3 =	vlt.u32 v6, $0x2800  }
0x204: {  	vm2 =	vmand vm3, vm2  }
0x205: {  	vm3 =	vgt.s32 v6, $0x0;
	vm2 =	vmand vm2, vm1  }
0x206: {  	v6 =	vnsel vm3, $0x0, v6;
	_ =	sdelay $0x3  }
0x207: {  	s22 =	sadd.s32 $0x190, s1  }
0x208: {  	s0 =	sshra.s32 s22, $0x2;
	[tilespmem:v6+s24+$0x0] =	vst.idx.msk vm2, v0  }
0x209: {  	v6 =	vld [tilespmem:s0+$0x5000];
	_ =	sdelay $0x4  }
0x20a: {  	v6 =	vmul.u32 $0x32, v6  }
0x20b: {  	s28 =	sadd.s32 $0x186A0, s18  }
0x20c: {  	s29 =	sadd.s32 $0x2, s29;
	v6 =	vadd.s32 s28, v6  }
0x20d: {  	p0 =	slt.s32 s29, $0x80;
	vm2 =	vmmov vm0;
	v6 =	vadd.s32 v1, v6  }
0x20e: {  	vm2 =	vmneg @p0 vm2;
	vm3 =	vlt.u32 v6, $0x2800  }
0x20f: {  	vm13 =	vgt.s32 v6, $0x0;
	vm3 =	vmand vm2, vm3  }
0x210: {  	v6 =	vnsel vm13, $0x0, v6;
	_ =	sdelay $0x4  }
0x211: {  	[tilespmem:v6+s24+$0x0] =	vst.idx.msk vm3, v0  }
0x212: {  	v6 =	vld [tilespmem:s0+$0x5010];
	_ =	sdelay $0x4  }
0x213: {  	v6 =	vmul.u32 $0x32, v6;
	_ =	sdelay $0x1  }
0x214: {  	v6 =	vadd.s32 s28, v6  }
0x215: {  	v6 =	vadd.s32 v3, v6  }
0x216: {  	vm3 =	vlt.u32 v6, $0x2800  }
0x217: {  	vm14 =	vgt.s32 v6, $0x0;
	vm3 =	vmand vm2, vm3  }
0x218: {  	v6 =	vnsel vm14, $0x0, v6;
	_ =	sdelay $0x4  }
0x219: {  	[tilespmem:v6+s24+$0x0] =	vst.idx.msk vm3, v0  }
0x21a: {  	v6 =	vld [tilespmem:s0+$0x5020];
	_ =	sdelay $0x4  }
0x21b: {  	v6 =	vmul.u32 $0x32, v6;
	_ =	sdelay $0x1  }
0x21c: {  	v6 =	vadd.s32 s28, v6  }
0x21d: {  	v6 =	vadd.s32 v4, v6  }
0x21e: {  	vm3 =	vlt.u32 v6, $0x2800  }
0x21f: {  	vm15 =	vgt.s32 v6, $0x0;
	vm3 =	vmand vm2, vm3  }
0x220: {  	v6 =	vnsel vm15, $0x0, v6;
	_ =	sdelay $0x4  }
0x221: {  	[tilespmem:v6+s24+$0x0] =	vst.idx.msk vm3, v0  }
0x222: {  	v6 =	vld [tilespmem:s0+$0x5030];
	_ =	sdelay $0x4  }
0x223: {  	v6 =	vmul.u32 $0x32, v6;
	_ =	sdelay $0x1  }
0x224: {  	v6 =	vadd.s32 s28, v6  }
0x225: {  	v6 =	vadd.s32 v5, v6  }
0x226: {  	vm3 =	vlt.u32 v6, $0x2800  }
0x227: {  	vm2 =	vmand vm3, vm2  }
0x228: {  	vm3 =	vgt.s32 v6, $0x0;
	vm2 =	vmand vm2, vm1  }
0x229: {  	v6 =	vnsel vm3, $0x0, v6  }
.Ltmp8:
0x22a: {  	_ = 	snop;
	(pc) =	sbr.rel .LBB2_9-.Ltmp8, $2  }
0x22b: {  	_ =	sdelay $0x2  }
0x22c: {  	[tilespmem:v6+s24+$0x0] =	vst.idx.msk vm2, v0  }
.LBB2_12:
0x22d: {  	_ =	sfence.sel $0x180000  }
0x22e: {  	[bflag:$0x0] =	sbarrier.arrive $0xFFFF  }
0x22f: {  	_ =	strace $0x90000047  }
0x230: {  	s0 =	stileid.u32;
	[bflag:$0x2] =	sbarrier.arrive $0xFFFF  }
0x231: {  	p0 =	sne.s32 s0, $0x0;
	s0 =	rddreg [dreg:$0x3]  }
0x232: {  	s0 =	sadd.s32 @!p0 $0x100000, s0  }
0x233: {  	[sflag:s0] =	ssyncadd.tile.s32 @!p0 $0x1;
	_ =	shalt  }
.Lfunc_end2:
_tile_overlayer_lowered:
.L_overlay_start_2:
0x234: {  	(tag) =	ssettag $0x2  }
0x235: {  	s0 =	rddreg [dreg:$0x0];
	s2 =	stileid.u32  }
0x236: {  	s1 =	rddreg [dreg:$0x1];
	p0 =	sne.s32 s2, $0x0  }
0x237: {  	s3 =	rddreg [dreg:$0x2];
	[bflag:$0x3] =	sbarrier.arrive $0xFFFF;
	s2 =	simm.s32 @!p0 $0x1C04  }
0x238: {  	[timem:s3], [sflag:s2] =	dma.local @!p0 [hbm:s0], s1  }
0x239: {  	s0 =	simm.s32 @!p0 $0x4  }
0x23a: {  	_ =	swait.ge @!p0 [sflag:s0], s1  }
0x23b: {  	s1 =	ssub.s32 @!p0 $0x0, s1;
	[sflag:s0] =	ssyncset.done @!p0 $0x0  }
0x23c: {  	[sflag:s0] =	ssyncadd.s32 @!p0 s1  }
0x23d: {  	[bflag:$0x3] =	sbarrier.arrive $0xFFFF  }
0x23e: {  	_ =	shalt  }

// kernel: sparse-core-data-format-call.cloned.1.call-start
scs
called_computation_lowered:
.L_overlay_start_0:
0x0: {  	s2 =	sld [smem:$0x3FD9]  }
0x1: {  	s3 =	sld [smem:$0x3FFE];
	_ =	sdelay $0x1  }
0x2: {  	s1 =	srdreg.scid  }
0x3: {  	s0 =	sand.u32 $0x1, s1  }
0x4: {  	s18 =	sshll.u32 s0, $0xA;
	s2 =	sadd.s32 s3, s2  }
0x5: {  	s2 =	sadd.s32 s2, s18  }
0x6: {  	[smem:$0x3FC7] =	sst s2  }
0x7: {  	_ = 	snop  }
0x8: {  	s2 =	sld [smem:$0x3FD0];
	(tm) =	ssettm $0x1  }
0x9: {  	s19 =	sld [smem:$0x3FFB];
	_ =	sdelay $0x3  }
0xa: {  	_ =	strace s19  }
0xb: {  	s3 =	sld [smem:$0x3FFC];
	_ =	sdelay $0x3  }
0xc: {  	_ =	strace s3  }
0xd: {  	s3 =	sld [smem:$0x3FFD];
	_ =	sdelay $0x3  }
0xe: {  	_ =	strace s3  }
0xf: {  	_ =	strace $0x8FFFFFFF  }
0x10: {  	s20 =	sld [smem:$0x3FDB];
	_ =	sdelay $0x1  }
0x11: {  	s4 =	simm.s32 $_scs_section_size  }
0x12: {  	s5 =	simm.s32 $_size__tile_overlayer_lowered;
	s6 =	simm.s32 $_tile_overlayer_lowered  }
0x13: {  	s23 =	simm.s32 $0x1BFF;
	s22 =	sshll.u32 s6, $0x1;
	s3 =	sadd.s32 s4, s20  }
0x14: {  	s7 =	simm.s32 $0x0;
	s21 =	sshll.u32 s5, $0x1;
	s5 =	sadd.s32 s22, s3  }
0x15: {  	[timem:s7], [sflag:s23] =	dma.local [hbm:s5], s21  }
0x16: {  	_ =	swait.ge [sflag:s23], s21  }
0x17: {  	s4 =	ssub.s32 $0x0, s21;
	[sflag:s23] =	ssyncset.done $0x0  }
0x18: {  	[sflag:s23] =	ssyncadd.s32 s4;
	_ =	sdelay $0x1  }
0x19: {  	s24 =	simm.s32 $0x1B8B  }
0x1a: {  	_ =	swait.ge [sflag:s24], $0x1  }
0x1b: {  	[sflag:s24] =	ssyncset.done $0x0  }
0x1c: {  	s26 =	simm.s32 $0x1B8E;
	s25 =	sld [smem:$0x3FFE];
	[sflag:s24] =	ssyncadd.s32 $0xFFFFFFFF  }
0x1d: {  	s27 =	simm.s32 $execute0_lowered;
	[smem:$0x3FD2] =	sst s26  }
0x1e: {  	s5 =	sshll.u32 s27, $0x1;
	_ =	strace $0x80000049;
	[dreg:$0x1] =	wrdreg $0xFFFFFFFF  }
0x1f: {  	s28 =	simm.s32 $_size_execute0_lowered;
	s3 =	sadd.s32 s3, s5;
	[dreg:$0x0] =	wrdreg $0x0  }
0x20: {  	s5 =	sshll.u32 s28, $0x1;
	[dreg:$0x2] =	wrdreg s3  }
0x21: {  	[dreg:$0x3] =	wrdreg s5  }
0x22: {  	[dreg:$0x4] =	wrdreg $0xC0  }
0x23: {  	_ =	task [dreg:s7], $0x5FFFF  }
0x24: {  	[dreg:$0x1] =	wrdreg $0xFFFFFFFF  }
0x25: {  	[dreg:$0x0] =	wrdreg $0x60  }
0x26: {  	[dreg:$0x2] =	wrdreg s25  }
0x27: {  	[dreg:$0x3] =	wrdreg s2  }
0x28: {  	[dreg:$0x4] =	wrdreg $0x9  }
0x29: {  	_ =	task.clear_ibuf [dreg:s7], $0x5FFFF;
	_ =	strace $0x90000049  }
0x2a: {  	s29 =	simm.s32 $0x9;
	_ =	strace $0x8000004B  }
0x2b: {  	_ =	swait.ge [sflag:s29], $0x1  }
0x2c: {  	[sflag:s29] =	ssyncadd.s32 $0xFFFFFFFF  }
0x2d: {  	_ =	strace $0x9000004B  }
0x2e: {  	_ =	sfence  }
0x2f: {  	s30 =	sld [smem:$0x0];
	_ =	sdelay $0x2  }
0x30: {  	s31 =	sshll.u32 s1, $0xD;
	s1 =	sshrl.u32 s1, $0x2  }
0x31: {  	s3 =	sand.u32 $0x4000, s31;
	s1 =	sadd.s32 s1, s30  }
0x32: {  	s0 =	sor.u32 s3, s0;
	s1 =	sshll.u32 s1, $0x11  }
0x33: {  	s0 =	sor.u32 s1, s0  }
0x34: {  	s0 =	sadd.s32 $0x8F2B, s0  }
0x35: {  	[sflag:s0] =	ssyncadd.remote.s32 $0x1  }
0x36: {  	_ =	sfence.sel $0xFFFF  }
0x37: {  	[dreg:$0x0] =	wrdreg $0xFFFFFFFF;
	(pc) =	sbr.abs _section_cstart, $3  }
0x38: {  	[dreg:$0x1] =	wrdreg $0xFFFFFFFF  }
0x39: {  	_ =	task.clear_ibuf [dreg:s7], $0x2FFFF;
	_ =	strace $0x9FFFFFFF  }
0x3a: {  	(tm) =	ssettm $0x7FFFFFFF  }
0x3b: {  	_ =	shalt  }
tec
execute0_lowered:
.L_overlay_start_1:
0x0: {  	(tag) =	ssettag $0x1  }
0x1: {  	s0 =	srdreg.scid  }
0x2: {  	s1 =	sshll.u32 s0, $0x4  }
0x3: {  	s6 =	rddreg [dreg:$0x0];
	s0 =	stileid.u32;
	s1 =	sand.u32 $0x10, s1  }
0x4: {  	s3 =	rddreg [dreg:$0x1];
	s1 =	sor.u32 s0, s1  }
0x5: {  	s5 =	simm.s32 $0x1;
	s31 =	simm.s32 $0x2;
	s2 =	sshll.u32 s1, $0x7  }
0x6: {  	s15 =	simm.s32 $0x0;
	s8 =	simm.s32 $0x3E8000;
	s4 =	ssub.s32 $0x1000, s2  }
0x7: {  	s14 =	simm.s32 $0x0;
	s9 =	simm.s32 $0x0;
	s30 =	sand.u32 $0xF80, s4  }
0x8: {  	s10 =	simm.s32 $0x0;
	s11 =	simm.s32 $0x0;
	p0 =	sne.s32 s30, $0x0  }
.Ltmp0:
0x9: {  	s7 =	sshrl.u32 s4, $0xC;
	s5 =	simm.s32 @!p0 $0x0;
	(pc) =	sbr.rel .LBB1_1-.Ltmp0, $4  }
0xa: {  	s13 =	simm.s32 $0x0;
	s1 =	rddreg [dreg:$0x2];
	s5 =	sadd.s32 s5, s7  }
0xb: {  	_ =	strace $0x8000004A;
	s4 =	simm.s32 $0x1;
	s5 =	smul.u32 $0x3E8, s5  }
0xc: {  	s6 =	sadd.s32 $0x800, s6;
	s12 =	smov.u32 s2;
	[sflag:s4] =	ssyncpa.u1 $0x0  }
0xd: {  	[sflag:s31] =	ssyncpa.u1 $0x0;
	p0 =	por $0x0, $0x0;
	s7 =	sor.u32 $0x1, s5  }
.LBB1_4:
0xe: {  	s18 =	sshll.u32 s9, $0xC;
	s19 =	sand.u32 $0x78, s10;
	s20 =	sshll.u32 s10, $0x3  }
0xf: {  	s22 =	sshll.u32 s9, $0x7;
	p1 =	sgt.s32 s9, $0x3E7;
	s25 =	sshra.s32 s9, $0x1F  }
0x10: {  	s23 =	smov.u32 s10;
	s24 =	sshra.s32 s10, $0x1F;
	s29 =	sand.u32 $0x7, s10  }
0x11: {  	s18 =	sand.u32 $0xFFFF8000, s18;
	s21 =	sand.u32 $0xFFFFFC00, s20;
	s20 =	sand.u32 $0xC00, s20  }
0x12: {  	s30 =	sand.u32 $0x380, s22;
	s22 =	sand.u32 s25, s9;
	s18 =	sadd.s32 s21, s18  }
0x13: {  	s19 =	sor.u32 s19, s20;
	s20 =	smov.u32 s9;
	s18 =	sshrl.u32 s18, $0xC  }
0x14: {  	s20 =	simm.s32 @!p1 $0x3E7;
	p1 =	sgt.s32 s10, $0xF80;
	s31 =	smulhi.u32 $0x418938, s18  }
0x15: {  	s26 =	sand.u32 s24, s10;
	s20 =	ssub.s32 s20, s22;
	s23 =	simm.s32 @!p1 $0xF80  }
0x16: {  	s27 =	ssub.s32 $0x3E8, s20;
	s22 =	ssub.s32 s23, s26;
	s21 =	smul.u32 $0x3E8, s31  }
0x17: {  	s20 =	sadd.s32 $0xFFFFFC19, s20;
	s23 =	smul.u32 $0x32, s27;
	s28 =	sadd.s32 $0xFFFFF080, s22  }
0x18: {  	p1 =	sgt.s32 s20, $0x0;
	s20 =	ssub.s32 $0x1000, s22;
	p2 =	sgt.s32 s28, $0x7F  }
0x19: {  	s19 =	sor.u32 s30, s19;
	s23 =	simm.s32 @p1 $0x0;
	s20 =	simm.s32 @p2 $0x0  }
0x1a: {  	[tilespmem:s17+$0x810 ss:$0x81] =	vst.msk $0xffff, v2;
	s19 =	sshrl.u32 s19, $0x3;
	s18 =	ssub.s32 s18, s21;
	s20 =	smul.u32 s20, s23  }
0x1b: {  	[tilespmem:s17+$0x1020 ss:$0x81] =	vst.msk $0xffff, v0;
	s19 =	sadd.s32 s3, s19;
	s21 =	sshll.u32 s29, $0x12;
	s18 =	sshll.u32 s18, $0x9  }
0x1c: {  	[tilespmem:s17+$0x0 ss:$0x81] =	vst.msk $0xffff, v1;
	s31 =	sor.u32 $0x80, s21;
	s18 =	sadd.s32 s18, s19;
	s30 =	sand.u32 $0x3FFFFFFE, s20  }
0x1d: {  	[hbm4b:s18+s31] =	stream.strided.scatter [tilespmem:s16], [sflag:$0x2], s30, s8, s31, $0x20;
	[tilespmem:$0x8080] =	vst v63  }
.LBB1_5:
0x1e: {  	p1 =	slt.u32 s13, $0x2  }
0x1f: {  	s17 =	smov.u32 s15;
	p2 =	sgt.s32 @!p1 s15, $0x3E7;
	s16 =	sshra.s32 @!p1 s15, $0x1F  }
0x20: {  	p3 =	sgt.s32 @!p1 s14, $0xF80;
	s18 =	sshra.s32 @!p1 s14, $0x1F;
	p2 =	por !p2, p1  }
0x21: {  	s15 =	sand.u32 @!p1 s16, s15;
	p3 =	por !p3, p1;
	s16 =	smov.u32 s14  }
0x22: {  	s14 =	sand.u32 @!p1 s18, s14;
	s17 =	simm.s32 @p2 $0x3E7;
	s16 =	simm.s32 @p3 $0xF80  }
0x23: {  	s18 =	smov.u32 s12;
	s15 =	ssub.s32 @!p1 s17, s15;
	s14 =	ssub.s32 @!p1 s16, s14  }
0x24: {  	s16 =	sadd.s32 @!p1 $0xFFFFFC19, s15;
	s15 =	ssub.s32 @!p1 $0x3E8, s15;
	s17 =	sadd.s32 @!p1 $0xFFFFF080, s14  }
0x25: {  	p2 =	sgt.s32 @!p1 s16, $0x0;
	s15 =	smul.u32 @!p1 $0x32, s15;
	p3 =	sgt.s32 @!p1 s17, $0x7F  }
0x26: {  	s14 =	ssub.s32 @!p1 $0x1000, s14;
	p2 =	por !p2, p1;
	p3 =	por !p3, p1  }
0x27: {  	s16 =	sadd.s32 $0x1, s11;
	s15 =	simm.s32 @!p2 $0x0;
	s14 =	simm.s32 @!p3 $0x0  }
0x28: {  	p2 =	sgt.s32 s16, $0x3E7;
	s14 =	smul.u32 @!p1 s14, s15;
	s15 =	sadd.s32 $0x1000, s12  }
0x29: {  	s18 =	smov.u32 @p2 s15  }
0x2a: {  	s16 =	simm.s32 @p2 $0x0;
	p2 =	sgt.s32 s18, $0xFFF  }
0x2b: {  	s18 =	smov.u32 @p2 s2;
	p2 =	sne.s32 s13, s7  }
.Ltmp1:
0x2c: {  	p0 =	por !p0, !p0;
	s17 =	simm.s32 @!p1 $0x2;
	(pc) =	sbr.rel @!p2 .LBB1_6-.Ltmp1, $4  }
0x2d: {  	s15 =	smov.u32 s9;
	s9 =	smov.u32 s11;
	s14 =	sand.u32 @!p1 $0x3FFFFFFE, s14  }
0x2e: {  	s11 =	smov.u32 s16;
	_ =	swait.ge @!p1 [sflag:s17], s14;
	s19 =	ssub.s32 @!p1 $0x0, s14  }
0x2f: {  	s14 =	smov.u32 s10;
	s13 =	sadd.s32 $0x1, s13;
	[sflag:s17] =	ssyncset.done @!p1 $0x0  }
0x30: {  	s10 =	smov.u32 s12;
	s12 =	smov.u32 s18;
	[sflag:s17] =	ssyncadd.s32 @!p1 s19  }
.LBB1_1:
0x31: {  	p1 =	sge.u32 s13, s5  }
0x32: {  	s16 =	sand.u32 @!p1 $0x1FFFFFF, s11  }
0x33: {  	s17 =	smulhi.u32 @!p1 $0x20C49BB, s16;
	_ =	sdelay $0x1  }
0x34: {  	s17 =	sshrl.u32 @!p1 s17, $0x3  }
0x35: {  	s17 =	smul.u32 @!p1 $0x3E8, s17  }
0x36: {  	s18 =	sxor.u32 @!p1 $0xFFFFFFFF, s13;
	s19 =	smul.u32 @!p1 $0x3E80, s12  }
0x37: {  	s31 =	sadd.s32 $0xFFFFFFFF, s13;
	s18 =	sshll.u32 @!p1 s18, $0xD;
	s16 =	ssub.s32 @!p1 s16, s17  }
0x38: {  	s17 =	sand.u32 @!p1 $0x2000, s18;
	s18 =	sadd.s32 @!p1 s6, s19;
	s16 =	sshll.u32 @!p1 s16, $0x4  }
0x39: {  	s19 =	simm.s32 @!p1 $0x1F400;
	s16 =	sadd.s32 @!p1 s16, s18;
	s18 =	simm.s32 @!p1 $0x40  }
0x3a: {  	[tilespmem:s17], [sflag:$0x1] =	stream.strided.gather @!p1 [hbm4b:s16+s18], $0x2000, s19, s18, $0x38;
	[tilespmem:$0x8080] =	vst v63  }
0x3b: {  	p1 =	sge.u32 s31, s5  }
.Ltmp2:
0x3c: {  	_ = 	snop;
	(pc) =	sbr.rel @p1 .LBB1_5-.Ltmp2, $1  }
0x3d: {  	_ =	sdelay $0x3  }
0x3e: {  	s16 =	simm.s32 $0x1  }
0x3f: {  	_ =	swait.ge [sflag:s4], $0x2000;
	s16 =	simm.s32 @!p0 $0x0  }
0x40: {  	[sflag:s4] =	ssyncset.done $0x0;
	s17 =	sshll.u32 s16, $0xD  }
0x41: {  	[sflag:s4] =	ssyncadd.s32 $0xFFFFE000;
	s20 =	sor.u32 $0x20, s17  }
0x42: {  	s16 =	smul.u32 $0x8100, s16;
	v3 =	vld [tilespmem:s20+$0x10]  }
0x43: {  	s30 =	sand.u32 $0x1, s13;
	v2 =	vld [tilespmem:s20+$0xFFFFFFF0]  }
0x44: {  	s17 =	smul.u32 $0x8100, s30;
	s16 =	sshrl.u32 s16, $0x2;
	v0 =	vld [tilespmem:s20+$0x0]  }
0x45: {  	v1 =	vld [tilespmem:s20+$0xFFFFFFE0];
	s18 =	sor.u32 $0x4000, s16  }
0x46: {  	s31 =	sshrl.u32 s17, $0x2;
	s17 =	sadd.s32 $0x0, s18  }
0x47: {  	s19 =	simm.s32 $0x4;
	s20 =	sadd.s32 $0x40, s20;
	s16 =	sor.u32 $0x4000, s31;
	[tilespmem:s17+$0x1830 ss:$0x81] =	vst.msk $0xffff, v3  }
.LBB1_3:
0x48: {  	v3 =	vld [tilespmem:s20+$0x10];
	p1 =	sne.s32 s19, $0x1FC;
	[tilespmem:s17+$0x810 ss:$0x81] =	vst.msk $0xffff, v2;
	s21 =	smov.u32 s19;
	s19 =	sadd.s32 $0x4, s19  }
.Ltmp3:
0x49: {  	v2 =	vld [tilespmem:s20+$0xFFFFFFF0];
	[tilespmem:s17+$0x1020 ss:$0x81] =	vst.msk $0xffff, v0;
	(pc) =	sbr.rel @p1 .LBB1_3-.Ltmp3, $4  }
0x4a: {  	v0 =	vld [tilespmem:s20+$0x0];
	[tilespmem:s17+$0x0 ss:$0x81] =	vst.msk $0xffff, v1  }
0x4b: {  	s17 =	sshra.s32 s21, $0x2;
	v1 =	vld [tilespmem:s20+$0xFFFFFFE0]  }
0x4c: {  	s17 =	sadd.s32 s17, s18  }
0x4d: {  	s20 =	sadd.s32 $0x40, s20;
	[tilespmem:s17+$0x1830 ss:$0x81] =	vst.msk $0xffff, v3  }
.Ltmp4:
0x4e: {  	_ = 	snop;
	(pc) =	sbr.rel .LBB1_4-.Ltmp4, $1  }
0x4f: {  	_ =	sdelay $0x3  }
.LBB1_6:
0x50: {  	_ =	sfence.sel $0x180000  }
0x51: {  	s2 =	simm.s32 $0x1;
	[bflag:$0x0] =	sbarrier.arrive $0xFFFF  }
0x52: {  	s31 =	simm.s32 $0x2;
	[sflag:s2] =	ssyncpa.u1 $0x1  }
0x53: {  	[sflag:s31] =	ssyncpa.u1 $0x1  }
0x54: {  	p0 =	sne.s32 s0, $0x0;
	_ =	strace $0x9000004A  }
0x55: {  	s0 =	sadd.s32 @!p0 $0x100000, s1;
	[bflag:$0x2] =	sbarrier.arrive $0xFFFF  }
0x56: {  	[sflag:s0] =	ssyncadd.tile.s32 @!p0 $0x1;
	_ =	shalt  }
.Lfunc_end1:
_tile_overlayer_lowered:
.L_overlay_start_2:
0x57: {  	(tag) =	ssettag $0x2  }
0x58: {  	s0 =	rddreg [dreg:$0x0];
	s2 =	stileid.u32  }
0x59: {  	s1 =	rddreg [dreg:$0x1];
	p0 =	sne.s32 s2, $0x0  }
0x5a: {  	s3 =	rddreg [dreg:$0x2];
	[bflag:$0x3] =	sbarrier.arrive $0xFFFF;
	s2 =	simm.s32 @!p0 $0x1C01  }
0x5b: {  	[timem:s3], [sflag:s2] =	dma.local @!p0 [hbm:s0], s1  }
0x5c: {  	s0 =	simm.s32 @!p0 $0x1  }
0x5d: {  	_ =	swait.ge @!p0 [sflag:s0], s1  }
0x5e: {  	s1 =	ssub.s32 @!p0 $0x0, s1;
	[sflag:s0] =	ssyncset.done @!p0 $0x0  }
0x5f: {  	[sflag:s0] =	ssyncadd.s32 @!p0 s1  }
0x60: {  	[bflag:$0x3] =	sbarrier.arrive $0xFFFF  }
0x61: {  	_ =	shalt  }

</sc_bundles>
